<compile_context>
chip_gen: v7x
topology: tpu7x:2x2x1
jax: 0.10.2.dev20260603
libtpu: 0.0.44.dev20260713+nightly
codegen_flags: <defaults>
</compile_context>

<pallas_src>
import functools

import jax
import jax.numpy as jnp
from jax import lax
from jax.experimental import pallas as pl
from jax.experimental.pallas import tpu as pltpu
from jax.experimental.pallas import tpu_sc as plsc

N = 10000
E = 320000
D = 128
DH = D // 2

NC = 2
NS = 16
CHUNK = 128
NBUF = 3
KAH = 1
NCH = -(-E // (NS * CHUNK * NBUF)) * NBUF
E_PAD = NCH * CHUNK * NS

N_PAD = 10240
RPT = N_PAD // NS
RPX = N // NS
PBITS = 14
PMASK = (1 << PBITS) - 1


def _make_sc_agg():
    mesh = plsc.VectorSubcoreMesh(core_axis_name="c", subcore_axis_name="s")

    @functools.partial(
        pl.kernel,
        mesh=mesh,
        out_type=jax.ShapeDtypeStruct((N_PAD, D), jnp.float32),
        scratch_types=[
            pltpu.VMEM((NCH, CHUNK), jnp.int32),
            pltpu.VMEM((NBUF, 1, CHUNK), jnp.int32),
            pltpu.VMEM((NBUF, 2, CHUNK // 2), jnp.int32),
            pltpu.VMEM((NBUF, CHUNK, DH), jnp.float32),
            pltpu.VMEM_SHARED((N, DH), jnp.float32),
            pltpu.VMEM_SHARED((N_PAD, DH), jnp.float32),
            [pltpu.SemaphoreType.DMA] * NBUF,
            [pltpu.SemaphoreType.DMA] * (2 * NBUF),
        ],
        compiler_params=pltpu.CompilerParams(use_tc_tiling_on_sc=False),
    )
    def sc_agg(x_hbm, ids_hbm, out_hbm,
               pk_v, unp, unpd, bufs, x_sh, acc_sh, gsems, ssems):
        c = lax.axis_index("c")
        s = lax.axis_index("s")

        def zbody(i, carry):
            r = i // (DH // 16)
            k = i - r * (DH // 16)
            bufs[0, r, pl.ds(k * 16, 16)] = jnp.zeros((16,), jnp.float32)
            return carry

        lax.fori_loop(0, CHUNK * (DH // 16), zbody, 0)
        for r5 in range(RPT // CHUNK):
            pltpu.sync_copy(bufs.at[0],
                            acc_sh.at[pl.ds(s * RPT + r5 * CHUNK, CHUNK)])
        pltpu.sync_copy(x_hbm.at[pl.ds(s * RPX, RPX), pl.ds(c * DH, DH)],
                        x_sh.at[pl.ds(s * RPX, RPX)])
        pltpu.sync_copy(ids_hbm.at[s], pk_v)
        plsc.subcore_barrier()

        def unpack(j, b):
            jc = jnp.minimum(jnp.int32(j), jnp.int32(NCH - 1))
            for k in range(CHUNK // 16):
                p = pk_v[jc, pl.ds(k * 16, 16)]
                unp[b, 0, pl.ds(k * 16, 16)] = lax.shift_right_logical(
                    p, PBITS)
                h, kk = divmod(k, CHUNK // 32)
                unpd[b, h, pl.ds(kk * 16, 16)] = lax.bitwise_and(
                    p, jnp.int32(PMASK))

        def gather(j, b):
            pltpu.async_copy(x_sh.at[unp.at[b, 0]], bufs.at[b], gsems[b])

        def gather_wait(j, b):
            pltpu.make_async_copy(x_sh.at[unp.at[b, 0]], bufs.at[b],
                                  gsems[b]).wait()

        def scatter(j, b):
            for h in range(2):
                pltpu.async_copy(bufs.at[b, pl.ds(h * (CHUNK // 2), CHUNK // 2)],
                                 acc_sh.at[unpd.at[b, h]],
                                 ssems[2 * b + h], add=True)

        def scatter_wait(j, b):
            for h in range(2):
                pltpu.make_async_copy(
                    bufs.at[b, pl.ds(h * (CHUNK // 2), CHUNK // 2)],
                    acc_sh.at[unpd.at[b, h]],
                    ssems[2 * b + h]).wait()

        for j in range(KAH):
            unpack(j, j)
            gather(j, j)
        for j in range(NBUF - KAH):
            b, bg = j % NBUF, (j + KAH) % NBUF
            unpack(j + KAH, bg)
            gather(j + KAH, bg)
            gather_wait(j, b)
            scatter(j, b)
        for j in range(NBUF - KAH, NBUF):
            b, bg = j % NBUF, (j + KAH) % NBUF
            scatter_wait(j + KAH - NBUF, bg)
            unpack(j + KAH, bg)
            gather(j + KAH, bg)
            gather_wait(j, b)
            scatter(j, b)

        def body(t, carry):
            for r in range(NBUF):
                j = t * NBUF + r
                bg = (r + KAH) % NBUF
                scatter_wait(j + KAH - NBUF, bg)
                unpack(j + KAH, bg)
                gather(j + KAH, bg)
                gather_wait(j, r)
                scatter(j, r)
            return carry

        lax.fori_loop(1, NCH // NBUF, body, 0)
        for j in range(NCH, NCH + KAH):
            gather_wait(j, j % NBUF)
        for j in range(NCH + KAH - NBUF, NCH):
            scatter_wait(j, j % NBUF)
        plsc.subcore_barrier()

        pltpu.sync_copy(acc_sh.at[pl.ds(s * RPT, RPT)],
                        out_hbm.at[pl.ds(s * RPT, RPT), pl.ds(c * DH, DH)])

    return sc_agg


_sc_agg = _make_sc_agg()


_EPW = NCH * CHUNK


def _pack_body(e_ref, o_ref):
    w = pl.program_id(0)
    e = e_ref[...]
    src = e[0:1, :]
    dst = e[1:2, :]
    pos = w * _EPW + jax.lax.broadcasted_iota(jnp.int32, (1, _EPW), 1)
    p = jnp.where(pos < E,
                  lax.shift_left(src, PBITS) | dst,
                  jnp.int32(N))
    o_ref[...] = p.reshape(1, NCH, CHUNK)


_pack = pl.pallas_call(
    _pack_body,
    grid=(NS,),
    in_specs=[pl.BlockSpec((2, _EPW), lambda w: (0, w))],
    out_specs=pl.BlockSpec((1, NCH, CHUNK), lambda w: (w, 0, 0)),
    out_shape=jax.ShapeDtypeStruct((NS, NCH, CHUNK), jnp.int32),
)


def _epilogue_body(p_ref, deg_ref, w_ref, b_ref, o_ref):
    ssum = p_ref[...] / deg_ref[...]
    o_ref[...] = lax.dot_general(
        ssum, w_ref[...], (((1,), (1,)), ((), ())),
        preferred_element_type=jnp.float32) + b_ref[...]


_BM = 2000

_epilogue = pl.pallas_call(
    _epilogue_body,
    grid=(N // _BM,),
    in_specs=[
        pl.BlockSpec((_BM, D), lambda i: (i, 0)),
        pl.BlockSpec((_BM, 1), lambda i: (i, 0)),
        pl.BlockSpec((D, D), lambda i: (0, 0)),
        pl.BlockSpec((1, D), lambda i: (0, 0)),
    ],
    out_specs=pl.BlockSpec((_BM, D), lambda i: (i, 0)),
    out_shape=jax.ShapeDtypeStruct((N, D), jnp.float32),
)


def kernel(x, edge_index, node_degrees, W, b):
    ids = _pack(edge_index)

    parts = _sc_agg(x, ids)

    return _epilogue(parts, node_degrees.reshape(N, 1), W, b.reshape(1, D))

# --- scband reference (transcript-rebuilt; emitter-appended) ---
"""Pipeline reference for scband-onnxsageconv-70583492543063 (READ-ONLY COPY).

The authoritative reference and input builder live on the scoring server;
editing this copy changes nothing except your own understanding.
"""

import jax, jax.numpy as jnp
import numpy as np

N = 10000
E = 320000
D = 128

def setup_inputs(seed: int = 0) -> dict:
    key = jax.random.key(seed)
    k1, k2, k3, k4 = jax.random.split(key, 4)
    x = jax.random.normal(k1, (N, D), dtype=jnp.float32)
    edge_index = jax.random.randint(k2, (2, E), 0, N, dtype=jnp.int32)
    node_degrees = jnp.ones((N,), dtype=jnp.float32)
    # nn.Linear(in_dim=128, out_dim=128) parameters
    lim = 1.0 / np.sqrt(D)
    W = jax.random.uniform(k3, (D, D), dtype=jnp.float32, minval=-lim, maxval=lim)
    b = jax.random.uniform(k4, (D,), dtype=jnp.float32, minval=-lim, maxval=lim)
    return {"x": x, "edge_index": edge_index, "node_degrees": node_degrees, "W": W, "b": b}

def reference(x, edge_index, node_degrees, W, b):
    num_nodes = x.shape[0]
    out_dim = x.shape[1]
    src_idx = edge_index[0]
    dst_idx = edge_index[1]
    neighbor_features = x[src_idx]
    sorted_indices = jnp.argsort(dst_idx)
    sorted_dst = dst_idx[sorted_indices]
    sorted_features = neighbor_features[sorted_indices]
    diff_mask = sorted_dst[1:] != sorted_dst[:-1]
    boundaries = jnp.concatenate([jnp.ones((1,), dtype=bool), diff_mask])
    ends_mask = jnp.concatenate([diff_mask, jnp.ones((1,), dtype=bool)])
    cumsum_features = jnp.cumsum(sorted_features, axis=0)
    num_edges = sorted_dst.shape[0]
    pos = jnp.arange(num_edges, dtype=jnp.int32)
    start_pos = jax.lax.cummax(jnp.where(boundaries, pos, 0))
    cumsum_before_start = cumsum_features[jnp.maximum(start_pos - 1, 0)]
    cumsum_at_starts = jnp.where((start_pos > 0)[:, None], cumsum_before_start, jnp.zeros((1, out_dim), dtype=x.dtype))
    group_sums = cumsum_features - cumsum_at_starts
    scatter_idx = jnp.where(ends_mask, sorted_dst, num_nodes)
    out = jnp.zeros((num_nodes, out_dim), dtype=x.dtype).at[scatter_idx].set(group_sums, mode='drop')
    row_sum = node_degrees[:, None]
    out = out / row_sum
    out = out @ W.T + b
    return out

if __name__ == "__main__":
    import jax
    _d = setup_inputs()
    print(jax.jit(kernel)(*tuple(_d.values())))

</pallas_src>

<mosaic_0001>
#map = affine_map<(d0, d1) -> (0, 0)>
#map1 = affine_map<(d0, d1) -> (0, 0, 0)>
module attributes {stable_mosaic.version = 14 : i64} {
  func.func @sc_agg(%arg0: i32, %arg1: i32, %arg2: memref<10000x128xf32, #tpu.memory_space<hbm>>, %arg3: memref<16x159x128xi32, #tpu.memory_space<hbm>>, %arg4: memref<10240x128xf32, #tpu.memory_space<hbm>>, %arg5: memref<159x128xi32, #tpu.memory_space<vmem>>, %arg6: memref<3x1x128xi32, #tpu.memory_space<vmem>>, %arg7: memref<3x2x64xi32, #tpu.memory_space<vmem>>, %arg8: memref<3x128x64xf32, #tpu.memory_space<vmem>>, %arg9: memref<10000x64xf32, #tpu.memory_space<vmem_shared>>, %arg10: memref<10240x64xf32, #tpu.memory_space<vmem_shared>>, %arg11: memref<!tpu.dma_semaphore, #tpu.memory_space<semaphore_mem>>, %arg12: memref<!tpu.dma_semaphore, #tpu.memory_space<semaphore_mem>>, %arg13: memref<!tpu.dma_semaphore, #tpu.memory_space<semaphore_mem>>, %arg14: memref<!tpu.dma_semaphore, #tpu.memory_space<semaphore_mem>>, %arg15: memref<!tpu.dma_semaphore, #tpu.memory_space<semaphore_mem>>, %arg16: memref<!tpu.dma_semaphore, #tpu.memory_space<semaphore_mem>>, %arg17: memref<!tpu.dma_semaphore, #tpu.memory_space<semaphore_mem>>, %arg18: memref<!tpu.dma_semaphore, #tpu.memory_space<semaphore_mem>>, %arg19: memref<!tpu.dma_semaphore, #tpu.memory_space<semaphore_mem>>) attributes {dimension_semantics = [#tpu.dimension_semantics<core_parallel>, #tpu.dimension_semantics<subcore_parallel>], iteration_bounds = array<i64: 2, 16>, scalar_prefetch = 0 : i64, scratch_operands = 15 : i64, tpu.core_type = #tpu.core_type<sc_vector_subcore>, window_params = [{transform_indices = #map}, {transform_indices = #map1}, {transform_indices = #map}]} {
    %scan3A = arith.constant 0 : i32
    %scan3A_0 = arith.constant 0 : i32
    %scan3A_1 = arith.constant 512 : i32
    %scan3A_2 = arith.addi %scan3A_0, %scan3A_1 : i32
    %scan3A_3 = arith.constant 1 : i32
    scf.for %scan3A_1143 = %scan3A_0 to %scan3A_2 step %scan3A_3  : i32 {
      %jit3A = arith.constant 4 : i32
      %div3A = arith.divsi %scan3A_1143, %jit3A : i32
      %sign3A = arith.constant 0 : i32
      %sign3A_1144 = arith.cmpi sgt, %scan3A_1143, %sign3A : i32
      %sign3A_1145 = arith.extui %sign3A_1144 : i1 to i32
      %sign3A_1146 = arith.constant 0 : i32
      %sign3A_1147 = arith.cmpi slt, %scan3A_1143, %sign3A_1146 : i32
      %sign3A_1148 = arith.extui %sign3A_1147 : i1 to i32
      %sign3A_1149 = arith.subi %sign3A_1145, %sign3A_1148 : i32
      %sign3A_1150 = arith.constant 0 : i32
      %sign3A_1151 = arith.cmpi sgt, %jit3A, %sign3A_1150 : i32
      %sign3A_1152 = arith.extui %sign3A_1151 : i1 to i32
      %sign3A_1153 = arith.constant 0 : i32
      %sign3A_1154 = arith.cmpi slt, %jit3A, %sign3A_1153 : i32
      %sign3A_1155 = arith.extui %sign3A_1154 : i1 to i32
      %sign3A_1156 = arith.subi %sign3A_1152, %sign3A_1155 : i32
      %ne3A = arith.cmpi ne, %sign3A_1149, %sign3A_1156 : i32
      %rem3A = arith.remsi %scan3A_1143, %jit3A : i32
      %ne3A_1157 = arith.constant 0 : i32
      %ne3A_1158 = arith.cmpi ne, %rem3A, %ne3A_1157 : i32
      %and3A_1159 = arith.andi %ne3A, %ne3A_1158 : i1
      %sub3A = arith.constant 1 : i32
      %sub3A_1160 = arith.subi %div3A, %sub3A : i32
      %select_n3A = arith.select %and3A_1159, %sub3A_1160, %div3A : i32
      %mul3A_1161 = arith.constant 4 : i32
      %mul3A_1162 = arith.muli %select_n3A, %mul3A_1161 : i32
      %sub3A_1163 = arith.subi %scan3A_1143, %mul3A_1162 : i32
      %broadcast_in_dim3A = arith.constant 0.000000e+00 : f32
      %broadcast_in_dim3A_1164 = vector.broadcast %broadcast_in_dim3A : f32 to vector<16xf32>
      %mul3A_1165 = arith.constant 16 : i32
      %mul3A_1166 = arith.muli %sub3A_1163, %mul3A_1165 : i32
      %swap3A_1167 = arith.constant 0 : i32
      %swap3A_1168 = arith.index_cast %swap3A_1167 : i32 to index
      %swap3A_1169 = arith.index_cast %select_n3A : i32 to index
      %swap3A_1170 = arith.index_cast %mul3A_1166 : i32 to index
      %swap3A_1171 = tpu.vector_load %arg8[%swap3A_1168, %swap3A_1169, %swap3A_1170] {strides = array<i32>} : memref<3x128x64xf32, #tpu.memory_space<vmem>>, vector<1x1x16xf32>,
      %swap3A_1172 = vector.shape_cast %swap3A_1171 : vector<1x1x16xf32> to vector<16xf32>
      %swap3A_1173 = vector.shape_cast %broadcast_in_dim3A_1164 : vector<16xf32> to vector<1x1x16xf32>
      tpu.vector_store %arg8[%swap3A_1168, %swap3A_1169, %swap3A_1170], %swap3A_1173 {strides = array<i32>} : memref<3x128x64xf32, #tpu.memory_space<vmem>>, vector<1x1x16xf32>,
    }
    %scan3A_4 = arith.constant 512 : i32
    %mul3A = arith.constant 640 : i32
    %mul3A_5 = arith.muli %arg1, %mul3A : i32
    %add3A = arith.constant 0 : i32
    %add3A_6 = arith.addi %mul3A_5, %add3A : i32
    %run_scoped3A = arith.constant 0 : i32
    "tpu.region"() ({
      %run_scoped3A_1143 = tpu.sem_alloc : memref<!tpu.dma_semaphore, #tpu.memory_space<semaphore_mem>>
      %dma_start3A_1144 = arith.constant 0 : i32
      %dma_start3A_1145 = arith.constant 0 : i32
      %dma_start3A_1146 = tpu.memref_slice %arg8[%run_scoped3A, %dma_start3A_1144, %dma_start3A_1145] : memref<3x128x64xf32, #tpu.memory_space<vmem>> -> memref<1x128x64xf32, #tpu.memory_space<vmem>>
      %dma_start3A_1147 = tpu.memref_squeeze %dma_start3A_1146 : memref<1x128x64xf32, #tpu.memory_space<vmem>> -> memref<128x64xf32, #tpu.memory_space<vmem>>
      %dma_start3A_1148 = arith.constant 0 : i32
      %dma_start3A_1149 = tpu.memref_slice %arg10[%add3A_6, %dma_start3A_1148] : memref<10240x64xf32, #tpu.memory_space<vmem_shared>> -> memref<128x64xf32, #tpu.memory_space<vmem_shared>>
      %dma_start3A_1150 = arith.constant 0 : i32
      %dma_start3A_1151 = tpu.memref_slice %arg10[%add3A_6, %dma_start3A_1150] : memref<10240x64xf32, #tpu.memory_space<vmem_shared>> -> memref<128x64xf32, #tpu.memory_space<vmem_shared>>
      %dma_start3A_1152 = arith.constant 0 : i32
      %dma_start3A_1153 = arith.constant 0 : i32
      %dma_start3A_1154 = tpu.memref_slice %arg8[%run_scoped3A, %dma_start3A_1152, %dma_start3A_1153] : memref<3x128x64xf32, #tpu.memory_space<vmem>> -> memref<1x128x64xf32, #tpu.memory_space<vmem>>
      %dma_start3A_1155 = tpu.memref_squeeze %dma_start3A_1154 : memref<1x128x64xf32, #tpu.memory_space<vmem>> -> memref<128x64xf32, #tpu.memory_space<vmem>>
      tpu.enqueue_dma source(%dma_start3A_1155 : memref<128x64xf32, #tpu.memory_space<vmem>>) target(%dma_start3A_1151 : memref<128x64xf32, #tpu.memory_space<vmem_shared>>) target_semaphore(%run_scoped3A_1143 : memref<!tpu.dma_semaphore, #tpu.memory_space<semaphore_mem>>)
      %dma_wait3A_1156 = arith.constant 0 : i32
      %dma_wait3A_1157 = arith.constant 0 : i32
      %dma_wait3A_1158 = tpu.memref_slice %arg8[%run_scoped3A, %dma_wait3A_1156, %dma_wait3A_1157] : memref<3x128x64xf32, #tpu.memory_space<vmem>> -> memref<1x128x64xf32, #tpu.memory_space<vmem>>
      %dma_wait3A_1159 = tpu.memref_squeeze %dma_wait3A_1158 : memref<1x128x64xf32, #tpu.memory_space<vmem>> -> memref<128x64xf32, #tpu.memory_space<vmem>>
      %dma_wait3A_1160 = arith.constant 0 : i32
      %dma_wait3A_1161 = tpu.memref_slice %arg10[%add3A_6, %dma_wait3A_1160] : memref<10240x64xf32, #tpu.memory_space<vmem_shared>> -> memref<128x64xf32, #tpu.memory_space<vmem_shared>>
      %dma_wait3A_1162 = arith.constant 0 : i32
      %dma_wait3A_1163 = tpu.memref_slice %arg10[%add3A_6, %dma_wait3A_1162] : memref<10240x64xf32, #tpu.memory_space<vmem_shared>> -> memref<128x64xf32, #tpu.memory_space<vmem_shared>>
      %dma_wait3A_1164 = arith.constant 0 : i32
      %dma_wait3A_1165 = arith.constant 0 : i32
      %dma_wait3A_1166 = tpu.memref_slice %arg8[%run_scoped3A, %dma_wait3A_1164, %dma_wait3A_1165] : memref<3x128x64xf32, #tpu.memory_space<vmem>> -> memref<1x128x64xf32, #tpu.memory_space<vmem>>
      %dma_wait3A_1167 = tpu.memref_squeeze %dma_wait3A_1166 : memref<1x128x64xf32, #tpu.memory_space<vmem>> -> memref<128x64xf32, #tpu.memory_space<vmem>>
      tpu.wait_dma2 semaphore(%run_scoped3A_1143 : memref<!tpu.dma_semaphore, #tpu.memory_space<semaphore_mem>>) src(%dma_wait3A_1167 : memref<128x64xf32, #tpu.memory_space<vmem>>) dst(%dma_wait3A_1163 : memref<128x64xf32, #tpu.memory_space<vmem_shared>>)
      tpu.yield
    }) : () -> ()
    %mul3A_7 = arith.constant 640 : i32
    %mul3A_8 = arith.muli %arg1, %mul3A_7 : i32
    %add3A_9 = arith.constant 128 : i32
    %add3A_10 = arith.addi %mul3A_8, %add3A_9 : i32
    %run_scoped3A_11 = arith.constant 0 : i32
    "tpu.region"() ({
      %run_scoped3A_1143 = tpu.sem_alloc : memref<!tpu.dma_semaphore, #tpu.memory_space<semaphore_mem>>
      %dma_start3A_1144 = arith.constant 0 : i32
      %dma_start3A_1145 = arith.constant 0 : i32
      %dma_start3A_1146 = tpu.memref_slice %arg8[%run_scoped3A_11, %dma_start3A_1144, %dma_start3A_1145] : memref<3x128x64xf32, #tpu.memory_space<vmem>> -> memref<1x128x64xf32, #tpu.memory_space<vmem>>
      %dma_start3A_1147 = tpu.memref_squeeze %dma_start3A_1146 : memref<1x128x64xf32, #tpu.memory_space<vmem>> -> memref<128x64xf32, #tpu.memory_space<vmem>>
      %dma_start3A_1148 = arith.constant 0 : i32
      %dma_start3A_1149 = tpu.memref_slice %arg10[%add3A_10, %dma_start3A_1148] : memref<10240x64xf32, #tpu.memory_space<vmem_shared>> -> memref<128x64xf32, #tpu.memory_space<vmem_shared>>
      %dma_start3A_1150 = arith.constant 0 : i32
      %dma_start3A_1151 = tpu.memref_slice %arg10[%add3A_10, %dma_start3A_1150] : memref<10240x64xf32, #tpu.memory_space<vmem_shared>> -> memref<128x64xf32, #tpu.memory_space<vmem_shared>>
      %dma_start3A_1152 = arith.constant 0 : i32
      %dma_start3A_1153 = arith.constant 0 : i32
      %dma_start3A_1154 = tpu.memref_slice %arg8[%run_scoped3A_11, %dma_start3A_1152, %dma_start3A_1153] : memref<3x128x64xf32, #tpu.memory_space<vmem>> -> memref<1x128x64xf32, #tpu.memory_space<vmem>>
      %dma_start3A_1155 = tpu.memref_squeeze %dma_start3A_1154 : memref<1x128x64xf32, #tpu.memory_space<vmem>> -> memref<128x64xf32, #tpu.memory_space<vmem>>
      tpu.enqueue_dma source(%dma_start3A_1155 : memref<128x64xf32, #tpu.memory_space<vmem>>) target(%dma_start3A_1151 : memref<128x64xf32, #tpu.memory_space<vmem_shared>>) target_semaphore(%run_scoped3A_1143 : memref<!tpu.dma_semaphore, #tpu.memory_space<semaphore_mem>>)
      %dma_wait3A_1156 = arith.constant 0 : i32
      %dma_wait3A_1157 = arith.constant 0 : i32
      %dma_wait3A_1158 = tpu.memref_slice %arg8[%run_scoped3A_11, %dma_wait3A_1156, %dma_wait3A_1157] : memref<3x128x64xf32, #tpu.memory_space<vmem>> -> memref<1x128x64xf32, #tpu.memory_space<vmem>>
      %dma_wait3A_1159 = tpu.memref_squeeze %dma_wait3A_1158 : memref<1x128x64xf32, #tpu.memory_space<vmem>> -> memref<128x64xf32, #tpu.memory_space<vmem>>
      %dma_wait3A_1160 = arith.constant 0 : i32
      %dma_wait3A_1161 = tpu.memref_slice %arg10[%add3A_10, %dma_wait3A_1160] : memref<10240x64xf32, #tpu.memory_space<vmem_shared>> -> memref<128x64xf32, #tpu.memory_space<vmem_shared>>
      %dma_wait3A_1162 = arith.constant 0 : i32
      %dma_wait3A_1163 = tpu.memref_slice %arg10[%add3A_10, %dma_wait3A_1162] : memref<10240x64xf32, #tpu.memory_space<vmem_shared>> -> memref<128x64xf32, #tpu.memory_space<vmem_shared>>
      %dma_wait3A_1164 = arith.constant 0 : i32
      %dma_wait3A_1165 = arith.constant 0 : i32
      %dma_wait3A_1166 = tpu.memref_slice %arg8[%run_scoped3A_11, %dma_wait3A_1164, %dma_wait3A_1165] : memref<3x128x64xf32, #tpu.memory_space<vmem>> -> memref<1x128x64xf32, #tpu.memory_space<vmem>>
      %dma_wait3A_1167 = tpu.memref_squeeze %dma_wait3A_1166 : memref<1x128x64xf32, #tpu.memory_space<vmem>> -> memref<128x64xf32, #tpu.memory_space<vmem>>
      tpu.wait_dma2 semaphore(%run_scoped3A_1143 : memref<!tpu.dma_semaphore, #tpu.memory_space<semaphore_mem>>) src(%dma_wait3A_1167 : memref<128x64xf32, #tpu.memory_space<vmem>>) dst(%dma_wait3A_1163 : memref<128x64xf32, #tpu.memory_space<vmem_shared>>)
      tpu.yield
    }) : () -> ()
    %mul3A_12 = arith.constant 640 : i32
    %mul3A_13 = arith.muli %arg1, %mul3A_12 : i32
    %add3A_14 = arith.constant 256 : i32
    %add3A_15 = arith.addi %mul3A_13, %add3A_14 : i32
    %run_scoped3A_16 = arith.constant 0 : i32
    "tpu.region"() ({
      %run_scoped3A_1143 = tpu.sem_alloc : memref<!tpu.dma_semaphore, #tpu.memory_space<semaphore_mem>>
      %dma_start3A_1144 = arith.constant 0 : i32
      %dma_start3A_1145 = arith.constant 0 : i32
      %dma_start3A_1146 = tpu.memref_slice %arg8[%run_scoped3A_16, %dma_start3A_1144, %dma_start3A_1145] : memref<3x128x64xf32, #tpu.memory_space<vmem>> -> memref<1x128x64xf32, #tpu.memory_space<vmem>>
      %dma_start3A_1147 = tpu.memref_squeeze %dma_start3A_1146 : memref<1x128x64xf32, #tpu.memory_space<vmem>> -> memref<128x64xf32, #tpu.memory_space<vmem>>
      %dma_start3A_1148 = arith.constant 0 : i32
      %dma_start3A_1149 = tpu.memref_slice %arg10[%add3A_15, %dma_start3A_1148] : memref<10240x64xf32, #tpu.memory_space<vmem_shared>> -> memref<128x64xf32, #tpu.memory_space<vmem_shared>>
      %dma_start3A_1150 = arith.constant 0 : i32
      %dma_start3A_1151 = tpu.memref_slice %arg10[%add3A_15, %dma_start3A_1150] : memref<10240x64xf32, #tpu.memory_space<vmem_shared>> -> memref<128x64xf32, #tpu.memory_space<vmem_shared>>
      %dma_start3A_1152 = arith.constant 0 : i32
      %dma_start3A_1153 = arith.constant 0 : i32
      %dma_start3A_1154 = tpu.memref_slice %arg8[%run_scoped3A_16, %dma_start3A_1152, %dma_start3A_1153] : memref<3x128x64xf32, #tpu.memory_space<vmem>> -> memref<1x128x64xf32, #tpu.memory_space<vmem>>
      %dma_start3A_1155 = tpu.memref_squeeze %dma_start3A_1154 : memref<1x128x64xf32, #tpu.memory_space<vmem>> -> memref<128x64xf32, #tpu.memory_space<vmem>>
      tpu.enqueue_dma source(%dma_start3A_1155 : memref<128x64xf32, #tpu.memory_space<vmem>>) target(%dma_start3A_1151 : memref<128x64xf32, #tpu.memory_space<vmem_shared>>) target_semaphore(%run_scoped3A_1143 : memref<!tpu.dma_semaphore, #tpu.memory_space<semaphore_mem>>)
      %dma_wait3A_1156 = arith.constant 0 : i32
      %dma_wait3A_1157 = arith.constant 0 : i32
      %dma_wait3A_1158 = tpu.memref_slice %arg8[%run_scoped3A_16, %dma_wait3A_1156, %dma_wait3A_1157] : memref<3x128x64xf32, #tpu.memory_space<vmem>> -> memref<1x128x64xf32, #tpu.memory_space<vmem>>
      %dma_wait3A_1159 = tpu.memref_squeeze %dma_wait3A_1158 : memref<1x128x64xf32, #tpu.memory_space<vmem>> -> memref<128x64xf32, #tpu.memory_space<vmem>>
      %dma_wait3A_1160 = arith.constant 0 : i32
      %dma_wait3A_1161 = tpu.memref_slice %arg10[%add3A_15, %dma_wait3A_1160] : memref<10240x64xf32, #tpu.memory_space<vmem_shared>> -> memref<128x64xf32, #tpu.memory_space<vmem_shared>>
      %dma_wait3A_1162 = arith.constant 0 : i32
      %dma_wait3A_1163 = tpu.memref_slice %arg10[%add3A_15, %dma_wait3A_1162] : memref<10240x64xf32, #tpu.memory_space<vmem_shared>> -> memref<128x64xf32, #tpu.memory_space<vmem_shared>>
      %dma_wait3A_1164 = arith.constant 0 : i32
      %dma_wait3A_1165 = arith.constant 0 : i32
      %dma_wait3A_1166 = tpu.memref_slice %arg8[%run_scoped3A_16, %dma_wait3A_1164, %dma_wait3A_1165] : memref<3x128x64xf32, #tpu.memory_space<vmem>> -> memref<1x128x64xf32, #tpu.memory_space<vmem>>
      %dma_wait3A_1167 = tpu.memref_squeeze %dma_wait3A_1166 : memref<1x128x64xf32, #tpu.memory_space<vmem>> -> memref<128x64xf32, #tpu.memory_space<vmem>>
      tpu.wait_dma2 semaphore(%run_scoped3A_1143 : memref<!tpu.dma_semaphore, #tpu.memory_space<semaphore_mem>>) src(%dma_wait3A_1167 : memref<128x64xf32, #tpu.memory_space<vmem>>) dst(%dma_wait3A_1163 : memref<128x64xf32, #tpu.memory_space<vmem_shared>>)
      tpu.yield
    }) : () -> ()
    %mul3A_17 = arith.constant 640 : i32
    %mul3A_18 = arith.muli %arg1, %mul3A_17 : i32
    %add3A_19 = arith.constant 384 : i32
    %add3A_20 = arith.addi %mul3A_18, %add3A_19 : i32
    %run_scoped3A_21 = arith.constant 0 : i32
    "tpu.region"() ({
      %run_scoped3A_1143 = tpu.sem_alloc : memref<!tpu.dma_semaphore, #tpu.memory_space<semaphore_mem>>
      %dma_start3A_1144 = arith.constant 0 : i32
      %dma_start3A_1145 = arith.constant 0 : i32
      %dma_start3A_1146 = tpu.memref_slice %arg8[%run_scoped3A_21, %dma_start3A_1144, %dma_start3A_1145] : memref<3x128x64xf32, #tpu.memory_space<vmem>> -> memref<1x128x64xf32, #tpu.memory_space<vmem>>
      %dma_start3A_1147 = tpu.memref_squeeze %dma_start3A_1146 : memref<1x128x64xf32, #tpu.memory_space<vmem>> -> memref<128x64xf32, #tpu.memory_space<vmem>>
      %dma_start3A_1148 = arith.constant 0 : i32
      %dma_start3A_1149 = tpu.memref_slice %arg10[%add3A_20, %dma_start3A_1148] : memref<10240x64xf32, #tpu.memory_space<vmem_shared>> -> memref<128x64xf32, #tpu.memory_space<vmem_shared>>
      %dma_start3A_1150 = arith.constant 0 : i32
      %dma_start3A_1151 = tpu.memref_slice %arg10[%add3A_20, %dma_start3A_1150] : memref<10240x64xf32, #tpu.memory_space<vmem_shared>> -> memref<128x64xf32, #tpu.memory_space<vmem_shared>>
      %dma_start3A_1152 = arith.constant 0 : i32
      %dma_start3A_1153 = arith.constant 0 : i32
      %dma_start3A_1154 = tpu.memref_slice %arg8[%run_scoped3A_21, %dma_start3A_1152, %dma_start3A_1153] : memref<3x128x64xf32, #tpu.memory_space<vmem>> -> memref<1x128x64xf32, #tpu.memory_space<vmem>>
      %dma_start3A_1155 = tpu.memref_squeeze %dma_start3A_1154 : memref<1x128x64xf32, #tpu.memory_space<vmem>> -> memref<128x64xf32, #tpu.memory_space<vmem>>
      tpu.enqueue_dma source(%dma_start3A_1155 : memref<128x64xf32, #tpu.memory_space<vmem>>) target(%dma_start3A_1151 : memref<128x64xf32, #tpu.memory_space<vmem_shared>>) target_semaphore(%run_scoped3A_1143 : memref<!tpu.dma_semaphore, #tpu.memory_space<semaphore_mem>>)
      %dma_wait3A_1156 = arith.constant 0 : i32
      %dma_wait3A_1157 = arith.constant 0 : i32
      %dma_wait3A_1158 = tpu.memref_slice %arg8[%run_scoped3A_21, %dma_wait3A_1156, %dma_wait3A_1157] : memref<3x128x64xf32, #tpu.memory_space<vmem>> -> memref<1x128x64xf32, #tpu.memory_space<vmem>>
      %dma_wait3A_1159 = tpu.memref_squeeze %dma_wait3A_1158 : memref<1x128x64xf32, #tpu.memory_space<vmem>> -> memref<128x64xf32, #tpu.memory_space<vmem>>
      %dma_wait3A_1160 = arith.constant 0 : i32
      %dma_wait3A_1161 = tpu.memref_slice %arg10[%add3A_20, %dma_wait3A_1160] : memref<10240x64xf32, #tpu.memory_space<vmem_shared>> -> memref<128x64xf32, #tpu.memory_space<vmem_shared>>
      %dma_wait3A_1162 = arith.constant 0 : i32
      %dma_wait3A_1163 = tpu.memref_slice %arg10[%add3A_20, %dma_wait3A_1162] : memref<10240x64xf32, #tpu.memory_space<vmem_shared>> -> memref<128x64xf32, #tpu.memory_space<vmem_shared>>
      %dma_wait3A_1164 = arith.constant 0 : i32
      %dma_wait3A_1165 = arith.constant 0 : i32
      %dma_wait3A_1166 = tpu.memref_slice %arg8[%run_scoped3A_21, %dma_wait3A_1164, %dma_wait3A_1165] : memref<3x128x64xf32, #tpu.memory_space<vmem>> -> memref<1x128x64xf32, #tpu.memory_space<vmem>>
      %dma_wait3A_1167 = tpu.memref_squeeze %dma_wait3A_1166 : memref<1x128x64xf32, #tpu.memory_space<vmem>> -> memref<128x64xf32, #tpu.memory_space<vmem>>
      tpu.wait_dma2 semaphore(%run_scoped3A_1143 : memref<!tpu.dma_semaphore, #tpu.memory_space<semaphore_mem>>) src(%dma_wait3A_1167 : memref<128x64xf32, #tpu.memory_space<vmem>>) dst(%dma_wait3A_1163 : memref<128x64xf32, #tpu.memory_space<vmem_shared>>)
      tpu.yield
    }) : () -> ()
    %mul3A_22 = arith.constant 640 : i32
    %mul3A_23 = arith.muli %arg1, %mul3A_22 : i32
    %add3A_24 = arith.constant 512 : i32
    %add3A_25 = arith.addi %mul3A_23, %add3A_24 : i32
    %run_scoped3A_26 = arith.constant 0 : i32
    "tpu.region"() ({
      %run_scoped3A_1143 = tpu.sem_alloc : memref<!tpu.dma_semaphore, #tpu.memory_space<semaphore_mem>>
      %dma_start3A_1144 = arith.constant 0 : i32
      %dma_start3A_1145 = arith.constant 0 : i32
      %dma_start3A_1146 = tpu.memref_slice %arg8[%run_scoped3A_26, %dma_start3A_1144, %dma_start3A_1145] : memref<3x128x64xf32, #tpu.memory_space<vmem>> -> memref<1x128x64xf32, #tpu.memory_space<vmem>>
      %dma_start3A_1147 = tpu.memref_squeeze %dma_start3A_1146 : memref<1x128x64xf32, #tpu.memory_space<vmem>> -> memref<128x64xf32, #tpu.memory_space<vmem>>
      %dma_start3A_1148 = arith.constant 0 : i32
      %dma_start3A_1149 = tpu.memref_slice %arg10[%add3A_25, %dma_start3A_1148] : memref<10240x64xf32, #tpu.memory_space<vmem_shared>> -> memref<128x64xf32, #tpu.memory_space<vmem_shared>>
      %dma_start3A_1150 = arith.constant 0 : i32
      %dma_start3A_1151 = tpu.memref_slice %arg10[%add3A_25, %dma_start3A_1150] : memref<10240x64xf32, #tpu.memory_space<vmem_shared>> -> memref<128x64xf32, #tpu.memory_space<vmem_shared>>
      %dma_start3A_1152 = arith.constant 0 : i32
      %dma_start3A_1153 = arith.constant 0 : i32
      %dma_start3A_1154 = tpu.memref_slice %arg8[%run_scoped3A_26, %dma_start3A_1152, %dma_start3A_1153] : memref<3x128x64xf32, #tpu.memory_space<vmem>> -> memref<1x128x64xf32, #tpu.memory_space<vmem>>
      %dma_start3A_1155 = tpu.memref_squeeze %dma_start3A_1154 : memref<1x128x64xf32, #tpu.memory_space<vmem>> -> memref<128x64xf32, #tpu.memory_space<vmem>>
      tpu.enqueue_dma source(%dma_start3A_1155 : memref<128x64xf32, #tpu.memory_space<vmem>>) target(%dma_start3A_1151 : memref<128x64xf32, #tpu.memory_space<vmem_shared>>) target_semaphore(%run_scoped3A_1143 : memref<!tpu.dma_semaphore, #tpu.memory_space<semaphore_mem>>)
      %dma_wait3A_1156 = arith.constant 0 : i32
      %dma_wait3A_1157 = arith.constant 0 : i32
      %dma_wait3A_1158 = tpu.memref_slice %arg8[%run_scoped3A_26, %dma_wait3A_1156, %dma_wait3A_1157] : memref<3x128x64xf32, #tpu.memory_space<vmem>> -> memref<1x128x64xf32, #tpu.memory_space<vmem>>
      %dma_wait3A_1159 = tpu.memref_squeeze %dma_wait3A_1158 : memref<1x128x64xf32, #tpu.memory_space<vmem>> -> memref<128x64xf32, #tpu.memory_space<vmem>>
      %dma_wait3A_1160 = arith.constant 0 : i32
      %dma_wait3A_1161 = tpu.memref_slice %arg10[%add3A_25, %dma_wait3A_1160] : memref<10240x64xf32, #tpu.memory_space<vmem_shared>> -> memref<128x64xf32, #tpu.memory_space<vmem_shared>>
      %dma_wait3A_1162 = arith.constant 0 : i32
      %dma_wait3A_1163 = tpu.memref_slice %arg10[%add3A_25, %dma_wait3A_1162] : memref<10240x64xf32, #tpu.memory_space<vmem_shared>> -> memref<128x64xf32, #tpu.memory_space<vmem_shared>>
      %dma_wait3A_1164 = arith.constant 0 : i32
      %dma_wait3A_1165 = arith.constant 0 : i32
      %dma_wait3A_1166 = tpu.memref_slice %arg8[%run_scoped3A_26, %dma_wait3A_1164, %dma_wait3A_1165] : memref<3x128x64xf32, #tpu.memory_space<vmem>> -> memref<1x128x64xf32, #tpu.memory_space<vmem>>
      %dma_wait3A_1167 = tpu.memref_squeeze %dma_wait3A_1166 : memref<1x128x64xf32, #tpu.memory_space<vmem>> -> memref<128x64xf32, #tpu.memory_space<vmem>>
      tpu.wait_dma2 semaphore(%run_scoped3A_1143 : memref<!tpu.dma_semaphore, #tpu.memory_space<semaphore_mem>>) src(%dma_wait3A_1167 : memref<128x64xf32, #tpu.memory_space<vmem>>) dst(%dma_wait3A_1163 : memref<128x64xf32, #tpu.memory_space<vmem_shared>>)
      tpu.yield
    }) : () -> ()
    %mul3A_27 = arith.constant 625 : i32
    %mul3A_28 = arith.muli %arg1, %mul3A_27 : i32
    %mul3A_29 = arith.constant 64 : i32
    %mul3A_30 = arith.muli %arg0, %mul3A_29 : i32
    %mul3A_31 = arith.constant 625 : i32
    %mul3A_32 = arith.muli %arg1, %mul3A_31 : i32
    "tpu.region"() ({
      %run_scoped3A_1143 = tpu.sem_alloc : memref<!tpu.dma_semaphore, #tpu.memory_space<semaphore_mem>>
      %dma_start3A_1144 = arith.constant 0 : i32
      %dma_start3A_1145 = tpu.memref_slice %arg9[%mul3A_32, %dma_start3A_1144] : memref<10000x64xf32, #tpu.memory_space<vmem_shared>> -> memref<625x64xf32, #tpu.memory_space<vmem_shared>>
      %dma_start3A_1146 = tpu.memref_slice %arg2[%mul3A_28, %mul3A_30] : memref<10000x128xf32, #tpu.memory_space<hbm>> -> memref<625x64xf32, #tpu.memory_space<hbm>>
      tpu.enqueue_dma source(%dma_start3A_1146 : memref<625x64xf32, #tpu.memory_space<hbm>>) target(%dma_start3A_1145 : memref<625x64xf32, #tpu.memory_space<vmem_shared>>) target_semaphore(%run_scoped3A_1143 : memref<!tpu.dma_semaphore, #tpu.memory_space<semaphore_mem>>)
      %dma_wait3A_1147 = arith.constant 0 : i32
      %dma_wait3A_1148 = tpu.memref_slice %arg9[%mul3A_32, %dma_wait3A_1147] : memref<10000x64xf32, #tpu.memory_space<vmem_shared>> -> memref<625x64xf32, #tpu.memory_space<vmem_shared>>
      %dma_wait3A_1149 = tpu.memref_slice %arg2[%mul3A_28, %mul3A_30] : memref<10000x128xf32, #tpu.memory_space<hbm>> -> memref<625x64xf32, #tpu.memory_space<hbm>>
      tpu.wait_dma2 semaphore(%run_scoped3A_1143 : memref<!tpu.dma_semaphore, #tpu.memory_space<semaphore_mem>>) src(%dma_wait3A_1149 : memref<625x64xf32, #tpu.memory_space<hbm>>) dst(%dma_wait3A_1148 : memref<625x64xf32, #tpu.memory_space<vmem_shared>>)
      tpu.yield
    }) : () -> ()
    "tpu.region"() ({
      %run_scoped3A_1143 = tpu.sem_alloc : memref<!tpu.dma_semaphore, #tpu.memory_space<semaphore_mem>>
      %dma_start3A_1144 = arith.constant 0 : i32
      %dma_start3A_1145 = arith.constant 0 : i32
      %dma_start3A_1146 = tpu.memref_slice %arg3[%arg1, %dma_start3A_1144, %dma_start3A_1145] : memref<16x159x128xi32, #tpu.memory_space<hbm>> -> memref<1x159x128xi32, #tpu.memory_space<hbm>>
      %dma_start3A_1147 = tpu.memref_squeeze %dma_start3A_1146 : memref<1x159x128xi32, #tpu.memory_space<hbm>> -> memref<159x128xi32, #tpu.memory_space<hbm>>
      %dma_start3A_1148 = arith.constant 0 : i32
      %dma_start3A_1149 = arith.constant 0 : i32
      %dma_start3A_1150 = tpu.memref_slice %arg3[%arg1, %dma_start3A_1148, %dma_start3A_1149] : memref<16x159x128xi32, #tpu.memory_space<hbm>> -> memref<1x159x128xi32, #tpu.memory_space<hbm>>
      %dma_start3A_1151 = tpu.memref_squeeze %dma_start3A_1150 : memref<1x159x128xi32, #tpu.memory_space<hbm>> -> memref<159x128xi32, #tpu.memory_space<hbm>>
      tpu.enqueue_dma source(%dma_start3A_1151 : memref<159x128xi32, #tpu.memory_space<hbm>>) target(%arg5 : memref<159x128xi32, #tpu.memory_space<vmem>>) target_semaphore(%run_scoped3A_1143 : memref<!tpu.dma_semaphore, #tpu.memory_space<semaphore_mem>>)
      %dma_wait3A_1152 = arith.constant 0 : i32
      %dma_wait3A_1153 = arith.constant 0 : i32
      %dma_wait3A_1154 = tpu.memref_slice %arg3[%arg1, %dma_wait3A_1152, %dma_wait3A_1153] : memref<16x159x128xi32, #tpu.memory_space<hbm>> -> memref<1x159x128xi32, #tpu.memory_space<hbm>>
      %dma_wait3A_1155 = tpu.memref_squeeze %dma_wait3A_1154 : memref<1x159x128xi32, #tpu.memory_space<hbm>> -> memref<159x128xi32, #tpu.memory_space<hbm>>
      %dma_wait3A_1156 = arith.constant 0 : i32
      %dma_wait3A_1157 = arith.constant 0 : i32
      %dma_wait3A_1158 = tpu.memref_slice %arg3[%arg1, %dma_wait3A_1156, %dma_wait3A_1157] : memref<16x159x128xi32, #tpu.memory_space<hbm>> -> memref<1x159x128xi32, #tpu.memory_space<hbm>>
      %dma_wait3A_1159 = tpu.memref_squeeze %dma_wait3A_1158 : memref<1x159x128xi32, #tpu.memory_space<hbm>> -> memref<159x128xi32, #tpu.memory_space<hbm>>
      tpu.wait_dma2 semaphore(%run_scoped3A_1143 : memref<!tpu.dma_semaphore, #tpu.memory_space<semaphore_mem>>) src(%dma_wait3A_1159 : memref<159x128xi32, #tpu.memory_space<hbm>>) dst(%arg5 : memref<159x128xi32, #tpu.memory_space<vmem>>)
      tpu.yield
    }) : () -> ()
    %barrier3A = arith.constant 0 : index
    tpu.barrier barrier_id(%barrier3A)
    %min3A = arith.constant 0 : i32
    %min3A_33 = arith.constant 158 : i32
    %min3A_34 = arith.minsi %min3A, %min3A_33 : i32
    %get3A = arith.index_cast %min3A_34 : i32 to index
    %get3A_35 = arith.constant 0 : index
    %get3A_36 = tpu.vector_load %arg5[%get3A, %get3A_35] {strides = array<i32>} : memref<159x128xi32, #tpu.memory_space<vmem>>, vector<1x16xi32>,
    %get3A_37 = vector.shape_cast %get3A_36 : vector<1x16xi32> to vector<16xi32>
    %shift_right_logical3A = arith.constant 14 : i32
    %shift_right_logical3A_38 = vector.broadcast %shift_right_logical3A : i32 to vector<16xi32>
    %shift_right_logical3A_39 = arith.shrui %get3A_37, %shift_right_logical3A_38 : vector<16xi32>
    %swap3A = arith.constant 0 : i32
    %swap3A_40 = arith.constant 0 : i32
    %swap3A_41 = arith.index_cast %swap3A : i32 to index
    %swap3A_42 = arith.index_cast %swap3A_40 : i32 to index
    %swap3A_43 = arith.constant 0 : index
    %swap3A_44 = tpu.vector_load %arg6[%swap3A_41, %swap3A_42, %swap3A_43] {strides = array<i32>} : memref<3x1x128xi32, #tpu.memory_space<vmem>>, vector<1x1x16xi32>,
    %swap3A_45 = vector.shape_cast %swap3A_44 : vector<1x1x16xi32> to vector<16xi32>
    %swap3A_46 = vector.shape_cast %shift_right_logical3A_39 : vector<16xi32> to vector<1x1x16xi32>
    tpu.vector_store %arg6[%swap3A_41, %swap3A_42, %swap3A_43], %swap3A_46 {strides = array<i32>} : memref<3x1x128xi32, #tpu.memory_space<vmem>>, vector<1x1x16xi32>,
    %and3A = arith.constant 16383 : i32
    %and3A_47 = vector.broadcast %and3A : i32 to vector<16xi32>
    %and3A_48 = arith.andi %get3A_37, %and3A_47 : vector<16xi32>
    %swap3A_49 = arith.constant 0 : i32
    %swap3A_50 = arith.constant 0 : i32
    %swap3A_51 = arith.index_cast %swap3A_49 : i32 to index
    %swap3A_52 = arith.index_cast %swap3A_50 : i32 to index
    %swap3A_53 = arith.constant 0 : index
    %swap3A_54 = tpu.vector_load %arg7[%swap3A_51, %swap3A_52, %swap3A_53] {strides = array<i32>} : memref<3x2x64xi32, #tpu.memory_space<vmem>>, vector<1x1x16xi32>,
    %swap3A_55 = vector.shape_cast %swap3A_54 : vector<1x1x16xi32> to vector<16xi32>
    %swap3A_56 = vector.shape_cast %and3A_48 : vector<16xi32> to vector<1x1x16xi32>
    tpu.vector_store %arg7[%swap3A_51, %swap3A_52, %swap3A_53], %swap3A_56 {strides = array<i32>} : memref<3x2x64xi32, #tpu.memory_space<vmem>>, vector<1x1x16xi32>,
    %get3A_57 = arith.index_cast %min3A_34 : i32 to index
    %get3A_58 = arith.constant 16 : index
    %get3A_59 = tpu.vector_load %arg5[%get3A_57, %get3A_58] {strides = array<i32>} : memref<159x128xi32, #tpu.memory_space<vmem>>, vector<1x16xi32>,
    %get3A_60 = vector.shape_cast %get3A_59 : vector<1x16xi32> to vector<16xi32>
    %shift_right_logical3A_61 = arith.constant 14 : i32
    %shift_right_logical3A_62 = vector.broadcast %shift_right_logical3A_61 : i32 to vector<16xi32>
    %shift_right_logical3A_63 = arith.shrui %get3A_60, %shift_right_logical3A_62 : vector<16xi32>
    %swap3A_64 = arith.constant 0 : i32
    %swap3A_65 = arith.constant 0 : i32
    %swap3A_66 = arith.index_cast %swap3A_64 : i32 to index
    %swap3A_67 = arith.index_cast %swap3A_65 : i32 to index
    %swap3A_68 = arith.constant 16 : index
    %swap3A_69 = tpu.vector_load %arg6[%swap3A_66, %swap3A_67, %swap3A_68] {strides = array<i32>} : memref<3x1x128xi32, #tpu.memory_space<vmem>>, vector<1x1x16xi32>,
    %swap3A_70 = vector.shape_cast %swap3A_69 : vector<1x1x16xi32> to vector<16xi32>
    %swap3A_71 = vector.shape_cast %shift_right_logical3A_63 : vector<16xi32> to vector<1x1x16xi32>
    tpu.vector_store %arg6[%swap3A_66, %swap3A_67, %swap3A_68], %swap3A_71 {strides = array<i32>} : memref<3x1x128xi32, #tpu.memory_space<vmem>>, vector<1x1x16xi32>,
    %and3A_72 = arith.constant 16383 : i32
    %and3A_73 = vector.broadcast %and3A_72 : i32 to vector<16xi32>
    %and3A_74 = arith.andi %get3A_60, %and3A_73 : vector<16xi32>
    %swap3A_75 = arith.constant 0 : i32
    %swap3A_76 = arith.constant 0 : i32
    %swap3A_77 = arith.index_cast %swap3A_75 : i32 to index
    %swap3A_78 = arith.index_cast %swap3A_76 : i32 to index
    %swap3A_79 = arith.constant 16 : index
    %swap3A_80 = tpu.vector_load %arg7[%swap3A_77, %swap3A_78, %swap3A_79] {strides = array<i32>} : memref<3x2x64xi32, #tpu.memory_space<vmem>>, vector<1x1x16xi32>,
    %swap3A_81 = vector.shape_cast %swap3A_80 : vector<1x1x16xi32> to vector<16xi32>
    %swap3A_82 = vector.shape_cast %and3A_74 : vector<16xi32> to vector<1x1x16xi32>
    tpu.vector_store %arg7[%swap3A_77, %swap3A_78, %swap3A_79], %swap3A_82 {strides = array<i32>} : memref<3x2x64xi32, #tpu.memory_space<vmem>>, vector<1x1x16xi32>,
    %get3A_83 = arith.index_cast %min3A_34 : i32 to index
    %get3A_84 = arith.constant 32 : index
    %get3A_85 = tpu.vector_load %arg5[%get3A_83, %get3A_84] {strides = array<i32>} : memref<159x128xi32, #tpu.memory_space<vmem>>, vector<1x16xi32>,
    %get3A_86 = vector.shape_cast %get3A_85 : vector<1x16xi32> to vector<16xi32>
    %shift_right_logical3A_87 = arith.constant 14 : i32
    %shift_right_logical3A_88 = vector.broadcast %shift_right_logical3A_87 : i32 to vector<16xi32>
    %shift_right_logical3A_89 = arith.shrui %get3A_86, %shift_right_logical3A_88 : vector<16xi32>
    %swap3A_90 = arith.constant 0 : i32
    %swap3A_91 = arith.constant 0 : i32
    %swap3A_92 = arith.index_cast %swap3A_90 : i32 to index
    %swap3A_93 = arith.index_cast %swap3A_91 : i32 to index
    %swap3A_94 = arith.constant 32 : index
    %swap3A_95 = tpu.vector_load %arg6[%swap3A_92, %swap3A_93, %swap3A_94] {strides = array<i32>} : memref<3x1x128xi32, #tpu.memory_space<vmem>>, vector<1x1x16xi32>,
    %swap3A_96 = vector.shape_cast %swap3A_95 : vector<1x1x16xi32> to vector<16xi32>
    %swap3A_97 = vector.shape_cast %shift_right_logical3A_89 : vector<16xi32> to vector<1x1x16xi32>
    tpu.vector_store %arg6[%swap3A_92, %swap3A_93, %swap3A_94], %swap3A_97 {strides = array<i32>} : memref<3x1x128xi32, #tpu.memory_space<vmem>>, vector<1x1x16xi32>,
    %and3A_98 = arith.constant 16383 : i32
    %and3A_99 = vector.broadcast %and3A_98 : i32 to vector<16xi32>
    %and3A_100 = arith.andi %get3A_86, %and3A_99 : vector<16xi32>
    %swap3A_101 = arith.constant 0 : i32
    %swap3A_102 = arith.constant 0 : i32
    %swap3A_103 = arith.index_cast %swap3A_101 : i32 to index
    %swap3A_104 = arith.index_cast %swap3A_102 : i32 to index
    %swap3A_105 = arith.constant 32 : index
    %swap3A_106 = tpu.vector_load %arg7[%swap3A_103, %swap3A_104, %swap3A_105] {strides = array<i32>} : memref<3x2x64xi32, #tpu.memory_space<vmem>>, vector<1x1x16xi32>,
    %swap3A_107 = vector.shape_cast %swap3A_106 : vector<1x1x16xi32> to vector<16xi32>
    %swap3A_108 = vector.shape_cast %and3A_100 : vector<16xi32> to vector<1x1x16xi32>
    tpu.vector_store %arg7[%swap3A_103, %swap3A_104, %swap3A_105], %swap3A_108 {strides = array<i32>} : memref<3x2x64xi32, #tpu.memory_space<vmem>>, vector<1x1x16xi32>,
    %get3A_109 = arith.index_cast %min3A_34 : i32 to index
    %get3A_110 = arith.constant 48 : index
    %get3A_111 = tpu.vector_load %arg5[%get3A_109, %get3A_110] {strides = array<i32>} : memref<159x128xi32, #tpu.memory_space<vmem>>, vector<1x16xi32>,
    %get3A_112 = vector.shape_cast %get3A_111 : vector<1x16xi32> to vector<16xi32>
    %shift_right_logical3A_113 = arith.constant 14 : i32
    %shift_right_logical3A_114 = vector.broadcast %shift_right_logical3A_113 : i32 to vector<16xi32>
    %shift_right_logical3A_115 = arith.shrui %get3A_112, %shift_right_logical3A_114 : vector<16xi32>
    %swap3A_116 = arith.constant 0 : i32
    %swap3A_117 = arith.constant 0 : i32
    %swap3A_118 = arith.index_cast %swap3A_116 : i32 to index
    %swap3A_119 = arith.index_cast %swap3A_117 : i32 to index
    %swap3A_120 = arith.constant 48 : index
    %swap3A_121 = tpu.vector_load %arg6[%swap3A_118, %swap3A_119, %swap3A_120] {strides = array<i32>} : memref<3x1x128xi32, #tpu.memory_space<vmem>>, vector<1x1x16xi32>,
    %swap3A_122 = vector.shape_cast %swap3A_121 : vector<1x1x16xi32> to vector<16xi32>
    %swap3A_123 = vector.shape_cast %shift_right_logical3A_115 : vector<16xi32> to vector<1x1x16xi32>
    tpu.vector_store %arg6[%swap3A_118, %swap3A_119, %swap3A_120], %swap3A_123 {strides = array<i32>} : memref<3x1x128xi32, #tpu.memory_space<vmem>>, vector<1x1x16xi32>,
    %and3A_124 = arith.constant 16383 : i32
    %and3A_125 = vector.broadcast %and3A_124 : i32 to vector<16xi32>
    %and3A_126 = arith.andi %get3A_112, %and3A_125 : vector<16xi32>
    %swap3A_127 = arith.constant 0 : i32
    %swap3A_128 = arith.constant 0 : i32
    %swap3A_129 = arith.index_cast %swap3A_127 : i32 to index
    %swap3A_130 = arith.index_cast %swap3A_128 : i32 to index
    %swap3A_131 = arith.constant 48 : index
    %swap3A_132 = tpu.vector_load %arg7[%swap3A_129, %swap3A_130, %swap3A_131] {strides = array<i32>} : memref<3x2x64xi32, #tpu.memory_space<vmem>>, vector<1x1x16xi32>,
    %swap3A_133 = vector.shape_cast %swap3A_132 : vector<1x1x16xi32> to vector<16xi32>
    %swap3A_134 = vector.shape_cast %and3A_126 : vector<16xi32> to vector<1x1x16xi32>
    tpu.vector_store %arg7[%swap3A_129, %swap3A_130, %swap3A_131], %swap3A_134 {strides = array<i32>} : memref<3x2x64xi32, #tpu.memory_space<vmem>>, vector<1x1x16xi32>,
    %get3A_135 = arith.index_cast %min3A_34 : i32 to index
    %get3A_136 = arith.constant 64 : index
    %get3A_137 = tpu.vector_load %arg5[%get3A_135, %get3A_136] {strides = array<i32>} : memref<159x128xi32, #tpu.memory_space<vmem>>, vector<1x16xi32>,
    %get3A_138 = vector.shape_cast %get3A_137 : vector<1x16xi32> to vector<16xi32>
    %shift_right_logical3A_139 = arith.constant 14 : i32
    %shift_right_logical3A_140 = vector.broadcast %shift_right_logical3A_139 : i32 to vector<16xi32>
    %shift_right_logical3A_141 = arith.shrui %get3A_138, %shift_right_logical3A_140 : vector<16xi32>
    %swap3A_142 = arith.constant 0 : i32
    %swap3A_143 = arith.constant 0 : i32
    %swap3A_144 = arith.index_cast %swap3A_142 : i32 to index
    %swap3A_145 = arith.index_cast %swap3A_143 : i32 to index
    %swap3A_146 = arith.constant 64 : index
    %swap3A_147 = tpu.vector_load %arg6[%swap3A_144, %swap3A_145, %swap3A_146] {strides = array<i32>} : memref<3x1x128xi32, #tpu.memory_space<vmem>>, vector<1x1x16xi32>,
    %swap3A_148 = vector.shape_cast %swap3A_147 : vector<1x1x16xi32> to vector<16xi32>
    %swap3A_149 = vector.shape_cast %shift_right_logical3A_141 : vector<16xi32> to vector<1x1x16xi32>
    tpu.vector_store %arg6[%swap3A_144, %swap3A_145, %swap3A_146], %swap3A_149 {strides = array<i32>} : memref<3x1x128xi32, #tpu.memory_space<vmem>>, vector<1x1x16xi32>,
    %and3A_150 = arith.constant 16383 : i32
    %and3A_151 = vector.broadcast %and3A_150 : i32 to vector<16xi32>
    %and3A_152 = arith.andi %get3A_138, %and3A_151 : vector<16xi32>
    %swap3A_153 = arith.constant 0 : i32
    %swap3A_154 = arith.constant 1 : i32
    %swap3A_155 = arith.index_cast %swap3A_153 : i32 to index
    %swap3A_156 = arith.index_cast %swap3A_154 : i32 to index
    %swap3A_157 = arith.constant 0 : index
    %swap3A_158 = tpu.vector_load %arg7[%swap3A_155, %swap3A_156, %swap3A_157] {strides = array<i32>} : memref<3x2x64xi32, #tpu.memory_space<vmem>>, vector<1x1x16xi32>,
    %swap3A_159 = vector.shape_cast %swap3A_158 : vector<1x1x16xi32> to vector<16xi32>
    %swap3A_160 = vector.shape_cast %and3A_152 : vector<16xi32> to vector<1x1x16xi32>
    tpu.vector_store %arg7[%swap3A_155, %swap3A_156, %swap3A_157], %swap3A_160 {strides = array<i32>} : memref<3x2x64xi32, #tpu.memory_space<vmem>>, vector<1x1x16xi32>,
    %get3A_161 = arith.index_cast %min3A_34 : i32 to index
    %get3A_162 = arith.constant 80 : index
    %get3A_163 = tpu.vector_load %arg5[%get3A_161, %get3A_162] {strides = array<i32>} : memref<159x128xi32, #tpu.memory_space<vmem>>, vector<1x16xi32>,
    %get3A_164 = vector.shape_cast %get3A_163 : vector<1x16xi32> to vector<16xi32>
    %shift_right_logical3A_165 = arith.constant 14 : i32
    %shift_right_logical3A_166 = vector.broadcast %shift_right_logical3A_165 : i32 to vector<16xi32>
    %shift_right_logical3A_167 = arith.shrui %get3A_164, %shift_right_logical3A_166 : vector<16xi32>
    %swap3A_168 = arith.constant 0 : i32
    %swap3A_169 = arith.constant 0 : i32
    %swap3A_170 = arith.index_cast %swap3A_168 : i32 to index
    %swap3A_171 = arith.index_cast %swap3A_169 : i32 to index
    %swap3A_172 = arith.constant 80 : index
    %swap3A_173 = tpu.vector_load %arg6[%swap3A_170, %swap3A_171, %swap3A_172] {strides = array<i32>} : memref<3x1x128xi32, #tpu.memory_space<vmem>>, vector<1x1x16xi32>,
    %swap3A_174 = vector.shape_cast %swap3A_173 : vector<1x1x16xi32> to vector<16xi32>
    %swap3A_175 = vector.shape_cast %shift_right_logical3A_167 : vector<16xi32> to vector<1x1x16xi32>
    tpu.vector_store %arg6[%swap3A_170, %swap3A_171, %swap3A_172], %swap3A_175 {strides = array<i32>} : memref<3x1x128xi32, #tpu.memory_space<vmem>>, vector<1x1x16xi32>,
    %and3A_176 = arith.constant 16383 : i32
    %and3A_177 = vector.broadcast %and3A_176 : i32 to vector<16xi32>
    %and3A_178 = arith.andi %get3A_164, %and3A_177 : vector<16xi32>
    %swap3A_179 = arith.constant 0 : i32
    %swap3A_180 = arith.constant 1 : i32
    %swap3A_181 = arith.index_cast %swap3A_179 : i32 to index
    %swap3A_182 = arith.index_cast %swap3A_180 : i32 to index
    %swap3A_183 = arith.constant 16 : index
    %swap3A_184 = tpu.vector_load %arg7[%swap3A_181, %swap3A_182, %swap3A_183] {strides = array<i32>} : memref<3x2x64xi32, #tpu.memory_space<vmem>>, vector<1x1x16xi32>,
    %swap3A_185 = vector.shape_cast %swap3A_184 : vector<1x1x16xi32> to vector<16xi32>
    %swap3A_186 = vector.shape_cast %and3A_178 : vector<16xi32> to vector<1x1x16xi32>
    tpu.vector_store %arg7[%swap3A_181, %swap3A_182, %swap3A_183], %swap3A_186 {strides = array<i32>} : memref<3x2x64xi32, #tpu.memory_space<vmem>>, vector<1x1x16xi32>,
    %get3A_187 = arith.index_cast %min3A_34 : i32 to index
    %get3A_188 = arith.constant 96 : index
    %get3A_189 = tpu.vector_load %arg5[%get3A_187, %get3A_188] {strides = array<i32>} : memref<159x128xi32, #tpu.memory_space<vmem>>, vector<1x16xi32>,
    %get3A_190 = vector.shape_cast %get3A_189 : vector<1x16xi32> to vector<16xi32>
    %shift_right_logical3A_191 = arith.constant 14 : i32
    %shift_right_logical3A_192 = vector.broadcast %shift_right_logical3A_191 : i32 to vector<16xi32>
    %shift_right_logical3A_193 = arith.shrui %get3A_190, %shift_right_logical3A_192 : vector<16xi32>
    %swap3A_194 = arith.constant 0 : i32
    %swap3A_195 = arith.constant 0 : i32
    %swap3A_196 = arith.index_cast %swap3A_194 : i32 to index
    %swap3A_197 = arith.index_cast %swap3A_195 : i32 to index
    %swap3A_198 = arith.constant 96 : index
    %swap3A_199 = tpu.vector_load %arg6[%swap3A_196, %swap3A_197, %swap3A_198] {strides = array<i32>} : memref<3x1x128xi32, #tpu.memory_space<vmem>>, vector<1x1x16xi32>,
    %swap3A_200 = vector.shape_cast %swap3A_199 : vector<1x1x16xi32> to vector<16xi32>
    %swap3A_201 = vector.shape_cast %shift_right_logical3A_193 : vector<16xi32> to vector<1x1x16xi32>
    tpu.vector_store %arg6[%swap3A_196, %swap3A_197, %swap3A_198], %swap3A_201 {strides = array<i32>} : memref<3x1x128xi32, #tpu.memory_space<vmem>>, vector<1x1x16xi32>,
    %and3A_202 = arith.constant 16383 : i32
    %and3A_203 = vector.broadcast %and3A_202 : i32 to vector<16xi32>
    %and3A_204 = arith.andi %get3A_190, %and3A_203 : vector<16xi32>
    %swap3A_205 = arith.constant 0 : i32
    %swap3A_206 = arith.constant 1 : i32
    %swap3A_207 = arith.index_cast %swap3A_205 : i32 to index
    %swap3A_208 = arith.index_cast %swap3A_206 : i32 to index
    %swap3A_209 = arith.constant 32 : index
    %swap3A_210 = tpu.vector_load %arg7[%swap3A_207, %swap3A_208, %swap3A_209] {strides = array<i32>} : memref<3x2x64xi32, #tpu.memory_space<vmem>>, vector<1x1x16xi32>,
    %swap3A_211 = vector.shape_cast %swap3A_210 : vector<1x1x16xi32> to vector<16xi32>
    %swap3A_212 = vector.shape_cast %and3A_204 : vector<16xi32> to vector<1x1x16xi32>
    tpu.vector_store %arg7[%swap3A_207, %swap3A_208, %swap3A_209], %swap3A_212 {strides = array<i32>} : memref<3x2x64xi32, #tpu.memory_space<vmem>>, vector<1x1x16xi32>,
    %get3A_213 = arith.index_cast %min3A_34 : i32 to index
    %get3A_214 = arith.constant 112 : index
    %get3A_215 = tpu.vector_load %arg5[%get3A_213, %get3A_214] {strides = array<i32>} : memref<159x128xi32, #tpu.memory_space<vmem>>, vector<1x16xi32>,
    %get3A_216 = vector.shape_cast %get3A_215 : vector<1x16xi32> to vector<16xi32>
    %shift_right_logical3A_217 = arith.constant 14 : i32
    %shift_right_logical3A_218 = vector.broadcast %shift_right_logical3A_217 : i32 to vector<16xi32>
    %shift_right_logical3A_219 = arith.shrui %get3A_216, %shift_right_logical3A_218 : vector<16xi32>
    %swap3A_220 = arith.constant 0 : i32
    %swap3A_221 = arith.constant 0 : i32
    %swap3A_222 = arith.index_cast %swap3A_220 : i32 to index
    %swap3A_223 = arith.index_cast %swap3A_221 : i32 to index
    %swap3A_224 = arith.constant 112 : index
    %swap3A_225 = tpu.vector_load %arg6[%swap3A_222, %swap3A_223, %swap3A_224] {strides = array<i32>} : memref<3x1x128xi32, #tpu.memory_space<vmem>>, vector<1x1x16xi32>,
    %swap3A_226 = vector.shape_cast %swap3A_225 : vector<1x1x16xi32> to vector<16xi32>
    %swap3A_227 = vector.shape_cast %shift_right_logical3A_219 : vector<16xi32> to vector<1x1x16xi32>
    tpu.vector_store %arg6[%swap3A_222, %swap3A_223, %swap3A_224], %swap3A_227 {strides = array<i32>} : memref<3x1x128xi32, #tpu.memory_space<vmem>>, vector<1x1x16xi32>,
    %and3A_228 = arith.constant 16383 : i32
    %and3A_229 = vector.broadcast %and3A_228 : i32 to vector<16xi32>
    %and3A_230 = arith.andi %get3A_216, %and3A_229 : vector<16xi32>
    %swap3A_231 = arith.constant 0 : i32
    %swap3A_232 = arith.constant 1 : i32
    %swap3A_233 = arith.index_cast %swap3A_231 : i32 to index
    %swap3A_234 = arith.index_cast %swap3A_232 : i32 to index
    %swap3A_235 = arith.constant 48 : index
    %swap3A_236 = tpu.vector_load %arg7[%swap3A_233, %swap3A_234, %swap3A_235] {strides = array<i32>} : memref<3x2x64xi32, #tpu.memory_space<vmem>>, vector<1x1x16xi32>,
    %swap3A_237 = vector.shape_cast %swap3A_236 : vector<1x1x16xi32> to vector<16xi32>
    %swap3A_238 = vector.shape_cast %and3A_230 : vector<16xi32> to vector<1x1x16xi32>
    tpu.vector_store %arg7[%swap3A_233, %swap3A_234, %swap3A_235], %swap3A_238 {strides = array<i32>} : memref<3x2x64xi32, #tpu.memory_space<vmem>>, vector<1x1x16xi32>,
    %dma_start3A = arith.constant 0 : i32
    %dma_start3A_239 = arith.constant 0 : i32
    %dma_start3A_240 = arith.constant 0 : i32
    %dma_start3A_241 = arith.constant 0 : i32
    %dma_start3A_242 = arith.constant 0 : i32
    %dma_start3A_243 = tpu.memref_slice %arg8[%dma_start3A_240, %dma_start3A_241, %dma_start3A_242] : memref<3x128x64xf32, #tpu.memory_space<vmem>> -> memref<1x128x64xf32, #tpu.memory_space<vmem>>
    %dma_start3A_244 = tpu.memref_squeeze %dma_start3A_243 : memref<1x128x64xf32, #tpu.memory_space<vmem>> -> memref<128x64xf32, #tpu.memory_space<vmem>>
    %dma_start3A_245 = arith.constant 0 : i32
    %dma_start3A_246 = tpu.memref_slice %arg6[%dma_start3A, %dma_start3A_239, %dma_start3A_245] : memref<3x1x128xi32, #tpu.memory_space<vmem>> -> memref<1x1x128xi32, #tpu.memory_space<vmem>>
    %dma_start3A_247 = tpu.memref_squeeze %dma_start3A_246 : memref<1x1x128xi32, #tpu.memory_space<vmem>> -> memref<128xi32, #tpu.memory_space<vmem>>
    %dma_start3A_248 = arith.constant 0 : i32
    %dma_start3A_249 = arith.constant 0 : i32
    %dma_start3A_250 = tpu.memref_slice %arg9[%dma_start3A_248, %dma_start3A_249] : memref<10000x64xf32, #tpu.memory_space<vmem_shared>> -> memref<10000x64xf32, #tpu.memory_space<vmem_shared>>
    tpu.enqueue_indirect_dma source(%dma_start3A_250 : memref<10000x64xf32, #tpu.memory_space<vmem_shared>>) target(%dma_start3A_244 : memref<128x64xf32, #tpu.memory_space<vmem>>) offsets(%dma_start3A_247 : memref<128xi32, #tpu.memory_space<vmem>>) semaphore(%arg11 : memref<!tpu.dma_semaphore, #tpu.memory_space<semaphore_mem>>)
    %min3A_251 = arith.constant 1 : i32
    %min3A_252 = arith.constant 158 : i32
    %min3A_253 = arith.minsi %min3A_251, %min3A_252 : i32
    %get3A_254 = arith.index_cast %min3A_253 : i32 to index
    %get3A_255 = arith.constant 0 : index
    %get3A_256 = tpu.vector_load %arg5[%get3A_254, %get3A_255] {strides = array<i32>} : memref<159x128xi32, #tpu.memory_space<vmem>>, vector<1x16xi32>,
    %get3A_257 = vector.shape_cast %get3A_256 : vector<1x16xi32> to vector<16xi32>
    %shift_right_logical3A_258 = arith.constant 14 : i32
    %shift_right_logical3A_259 = vector.broadcast %shift_right_logical3A_258 : i32 to vector<16xi32>
    %shift_right_logical3A_260 = arith.shrui %get3A_257, %shift_right_logical3A_259 : vector<16xi32>
    %swap3A_261 = arith.constant 1 : i32
    %swap3A_262 = arith.constant 0 : i32
    %swap3A_263 = arith.index_cast %swap3A_261 : i32 to index
    %swap3A_264 = arith.index_cast %swap3A_262 : i32 to index
    %swap3A_265 = arith.constant 0 : index
    %swap3A_266 = tpu.vector_load %arg6[%swap3A_263, %swap3A_264, %swap3A_265] {strides = array<i32>} : memref<3x1x128xi32, #tpu.memory_space<vmem>>, vector<1x1x16xi32>,
    %swap3A_267 = vector.shape_cast %swap3A_266 : vector<1x1x16xi32> to vector<16xi32>
    %swap3A_268 = vector.shape_cast %shift_right_logical3A_260 : vector<16xi32> to vector<1x1x16xi32>
    tpu.vector_store %arg6[%swap3A_263, %swap3A_264, %swap3A_265], %swap3A_268 {strides = array<i32>} : memref<3x1x128xi32, #tpu.memory_space<vmem>>, vector<1x1x16xi32>,
    %and3A_269 = arith.constant 16383 : i32
    %and3A_270 = vector.broadcast %and3A_269 : i32 to vector<16xi32>
    %and3A_271 = arith.andi %get3A_257, %and3A_270 : vector<16xi32>
    %swap3A_272 = arith.constant 1 : i32
    %swap3A_273 = arith.constant 0 : i32
    %swap3A_274 = arith.index_cast %swap3A_272 : i32 to index
    %swap3A_275 = arith.index_cast %swap3A_273 : i32 to index
    %swap3A_276 = arith.constant 0 : index
    %swap3A_277 = tpu.vector_load %arg7[%swap3A_274, %swap3A_275, %swap3A_276] {strides = array<i32>} : memref<3x2x64xi32, #tpu.memory_space<vmem>>, vector<1x1x16xi32>,
    %swap3A_278 = vector.shape_cast %swap3A_277 : vector<1x1x16xi32> to vector<16xi32>
    %swap3A_279 = vector.shape_cast %and3A_271 : vector<16xi32> to vector<1x1x16xi32>
    tpu.vector_store %arg7[%swap3A_274, %swap3A_275, %swap3A_276], %swap3A_279 {strides = array<i32>} : memref<3x2x64xi32, #tpu.memory_space<vmem>>, vector<1x1x16xi32>,
    %get3A_280 = arith.index_cast %min3A_253 : i32 to index
    %get3A_281 = arith.constant 16 : index
    %get3A_282 = tpu.vector_load %arg5[%get3A_280, %get3A_281] {strides = array<i32>} : memref<159x128xi32, #tpu.memory_space<vmem>>, vector<1x16xi32>,
    %get3A_283 = vector.shape_cast %get3A_282 : vector<1x16xi32> to vector<16xi32>
    %shift_right_logical3A_284 = arith.constant 14 : i32
    %shift_right_logical3A_285 = vector.broadcast %shift_right_logical3A_284 : i32 to vector<16xi32>
    %shift_right_logical3A_286 = arith.shrui %get3A_283, %shift_right_logical3A_285 : vector<16xi32>
    %swap3A_287 = arith.constant 1 : i32
    %swap3A_288 = arith.constant 0 : i32
    %swap3A_289 = arith.index_cast %swap3A_287 : i32 to index
    %swap3A_290 = arith.index_cast %swap3A_288 : i32 to index
    %swap3A_291 = arith.constant 16 : index
    %swap3A_292 = tpu.vector_load %arg6[%swap3A_289, %swap3A_290, %swap3A_291] {strides = array<i32>} : memref<3x1x128xi32, #tpu.memory_space<vmem>>, vector<1x1x16xi32>,
    %swap3A_293 = vector.shape_cast %swap3A_292 : vector<1x1x16xi32> to vector<16xi32>
    %swap3A_294 = vector.shape_cast %shift_right_logical3A_286 : vector<16xi32> to vector<1x1x16xi32>
    tpu.vector_store %arg6[%swap3A_289, %swap3A_290, %swap3A_291], %swap3A_294 {strides = array<i32>} : memref<3x1x128xi32, #tpu.memory_space<vmem>>, vector<1x1x16xi32>,
    %and3A_295 = arith.constant 16383 : i32
    %and3A_296 = vector.broadcast %and3A_295 : i32 to vector<16xi32>
    %and3A_297 = arith.andi %get3A_283, %and3A_296 : vector<16xi32>
    %swap3A_298 = arith.constant 1 : i32
    %swap3A_299 = arith.constant 0 : i32
    %swap3A_300 = arith.index_cast %swap3A_298 : i32 to index
    %swap3A_301 = arith.index_cast %swap3A_299 : i32 to index
    %swap3A_302 = arith.constant 16 : index
    %swap3A_303 = tpu.vector_load %arg7[%swap3A_300, %swap3A_301, %swap3A_302] {strides = array<i32>} : memref<3x2x64xi32, #tpu.memory_space<vmem>>, vector<1x1x16xi32>,
    %swap3A_304 = vector.shape_cast %swap3A_303 : vector<1x1x16xi32> to vector<16xi32>
    %swap3A_305 = vector.shape_cast %and3A_297 : vector<16xi32> to vector<1x1x16xi32>
    tpu.vector_store %arg7[%swap3A_300, %swap3A_301, %swap3A_302], %swap3A_305 {strides = array<i32>} : memref<3x2x64xi32, #tpu.memory_space<vmem>>, vector<1x1x16xi32>,
    %get3A_306 = arith.index_cast %min3A_253 : i32 to index
    %get3A_307 = arith.constant 32 : index
    %get3A_308 = tpu.vector_load %arg5[%get3A_306, %get3A_307] {strides = array<i32>} : memref<159x128xi32, #tpu.memory_space<vmem>>, vector<1x16xi32>,
    %get3A_309 = vector.shape_cast %get3A_308 : vector<1x16xi32> to vector<16xi32>
    %shift_right_logical3A_310 = arith.constant 14 : i32
    %shift_right_logical3A_311 = vector.broadcast %shift_right_logical3A_310 : i32 to vector<16xi32>
    %shift_right_logical3A_312 = arith.shrui %get3A_309, %shift_right_logical3A_311 : vector<16xi32>
    %swap3A_313 = arith.constant 1 : i32
    %swap3A_314 = arith.constant 0 : i32
    %swap3A_315 = arith.index_cast %swap3A_313 : i32 to index
    %swap3A_316 = arith.index_cast %swap3A_314 : i32 to index
    %swap3A_317 = arith.constant 32 : index
    %swap3A_318 = tpu.vector_load %arg6[%swap3A_315, %swap3A_316, %swap3A_317] {strides = array<i32>} : memref<3x1x128xi32, #tpu.memory_space<vmem>>, vector<1x1x16xi32>,
    %swap3A_319 = vector.shape_cast %swap3A_318 : vector<1x1x16xi32> to vector<16xi32>
    %swap3A_320 = vector.shape_cast %shift_right_logical3A_312 : vector<16xi32> to vector<1x1x16xi32>
    tpu.vector_store %arg6[%swap3A_315, %swap3A_316, %swap3A_317], %swap3A_320 {strides = array<i32>} : memref<3x1x128xi32, #tpu.memory_space<vmem>>, vector<1x1x16xi32>,
    %and3A_321 = arith.constant 16383 : i32
    %and3A_322 = vector.broadcast %and3A_321 : i32 to vector<16xi32>
    %and3A_323 = arith.andi %get3A_309, %and3A_322 : vector<16xi32>
    %swap3A_324 = arith.constant 1 : i32
    %swap3A_325 = arith.constant 0 : i32
    %swap3A_326 = arith.index_cast %swap3A_324 : i32 to index
    %swap3A_327 = arith.index_cast %swap3A_325 : i32 to index
    %swap3A_328 = arith.constant 32 : index
    %swap3A_329 = tpu.vector_load %arg7[%swap3A_326, %swap3A_327, %swap3A_328] {strides = array<i32>} : memref<3x2x64xi32, #tpu.memory_space<vmem>>, vector<1x1x16xi32>,
    %swap3A_330 = vector.shape_cast %swap3A_329 : vector<1x1x16xi32> to vector<16xi32>
    %swap3A_331 = vector.shape_cast %and3A_323 : vector<16xi32> to vector<1x1x16xi32>
    tpu.vector_store %arg7[%swap3A_326, %swap3A_327, %swap3A_328], %swap3A_331 {strides = array<i32>} : memref<3x2x64xi32, #tpu.memory_space<vmem>>, vector<1x1x16xi32>,
    %get3A_332 = arith.index_cast %min3A_253 : i32 to index
    %get3A_333 = arith.constant 48 : index
    %get3A_334 = tpu.vector_load %arg5[%get3A_332, %get3A_333] {strides = array<i32>} : memref<159x128xi32, #tpu.memory_space<vmem>>, vector<1x16xi32>,
    %get3A_335 = vector.shape_cast %get3A_334 : vector<1x16xi32> to vector<16xi32>
    %shift_right_logical3A_336 = arith.constant 14 : i32
    %shift_right_logical3A_337 = vector.broadcast %shift_right_logical3A_336 : i32 to vector<16xi32>
    %shift_right_logical3A_338 = arith.shrui %get3A_335, %shift_right_logical3A_337 : vector<16xi32>
    %swap3A_339 = arith.constant 1 : i32
    %swap3A_340 = arith.constant 0 : i32
    %swap3A_341 = arith.index_cast %swap3A_339 : i32 to index
    %swap3A_342 = arith.index_cast %swap3A_340 : i32 to index
    %swap3A_343 = arith.constant 48 : index
    %swap3A_344 = tpu.vector_load %arg6[%swap3A_341, %swap3A_342, %swap3A_343] {strides = array<i32>} : memref<3x1x128xi32, #tpu.memory_space<vmem>>, vector<1x1x16xi32>,
    %swap3A_345 = vector.shape_cast %swap3A_344 : vector<1x1x16xi32> to vector<16xi32>
    %swap3A_346 = vector.shape_cast %shift_right_logical3A_338 : vector<16xi32> to vector<1x1x16xi32>
    tpu.vector_store %arg6[%swap3A_341, %swap3A_342, %swap3A_343], %swap3A_346 {strides = array<i32>} : memref<3x1x128xi32, #tpu.memory_space<vmem>>, vector<1x1x16xi32>,
    %and3A_347 = arith.constant 16383 : i32
    %and3A_348 = vector.broadcast %and3A_347 : i32 to vector<16xi32>
    %and3A_349 = arith.andi %get3A_335, %and3A_348 : vector<16xi32>
    %swap3A_350 = arith.constant 1 : i32
    %swap3A_351 = arith.constant 0 : i32
    %swap3A_352 = arith.index_cast %swap3A_350 : i32 to index
    %swap3A_353 = arith.index_cast %swap3A_351 : i32 to index
    %swap3A_354 = arith.constant 48 : index
    %swap3A_355 = tpu.vector_load %arg7[%swap3A_352, %swap3A_353, %swap3A_354] {strides = array<i32>} : memref<3x2x64xi32, #tpu.memory_space<vmem>>, vector<1x1x16xi32>,
    %swap3A_356 = vector.shape_cast %swap3A_355 : vector<1x1x16xi32> to vector<16xi32>
    %swap3A_357 = vector.shape_cast %and3A_349 : vector<16xi32> to vector<1x1x16xi32>
    tpu.vector_store %arg7[%swap3A_352, %swap3A_353, %swap3A_354], %swap3A_357 {strides = array<i32>} : memref<3x2x64xi32, #tpu.memory_space<vmem>>, vector<1x1x16xi32>,
    %get3A_358 = arith.index_cast %min3A_253 : i32 to index
    %get3A_359 = arith.constant 64 : index
    %get3A_360 = tpu.vector_load %arg5[%get3A_358, %get3A_359] {strides = array<i32>} : memref<159x128xi32, #tpu.memory_space<vmem>>, vector<1x16xi32>,
    %get3A_361 = vector.shape_cast %get3A_360 : vector<1x16xi32> to vector<16xi32>
    %shift_right_logical3A_362 = arith.constant 14 : i32
    %shift_right_logical3A_363 = vector.broadcast %shift_right_logical3A_362 : i32 to vector<16xi32>
    %shift_right_logical3A_364 = arith.shrui %get3A_361, %shift_right_logical3A_363 : vector<16xi32>
    %swap3A_365 = arith.constant 1 : i32
    %swap3A_366 = arith.constant 0 : i32
    %swap3A_367 = arith.index_cast %swap3A_365 : i32 to index
    %swap3A_368 = arith.index_cast %swap3A_366 : i32 to index
    %swap3A_369 = arith.constant 64 : index
    %swap3A_370 = tpu.vector_load %arg6[%swap3A_367, %swap3A_368, %swap3A_369] {strides = array<i32>} : memref<3x1x128xi32, #tpu.memory_space<vmem>>, vector<1x1x16xi32>,
    %swap3A_371 = vector.shape_cast %swap3A_370 : vector<1x1x16xi32> to vector<16xi32>
    %swap3A_372 = vector.shape_cast %shift_right_logical3A_364 : vector<16xi32> to vector<1x1x16xi32>
    tpu.vector_store %arg6[%swap3A_367, %swap3A_368, %swap3A_369], %swap3A_372 {strides = array<i32>} : memref<3x1x128xi32, #tpu.memory_space<vmem>>, vector<1x1x16xi32>,
    %and3A_373 = arith.constant 16383 : i32
    %and3A_374 = vector.broadcast %and3A_373 : i32 to vector<16xi32>
    %and3A_375 = arith.andi %get3A_361, %and3A_374 : vector<16xi32>
    %swap3A_376 = arith.constant 1 : i32
    %swap3A_377 = arith.constant 1 : i32
    %swap3A_378 = arith.index_cast %swap3A_376 : i32 to index
    %swap3A_379 = arith.index_cast %swap3A_377 : i32 to index
    %swap3A_380 = arith.constant 0 : index
    %swap3A_381 = tpu.vector_load %arg7[%swap3A_378, %swap3A_379, %swap3A_380] {strides = array<i32>} : memref<3x2x64xi32, #tpu.memory_space<vmem>>, vector<1x1x16xi32>,
    %swap3A_382 = vector.shape_cast %swap3A_381 : vector<1x1x16xi32> to vector<16xi32>
    %swap3A_383 = vector.shape_cast %and3A_375 : vector<16xi32> to vector<1x1x16xi32>
    tpu.vector_store %arg7[%swap3A_378, %swap3A_379, %swap3A_380], %swap3A_383 {strides = array<i32>} : memref<3x2x64xi32, #tpu.memory_space<vmem>>, vector<1x1x16xi32>,
    %get3A_384 = arith.index_cast %min3A_253 : i32 to index
    %get3A_385 = arith.constant 80 : index
    %get3A_386 = tpu.vector_load %arg5[%get3A_384, %get3A_385] {strides = array<i32>} : memref<159x128xi32, #tpu.memory_space<vmem>>, vector<1x16xi32>,
    %get3A_387 = vector.shape_cast %get3A_386 : vector<1x16xi32> to vector<16xi32>
    %shift_right_logical3A_388 = arith.constant 14 : i32
    %shift_right_logical3A_389 = vector.broadcast %shift_right_logical3A_388 : i32 to vector<16xi32>
    %shift_right_logical3A_390 = arith.shrui %get3A_387, %shift_right_logical3A_389 : vector<16xi32>
    %swap3A_391 = arith.constant 1 : i32
    %swap3A_392 = arith.constant 0 : i32
    %swap3A_393 = arith.index_cast %swap3A_391 : i32 to index
    %swap3A_394 = arith.index_cast %swap3A_392 : i32 to index
    %swap3A_395 = arith.constant 80 : index
    %swap3A_396 = tpu.vector_load %arg6[%swap3A_393, %swap3A_394, %swap3A_395] {strides = array<i32>} : memref<3x1x128xi32, #tpu.memory_space<vmem>>, vector<1x1x16xi32>,
    %swap3A_397 = vector.shape_cast %swap3A_396 : vector<1x1x16xi32> to vector<16xi32>
    %swap3A_398 = vector.shape_cast %shift_right_logical3A_390 : vector<16xi32> to vector<1x1x16xi32>
    tpu.vector_store %arg6[%swap3A_393, %swap3A_394, %swap3A_395], %swap3A_398 {strides = array<i32>} : memref<3x1x128xi32, #tpu.memory_space<vmem>>, vector<1x1x16xi32>,
    %and3A_399 = arith.constant 16383 : i32
    %and3A_400 = vector.broadcast %and3A_399 : i32 to vector<16xi32>
    %and3A_401 = arith.andi %get3A_387, %and3A_400 : vector<16xi32>
    %swap3A_402 = arith.constant 1 : i32
    %swap3A_403 = arith.constant 1 : i32
    %swap3A_404 = arith.index_cast %swap3A_402 : i32 to index
    %swap3A_405 = arith.index_cast %swap3A_403 : i32 to index
    %swap3A_406 = arith.constant 16 : index
    %swap3A_407 = tpu.vector_load %arg7[%swap3A_404, %swap3A_405, %swap3A_406] {strides = array<i32>} : memref<3x2x64xi32, #tpu.memory_space<vmem>>, vector<1x1x16xi32>,
    %swap3A_408 = vector.shape_cast %swap3A_407 : vector<1x1x16xi32> to vector<16xi32>
    %swap3A_409 = vector.shape_cast %and3A_401 : vector<16xi32> to vector<1x1x16xi32>
    tpu.vector_store %arg7[%swap3A_404, %swap3A_405, %swap3A_406], %swap3A_409 {strides = array<i32>} : memref<3x2x64xi32, #tpu.memory_space<vmem>>, vector<1x1x16xi32>,
    %get3A_410 = arith.index_cast %min3A_253 : i32 to index
    %get3A_411 = arith.constant 96 : index
    %get3A_412 = tpu.vector_load %arg5[%get3A_410, %get3A_411] {strides = array<i32>} : memref<159x128xi32, #tpu.memory_space<vmem>>, vector<1x16xi32>,
    %get3A_413 = vector.shape_cast %get3A_412 : vector<1x16xi32> to vector<16xi32>
    %shift_right_logical3A_414 = arith.constant 14 : i32
    %shift_right_logical3A_415 = vector.broadcast %shift_right_logical3A_414 : i32 to vector<16xi32>
    %shift_right_logical3A_416 = arith.shrui %get3A_413, %shift_right_logical3A_415 : vector<16xi32>
    %swap3A_417 = arith.constant 1 : i32
    %swap3A_418 = arith.constant 0 : i32
    %swap3A_419 = arith.index_cast %swap3A_417 : i32 to index
    %swap3A_420 = arith.index_cast %swap3A_418 : i32 to index
    %swap3A_421 = arith.constant 96 : index
    %swap3A_422 = tpu.vector_load %arg6[%swap3A_419, %swap3A_420, %swap3A_421] {strides = array<i32>} : memref<3x1x128xi32, #tpu.memory_space<vmem>>, vector<1x1x16xi32>,
    %swap3A_423 = vector.shape_cast %swap3A_422 : vector<1x1x16xi32> to vector<16xi32>
    %swap3A_424 = vector.shape_cast %shift_right_logical3A_416 : vector<16xi32> to vector<1x1x16xi32>
    tpu.vector_store %arg6[%swap3A_419, %swap3A_420, %swap3A_421], %swap3A_424 {strides = array<i32>} : memref<3x1x128xi32, #tpu.memory_space<vmem>>, vector<1x1x16xi32>,
    %and3A_425 = arith.constant 16383 : i32
    %and3A_426 = vector.broadcast %and3A_425 : i32 to vector<16xi32>
    %and3A_427 = arith.andi %get3A_413, %and3A_426 : vector<16xi32>
    %swap3A_428 = arith.constant 1 : i32
    %swap3A_429 = arith.constant 1 : i32
    %swap3A_430 = arith.index_cast %swap3A_428 : i32 to index
    %swap3A_431 = arith.index_cast %swap3A_429 : i32 to index
    %swap3A_432 = arith.constant 32 : index
    %swap3A_433 = tpu.vector_load %arg7[%swap3A_430, %swap3A_431, %swap3A_432] {strides = array<i32>} : memref<3x2x64xi32, #tpu.memory_space<vmem>>, vector<1x1x16xi32>,
    %swap3A_434 = vector.shape_cast %swap3A_433 : vector<1x1x16xi32> to vector<16xi32>
    %swap3A_435 = vector.shape_cast %and3A_427 : vector<16xi32> to vector<1x1x16xi32>
    tpu.vector_store %arg7[%swap3A_430, %swap3A_431, %swap3A_432], %swap3A_435 {strides = array<i32>} : memref<3x2x64xi32, #tpu.memory_space<vmem>>, vector<1x1x16xi32>,
    %get3A_436 = arith.index_cast %min3A_253 : i32 to index
    %get3A_437 = arith.constant 112 : index
    %get3A_438 = tpu.vector_load %arg5[%get3A_436, %get3A_437] {strides = array<i32>} : memref<159x128xi32, #tpu.memory_space<vmem>>, vector<1x16xi32>,
    %get3A_439 = vector.shape_cast %get3A_438 : vector<1x16xi32> to vector<16xi32>
    %shift_right_logical3A_440 = arith.constant 14 : i32
    %shift_right_logical3A_441 = vector.broadcast %shift_right_logical3A_440 : i32 to vector<16xi32>
    %shift_right_logical3A_442 = arith.shrui %get3A_439, %shift_right_logical3A_441 : vector<16xi32>
    %swap3A_443 = arith.constant 1 : i32
    %swap3A_444 = arith.constant 0 : i32
    %swap3A_445 = arith.index_cast %swap3A_443 : i32 to index
    %swap3A_446 = arith.index_cast %swap3A_444 : i32 to index
    %swap3A_447 = arith.constant 112 : index
    %swap3A_448 = tpu.vector_load %arg6[%swap3A_445, %swap3A_446, %swap3A_447] {strides = array<i32>} : memref<3x1x128xi32, #tpu.memory_space<vmem>>, vector<1x1x16xi32>,
    %swap3A_449 = vector.shape_cast %swap3A_448 : vector<1x1x16xi32> to vector<16xi32>
    %swap3A_450 = vector.shape_cast %shift_right_logical3A_442 : vector<16xi32> to vector<1x1x16xi32>
    tpu.vector_store %arg6[%swap3A_445, %swap3A_446, %swap3A_447], %swap3A_450 {strides = array<i32>} : memref<3x1x128xi32, #tpu.memory_space<vmem>>, vector<1x1x16xi32>,
    %and3A_451 = arith.constant 16383 : i32
    %and3A_452 = vector.broadcast %and3A_451 : i32 to vector<16xi32>
    %and3A_453 = arith.andi %get3A_439, %and3A_452 : vector<16xi32>
    %swap3A_454 = arith.constant 1 : i32
    %swap3A_455 = arith.constant 1 : i32
    %swap3A_456 = arith.index_cast %swap3A_454 : i32 to index
    %swap3A_457 = arith.index_cast %swap3A_455 : i32 to index
    %swap3A_458 = arith.constant 48 : index
    %swap3A_459 = tpu.vector_load %arg7[%swap3A_456, %swap3A_457, %swap3A_458] {strides = array<i32>} : memref<3x2x64xi32, #tpu.memory_space<vmem>>, vector<1x1x16xi32>,
    %swap3A_460 = vector.shape_cast %swap3A_459 : vector<1x1x16xi32> to vector<16xi32>
    %swap3A_461 = vector.shape_cast %and3A_453 : vector<16xi32> to vector<1x1x16xi32>
    tpu.vector_store %arg7[%swap3A_456, %swap3A_457, %swap3A_458], %swap3A_461 {strides = array<i32>} : memref<3x2x64xi32, #tpu.memory_space<vmem>>, vector<1x1x16xi32>,
    %dma_start3A_462 = arith.constant 1 : i32
    %dma_start3A_463 = arith.constant 0 : i32
    %dma_start3A_464 = arith.constant 1 : i32
    %dma_start3A_465 = arith.constant 0 : i32
    %dma_start3A_466 = arith.constant 0 : i32
    %dma_start3A_467 = tpu.memref_slice %arg8[%dma_start3A_464, %dma_start3A_465, %dma_start3A_466] : memref<3x128x64xf32, #tpu.memory_space<vmem>> -> memref<1x128x64xf32, #tpu.memory_space<vmem>>
    %dma_start3A_468 = tpu.memref_squeeze %dma_start3A_467 : memref<1x128x64xf32, #tpu.memory_space<vmem>> -> memref<128x64xf32, #tpu.memory_space<vmem>>
    %dma_start3A_469 = arith.constant 0 : i32
    %dma_start3A_470 = tpu.memref_slice %arg6[%dma_start3A_462, %dma_start3A_463, %dma_start3A_469] : memref<3x1x128xi32, #tpu.memory_space<vmem>> -> memref<1x1x128xi32, #tpu.memory_space<vmem>>
    %dma_start3A_471 = tpu.memref_squeeze %dma_start3A_470 : memref<1x1x128xi32, #tpu.memory_space<vmem>> -> memref<128xi32, #tpu.memory_space<vmem>>
    %dma_start3A_472 = arith.constant 0 : i32
    %dma_start3A_473 = arith.constant 0 : i32
    %dma_start3A_474 = tpu.memref_slice %arg9[%dma_start3A_472, %dma_start3A_473] : memref<10000x64xf32, #tpu.memory_space<vmem_shared>> -> memref<10000x64xf32, #tpu.memory_space<vmem_shared>>
    tpu.enqueue_indirect_dma source(%dma_start3A_474 : memref<10000x64xf32, #tpu.memory_space<vmem_shared>>) target(%dma_start3A_468 : memref<128x64xf32, #tpu.memory_space<vmem>>) offsets(%dma_start3A_471 : memref<128xi32, #tpu.memory_space<vmem>>) semaphore(%arg12 : memref<!tpu.dma_semaphore, #tpu.memory_space<semaphore_mem>>)
    %dma_wait3A = arith.constant 0 : i32
    %dma_wait3A_475 = arith.constant 0 : i32
    %dma_wait3A_476 = arith.constant 0 : i32
    %dma_wait3A_477 = arith.constant 0 : i32
    %dma_wait3A_478 = arith.constant 0 : i32
    %dma_wait3A_479 = tpu.memref_slice %arg8[%dma_wait3A_476, %dma_wait3A_477, %dma_wait3A_478] : memref<3x128x64xf32, #tpu.memory_space<vmem>> -> memref<1x128x64xf32, #tpu.memory_space<vmem>>
    %dma_wait3A_480 = tpu.memref_squeeze %dma_wait3A_479 : memref<1x128x64xf32, #tpu.memory_space<vmem>> -> memref<128x64xf32, #tpu.memory_space<vmem>>
    %dma_wait3A_481 = arith.constant 0 : i32
    %dma_wait3A_482 = tpu.memref_slice %arg6[%dma_wait3A, %dma_wait3A_475, %dma_wait3A_481] : memref<3x1x128xi32, #tpu.memory_space<vmem>> -> memref<1x1x128xi32, #tpu.memory_space<vmem>>
    %dma_wait3A_483 = tpu.memref_squeeze %dma_wait3A_482 : memref<1x1x128xi32, #tpu.memory_space<vmem>> -> memref<128xi32, #tpu.memory_space<vmem>>
    %dma_wait3A_484 = arith.constant 0 : i32
    %dma_wait3A_485 = arith.constant 0 : i32
    %dma_wait3A_486 = tpu.memref_slice %arg9[%dma_wait3A_484, %dma_wait3A_485] : memref<10000x64xf32, #tpu.memory_space<vmem_shared>> -> memref<10000x64xf32, #tpu.memory_space<vmem_shared>>
    tpu.wait_indirect_dma semaphore(%arg11 : memref<!tpu.dma_semaphore, #tpu.memory_space<semaphore_mem>>) src(%dma_wait3A_486 : memref<10000x64xf32, #tpu.memory_space<vmem_shared>>) dst(%dma_wait3A_480 : memref<128x64xf32, #tpu.memory_space<vmem>>)
    %dma_start3A_487 = arith.constant 0 : i32
    %dma_start3A_488 = arith.constant 0 : i32
    %dma_start3A_489 = arith.constant 0 : i32
    %dma_start3A_490 = arith.constant 0 : i32
    %dma_start3A_491 = arith.constant 0 : i32
    %dma_start3A_492 = tpu.memref_slice %arg8[%dma_start3A_487, %dma_start3A_490, %dma_start3A_491] : memref<3x128x64xf32, #tpu.memory_space<vmem>> -> memref<1x64x64xf32, #tpu.memory_space<vmem>>
    %dma_start3A_493 = tpu.memref_squeeze %dma_start3A_492 : memref<1x64x64xf32, #tpu.memory_space<vmem>> -> memref<64x64xf32, #tpu.memory_space<vmem>>
    %dma_start3A_494 = arith.constant 0 : i32
    %dma_start3A_495 = tpu.memref_slice %arg7[%dma_start3A_488, %dma_start3A_489, %dma_start3A_494] : memref<3x2x64xi32, #tpu.memory_space<vmem>> -> memref<1x1x64xi32, #tpu.memory_space<vmem>>
    %dma_start3A_496 = tpu.memref_squeeze %dma_start3A_495 : memref<1x1x64xi32, #tpu.memory_space<vmem>> -> memref<64xi32, #tpu.memory_space<vmem>>
    %dma_start3A_497 = arith.constant 0 : i32
    %dma_start3A_498 = arith.constant 0 : i32
    %dma_start3A_499 = tpu.memref_slice %arg10[%dma_start3A_497, %dma_start3A_498] : memref<10240x64xf32, #tpu.memory_space<vmem_shared>> -> memref<10240x64xf32, #tpu.memory_space<vmem_shared>>
    tpu.enqueue_indirect_dma source(%dma_start3A_493 : memref<64x64xf32, #tpu.memory_space<vmem>>) target(%dma_start3A_499 : memref<10240x64xf32, #tpu.memory_space<vmem_shared>>) offsets(%dma_start3A_496 : memref<64xi32, #tpu.memory_space<vmem>>) semaphore(%arg14 : memref<!tpu.dma_semaphore, #tpu.memory_space<semaphore_mem>>) {add = true}
    %dma_start3A_500 = arith.constant 0 : i32
    %dma_start3A_501 = arith.constant 0 : i32
    %dma_start3A_502 = arith.constant 1 : i32
    %dma_start3A_503 = arith.constant 64 : i32
    %dma_start3A_504 = arith.constant 0 : i32
    %dma_start3A_505 = tpu.memref_slice %arg8[%dma_start3A_500, %dma_start3A_503, %dma_start3A_504] : memref<3x128x64xf32, #tpu.memory_space<vmem>> -> memref<1x64x64xf32, #tpu.memory_space<vmem>>
    %dma_start3A_506 = tpu.memref_squeeze %dma_start3A_505 : memref<1x64x64xf32, #tpu.memory_space<vmem>> -> memref<64x64xf32, #tpu.memory_space<vmem>>
    %dma_start3A_507 = arith.constant 0 : i32
    %dma_start3A_508 = tpu.memref_slice %arg7[%dma_start3A_501, %dma_start3A_502, %dma_start3A_507] : memref<3x2x64xi32, #tpu.memory_space<vmem>> -> memref<1x1x64xi32, #tpu.memory_space<vmem>>
    %dma_start3A_509 = tpu.memref_squeeze %dma_start3A_508 : memref<1x1x64xi32, #tpu.memory_space<vmem>> -> memref<64xi32, #tpu.memory_space<vmem>>
    %dma_start3A_510 = arith.constant 0 : i32
    %dma_start3A_511 = arith.constant 0 : i32
    %dma_start3A_512 = tpu.memref_slice %arg10[%dma_start3A_510, %dma_start3A_511] : memref<10240x64xf32, #tpu.memory_space<vmem_shared>> -> memref<10240x64xf32, #tpu.memory_space<vmem_shared>>
    tpu.enqueue_indirect_dma source(%dma_start3A_506 : memref<64x64xf32, #tpu.memory_space<vmem>>) target(%dma_start3A_512 : memref<10240x64xf32, #tpu.memory_space<vmem_shared>>) offsets(%dma_start3A_509 : memref<64xi32, #tpu.memory_space<vmem>>) semaphore(%arg15 : memref<!tpu.dma_semaphore, #tpu.memory_space<semaphore_mem>>) {add = true}
    %min3A_513 = arith.constant 2 : i32
    %min3A_514 = arith.constant 158 : i32
    %min3A_515 = arith.minsi %min3A_513, %min3A_514 : i32
    %get3A_516 = arith.index_cast %min3A_515 : i32 to index
    %get3A_517 = arith.constant 0 : index
    %get3A_518 = tpu.vector_load %arg5[%get3A_516, %get3A_517] {strides = array<i32>} : memref<159x128xi32, #tpu.memory_space<vmem>>, vector<1x16xi32>,
    %get3A_519 = vector.shape_cast %get3A_518 : vector<1x16xi32> to vector<16xi32>
    %shift_right_logical3A_520 = arith.constant 14 : i32
    %shift_right_logical3A_521 = vector.broadcast %shift_right_logical3A_520 : i32 to vector<16xi32>
    %shift_right_logical3A_522 = arith.shrui %get3A_519, %shift_right_logical3A_521 : vector<16xi32>
    %swap3A_523 = arith.constant 2 : i32
    %swap3A_524 = arith.constant 0 : i32
    %swap3A_525 = arith.index_cast %swap3A_523 : i32 to index
    %swap3A_526 = arith.index_cast %swap3A_524 : i32 to index
    %swap3A_527 = arith.constant 0 : index
    %swap3A_528 = tpu.vector_load %arg6[%swap3A_525, %swap3A_526, %swap3A_527] {strides = array<i32>} : memref<3x1x128xi32, #tpu.memory_space<vmem>>, vector<1x1x16xi32>,
    %swap3A_529 = vector.shape_cast %swap3A_528 : vector<1x1x16xi32> to vector<16xi32>
    %swap3A_530 = vector.shape_cast %shift_right_logical3A_522 : vector<16xi32> to vector<1x1x16xi32>
    tpu.vector_store %arg6[%swap3A_525, %swap3A_526, %swap3A_527], %swap3A_530 {strides = array<i32>} : memref<3x1x128xi32, #tpu.memory_space<vmem>>, vector<1x1x16xi32>,
    %and3A_531 = arith.constant 16383 : i32
    %and3A_532 = vector.broadcast %and3A_531 : i32 to vector<16xi32>
    %and3A_533 = arith.andi %get3A_519, %and3A_532 : vector<16xi32>
    %swap3A_534 = arith.constant 2 : i32
    %swap3A_535 = arith.constant 0 : i32
    %swap3A_536 = arith.index_cast %swap3A_534 : i32 to index
    %swap3A_537 = arith.index_cast %swap3A_535 : i32 to index
    %swap3A_538 = arith.constant 0 : index
    %swap3A_539 = tpu.vector_load %arg7[%swap3A_536, %swap3A_537, %swap3A_538] {strides = array<i32>} : memref<3x2x64xi32, #tpu.memory_space<vmem>>, vector<1x1x16xi32>,
    %swap3A_540 = vector.shape_cast %swap3A_539 : vector<1x1x16xi32> to vector<16xi32>
    %swap3A_541 = vector.shape_cast %and3A_533 : vector<16xi32> to vector<1x1x16xi32>
    tpu.vector_store %arg7[%swap3A_536, %swap3A_537, %swap3A_538], %swap3A_541 {strides = array<i32>} : memref<3x2x64xi32, #tpu.memory_space<vmem>>, vector<1x1x16xi32>,
    %get3A_542 = arith.index_cast %min3A_515 : i32 to index
    %get3A_543 = arith.constant 16 : index
    %get3A_544 = tpu.vector_load %arg5[%get3A_542, %get3A_543] {strides = array<i32>} : memref<159x128xi32, #tpu.memory_space<vmem>>, vector<1x16xi32>,
    %get3A_545 = vector.shape_cast %get3A_544 : vector<1x16xi32> to vector<16xi32>
    %shift_right_logical3A_546 = arith.constant 14 : i32
    %shift_right_logical3A_547 = vector.broadcast %shift_right_logical3A_546 : i32 to vector<16xi32>
    %shift_right_logical3A_548 = arith.shrui %get3A_545, %shift_right_logical3A_547 : vector<16xi32>
    %swap3A_549 = arith.constant 2 : i32
    %swap3A_550 = arith.constant 0 : i32
    %swap3A_551 = arith.index_cast %swap3A_549 : i32 to index
    %swap3A_552 = arith.index_cast %swap3A_550 : i32 to index
    %swap3A_553 = arith.constant 16 : index
    %swap3A_554 = tpu.vector_load %arg6[%swap3A_551, %swap3A_552, %swap3A_553] {strides = array<i32>} : memref<3x1x128xi32, #tpu.memory_space<vmem>>, vector<1x1x16xi32>,
    %swap3A_555 = vector.shape_cast %swap3A_554 : vector<1x1x16xi32> to vector<16xi32>
    %swap3A_556 = vector.shape_cast %shift_right_logical3A_548 : vector<16xi32> to vector<1x1x16xi32>
    tpu.vector_store %arg6[%swap3A_551, %swap3A_552, %swap3A_553], %swap3A_556 {strides = array<i32>} : memref<3x1x128xi32, #tpu.memory_space<vmem>>, vector<1x1x16xi32>,
    %and3A_557 = arith.constant 16383 : i32
    %and3A_558 = vector.broadcast %and3A_557 : i32 to vector<16xi32>
    %and3A_559 = arith.andi %get3A_545, %and3A_558 : vector<16xi32>
    %swap3A_560 = arith.constant 2 : i32
    %swap3A_561 = arith.constant 0 : i32
    %swap3A_562 = arith.index_cast %swap3A_560 : i32 to index
    %swap3A_563 = arith.index_cast %swap3A_561 : i32 to index
    %swap3A_564 = arith.constant 16 : index
    %swap3A_565 = tpu.vector_load %arg7[%swap3A_562, %swap3A_563, %swap3A_564] {strides = array<i32>} : memref<3x2x64xi32, #tpu.memory_space<vmem>>, vector<1x1x16xi32>,
    %swap3A_566 = vector.shape_cast %swap3A_565 : vector<1x1x16xi32> to vector<16xi32>
    %swap3A_567 = vector.shape_cast %and3A_559 : vector<16xi32> to vector<1x1x16xi32>
    tpu.vector_store %arg7[%swap3A_562, %swap3A_563, %swap3A_564], %swap3A_567 {strides = array<i32>} : memref<3x2x64xi32, #tpu.memory_space<vmem>>, vector<1x1x16xi32>,
    %get3A_568 = arith.index_cast %min3A_515 : i32 to index
    %get3A_569 = arith.constant 32 : index
    %get3A_570 = tpu.vector_load %arg5[%get3A_568, %get3A_569] {strides = array<i32>} : memref<159x128xi32, #tpu.memory_space<vmem>>, vector<1x16xi32>,
    %get3A_571 = vector.shape_cast %get3A_570 : vector<1x16xi32> to vector<16xi32>
    %shift_right_logical3A_572 = arith.constant 14 : i32
    %shift_right_logical3A_573 = vector.broadcast %shift_right_logical3A_572 : i32 to vector<16xi32>
    %shift_right_logical3A_574 = arith.shrui %get3A_571, %shift_right_logical3A_573 : vector<16xi32>
    %swap3A_575 = arith.constant 2 : i32
    %swap3A_576 = arith.constant 0 : i32
    %swap3A_577 = arith.index_cast %swap3A_575 : i32 to index
    %swap3A_578 = arith.index_cast %swap3A_576 : i32 to index
    %swap3A_579 = arith.constant 32 : index
    %swap3A_580 = tpu.vector_load %arg6[%swap3A_577, %swap3A_578, %swap3A_579] {strides = array<i32>} : memref<3x1x128xi32, #tpu.memory_space<vmem>>, vector<1x1x16xi32>,
    %swap3A_581 = vector.shape_cast %swap3A_580 : vector<1x1x16xi32> to vector<16xi32>
    %swap3A_582 = vector.shape_cast %shift_right_logical3A_574 : vector<16xi32> to vector<1x1x16xi32>
    tpu.vector_store %arg6[%swap3A_577, %swap3A_578, %swap3A_579], %swap3A_582 {strides = array<i32>} : memref<3x1x128xi32, #tpu.memory_space<vmem>>, vector<1x1x16xi32>,
    %and3A_583 = arith.constant 16383 : i32
    %and3A_584 = vector.broadcast %and3A_583 : i32 to vector<16xi32>
    %and3A_585 = arith.andi %get3A_571, %and3A_584 : vector<16xi32>
    %swap3A_586 = arith.constant 2 : i32
    %swap3A_587 = arith.constant 0 : i32
    %swap3A_588 = arith.index_cast %swap3A_586 : i32 to index
    %swap3A_589 = arith.index_cast %swap3A_587 : i32 to index
    %swap3A_590 = arith.constant 32 : index
    %swap3A_591 = tpu.vector_load %arg7[%swap3A_588, %swap3A_589, %swap3A_590] {strides = array<i32>} : memref<3x2x64xi32, #tpu.memory_space<vmem>>, vector<1x1x16xi32>,
    %swap3A_592 = vector.shape_cast %swap3A_591 : vector<1x1x16xi32> to vector<16xi32>
    %swap3A_593 = vector.shape_cast %and3A_585 : vector<16xi32> to vector<1x1x16xi32>
    tpu.vector_store %arg7[%swap3A_588, %swap3A_589, %swap3A_590], %swap3A_593 {strides = array<i32>} : memref<3x2x64xi32, #tpu.memory_space<vmem>>, vector<1x1x16xi32>,
    %get3A_594 = arith.index_cast %min3A_515 : i32 to index
    %get3A_595 = arith.constant 48 : index
    %get3A_596 = tpu.vector_load %arg5[%get3A_594, %get3A_595] {strides = array<i32>} : memref<159x128xi32, #tpu.memory_space<vmem>>, vector<1x16xi32>,
    %get3A_597 = vector.shape_cast %get3A_596 : vector<1x16xi32> to vector<16xi32>
    %shift_right_logical3A_598 = arith.constant 14 : i32
    %shift_right_logical3A_599 = vector.broadcast %shift_right_logical3A_598 : i32 to vector<16xi32>
    %shift_right_logical3A_600 = arith.shrui %get3A_597, %shift_right_logical3A_599 : vector<16xi32>
    %swap3A_601 = arith.constant 2 : i32
    %swap3A_602 = arith.constant 0 : i32
    %swap3A_603 = arith.index_cast %swap3A_601 : i32 to index
    %swap3A_604 = arith.index_cast %swap3A_602 : i32 to index
    %swap3A_605 = arith.constant 48 : index
    %swap3A_606 = tpu.vector_load %arg6[%swap3A_603, %swap3A_604, %swap3A_605] {strides = array<i32>} : memref<3x1x128xi32, #tpu.memory_space<vmem>>, vector<1x1x16xi32>,
    %swap3A_607 = vector.shape_cast %swap3A_606 : vector<1x1x16xi32> to vector<16xi32>
    %swap3A_608 = vector.shape_cast %shift_right_logical3A_600 : vector<16xi32> to vector<1x1x16xi32>
    tpu.vector_store %arg6[%swap3A_603, %swap3A_604, %swap3A_605], %swap3A_608 {strides = array<i32>} : memref<3x1x128xi32, #tpu.memory_space<vmem>>, vector<1x1x16xi32>,
    %and3A_609 = arith.constant 16383 : i32
    %and3A_610 = vector.broadcast %and3A_609 : i32 to vector<16xi32>
    %and3A_611 = arith.andi %get3A_597, %and3A_610 : vector<16xi32>
    %swap3A_612 = arith.constant 2 : i32
    %swap3A_613 = arith.constant 0 : i32
    %swap3A_614 = arith.index_cast %swap3A_612 : i32 to index
    %swap3A_615 = arith.index_cast %swap3A_613 : i32 to index
    %swap3A_616 = arith.constant 48 : index
    %swap3A_617 = tpu.vector_load %arg7[%swap3A_614, %swap3A_615, %swap3A_616] {strides = array<i32>} : memref<3x2x64xi32, #tpu.memory_space<vmem>>, vector<1x1x16xi32>,
    %swap3A_618 = vector.shape_cast %swap3A_617 : vector<1x1x16xi32> to vector<16xi32>
    %swap3A_619 = vector.shape_cast %and3A_611 : vector<16xi32> to vector<1x1x16xi32>
    tpu.vector_store %arg7[%swap3A_614, %swap3A_615, %swap3A_616], %swap3A_619 {strides = array<i32>} : memref<3x2x64xi32, #tpu.memory_space<vmem>>, vector<1x1x16xi32>,
    %get3A_620 = arith.index_cast %min3A_515 : i32 to index
    %get3A_621 = arith.constant 64 : index
    %get3A_622 = tpu.vector_load %arg5[%get3A_620, %get3A_621] {strides = array<i32>} : memref<159x128xi32, #tpu.memory_space<vmem>>, vector<1x16xi32>,
    %get3A_623 = vector.shape_cast %get3A_622 : vector<1x16xi32> to vector<16xi32>
    %shift_right_logical3A_624 = arith.constant 14 : i32
    %shift_right_logical3A_625 = vector.broadcast %shift_right_logical3A_624 : i32 to vector<16xi32>
    %shift_right_logical3A_626 = arith.shrui %get3A_623, %shift_right_logical3A_625 : vector<16xi32>
    %swap3A_627 = arith.constant 2 : i32
    %swap3A_628 = arith.constant 0 : i32
    %swap3A_629 = arith.index_cast %swap3A_627 : i32 to index
    %swap3A_630 = arith.index_cast %swap3A_628 : i32 to index
    %swap3A_631 = arith.constant 64 : index
    %swap3A_632 = tpu.vector_load %arg6[%swap3A_629, %swap3A_630, %swap3A_631] {strides = array<i32>} : memref<3x1x128xi32, #tpu.memory_space<vmem>>, vector<1x1x16xi32>,
    %swap3A_633 = vector.shape_cast %swap3A_632 : vector<1x1x16xi32> to vector<16xi32>
    %swap3A_634 = vector.shape_cast %shift_right_logical3A_626 : vector<16xi32> to vector<1x1x16xi32>
    tpu.vector_store %arg6[%swap3A_629, %swap3A_630, %swap3A_631], %swap3A_634 {strides = array<i32>} : memref<3x1x128xi32, #tpu.memory_space<vmem>>, vector<1x1x16xi32>,
    %and3A_635 = arith.constant 16383 : i32
    %and3A_636 = vector.broadcast %and3A_635 : i32 to vector<16xi32>
    %and3A_637 = arith.andi %get3A_623, %and3A_636 : vector<16xi32>
    %swap3A_638 = arith.constant 2 : i32
    %swap3A_639 = arith.constant 1 : i32
    %swap3A_640 = arith.index_cast %swap3A_638 : i32 to index
    %swap3A_641 = arith.index_cast %swap3A_639 : i32 to index
    %swap3A_642 = arith.constant 0 : index
    %swap3A_643 = tpu.vector_load %arg7[%swap3A_640, %swap3A_641, %swap3A_642] {strides = array<i32>} : memref<3x2x64xi32, #tpu.memory_space<vmem>>, vector<1x1x16xi32>,
    %swap3A_644 = vector.shape_cast %swap3A_643 : vector<1x1x16xi32> to vector<16xi32>
    %swap3A_645 = vector.shape_cast %and3A_637 : vector<16xi32> to vector<1x1x16xi32>
    tpu.vector_store %arg7[%swap3A_640, %swap3A_641, %swap3A_642], %swap3A_645 {strides = array<i32>} : memref<3x2x64xi32, #tpu.memory_space<vmem>>, vector<1x1x16xi32>,
    %get3A_646 = arith.index_cast %min3A_515 : i32 to index
    %get3A_647 = arith.constant 80 : index
    %get3A_648 = tpu.vector_load %arg5[%get3A_646, %get3A_647] {strides = array<i32>} : memref<159x128xi32, #tpu.memory_space<vmem>>, vector<1x16xi32>,
    %get3A_649 = vector.shape_cast %get3A_648 : vector<1x16xi32> to vector<16xi32>
    %shift_right_logical3A_650 = arith.constant 14 : i32
    %shift_right_logical3A_651 = vector.broadcast %shift_right_logical3A_650 : i32 to vector<16xi32>
    %shift_right_logical3A_652 = arith.shrui %get3A_649, %shift_right_logical3A_651 : vector<16xi32>
    %swap3A_653 = arith.constant 2 : i32
    %swap3A_654 = arith.constant 0 : i32
    %swap3A_655 = arith.index_cast %swap3A_653 : i32 to index
    %swap3A_656 = arith.index_cast %swap3A_654 : i32 to index
    %swap3A_657 = arith.constant 80 : index
    %swap3A_658 = tpu.vector_load %arg6[%swap3A_655, %swap3A_656, %swap3A_657] {strides = array<i32>} : memref<3x1x128xi32, #tpu.memory_space<vmem>>, vector<1x1x16xi32>,
    %swap3A_659 = vector.shape_cast %swap3A_658 : vector<1x1x16xi32> to vector<16xi32>
    %swap3A_660 = vector.shape_cast %shift_right_logical3A_652 : vector<16xi32> to vector<1x1x16xi32>
    tpu.vector_store %arg6[%swap3A_655, %swap3A_656, %swap3A_657], %swap3A_660 {strides = array<i32>} : memref<3x1x128xi32, #tpu.memory_space<vmem>>, vector<1x1x16xi32>,
    %and3A_661 = arith.constant 16383 : i32
    %and3A_662 = vector.broadcast %and3A_661 : i32 to vector<16xi32>
    %and3A_663 = arith.andi %get3A_649, %and3A_662 : vector<16xi32>
    %swap3A_664 = arith.constant 2 : i32
    %swap3A_665 = arith.constant 1 : i32
    %swap3A_666 = arith.index_cast %swap3A_664 : i32 to index
    %swap3A_667 = arith.index_cast %swap3A_665 : i32 to index
    %swap3A_668 = arith.constant 16 : index
    %swap3A_669 = tpu.vector_load %arg7[%swap3A_666, %swap3A_667, %swap3A_668] {strides = array<i32>} : memref<3x2x64xi32, #tpu.memory_space<vmem>>, vector<1x1x16xi32>,
    %swap3A_670 = vector.shape_cast %swap3A_669 : vector<1x1x16xi32> to vector<16xi32>
    %swap3A_671 = vector.shape_cast %and3A_663 : vector<16xi32> to vector<1x1x16xi32>
    tpu.vector_store %arg7[%swap3A_666, %swap3A_667, %swap3A_668], %swap3A_671 {strides = array<i32>} : memref<3x2x64xi32, #tpu.memory_space<vmem>>, vector<1x1x16xi32>,
    %get3A_672 = arith.index_cast %min3A_515 : i32 to index
    %get3A_673 = arith.constant 96 : index
    %get3A_674 = tpu.vector_load %arg5[%get3A_672, %get3A_673] {strides = array<i32>} : memref<159x128xi32, #tpu.memory_space<vmem>>, vector<1x16xi32>,
    %get3A_675 = vector.shape_cast %get3A_674 : vector<1x16xi32> to vector<16xi32>
    %shift_right_logical3A_676 = arith.constant 14 : i32
    %shift_right_logical3A_677 = vector.broadcast %shift_right_logical3A_676 : i32 to vector<16xi32>
    %shift_right_logical3A_678 = arith.shrui %get3A_675, %shift_right_logical3A_677 : vector<16xi32>
    %swap3A_679 = arith.constant 2 : i32
    %swap3A_680 = arith.constant 0 : i32
    %swap3A_681 = arith.index_cast %swap3A_679 : i32 to index
    %swap3A_682 = arith.index_cast %swap3A_680 : i32 to index
    %swap3A_683 = arith.constant 96 : index
    %swap3A_684 = tpu.vector_load %arg6[%swap3A_681, %swap3A_682, %swap3A_683] {strides = array<i32>} : memref<3x1x128xi32, #tpu.memory_space<vmem>>, vector<1x1x16xi32>,
    %swap3A_685 = vector.shape_cast %swap3A_684 : vector<1x1x16xi32> to vector<16xi32>
    %swap3A_686 = vector.shape_cast %shift_right_logical3A_678 : vector<16xi32> to vector<1x1x16xi32>
    tpu.vector_store %arg6[%swap3A_681, %swap3A_682, %swap3A_683], %swap3A_686 {strides = array<i32>} : memref<3x1x128xi32, #tpu.memory_space<vmem>>, vector<1x1x16xi32>,
    %and3A_687 = arith.constant 16383 : i32
    %and3A_688 = vector.broadcast %and3A_687 : i32 to vector<16xi32>
    %and3A_689 = arith.andi %get3A_675, %and3A_688 : vector<16xi32>
    %swap3A_690 = arith.constant 2 : i32
    %swap3A_691 = arith.constant 1 : i32
    %swap3A_692 = arith.index_cast %swap3A_690 : i32 to index
    %swap3A_693 = arith.index_cast %swap3A_691 : i32 to index
    %swap3A_694 = arith.constant 32 : index
    %swap3A_695 = tpu.vector_load %arg7[%swap3A_692, %swap3A_693, %swap3A_694] {strides = array<i32>} : memref<3x2x64xi32, #tpu.memory_space<vmem>>, vector<1x1x16xi32>,
    %swap3A_696 = vector.shape_cast %swap3A_695 : vector<1x1x16xi32> to vector<16xi32>
    %swap3A_697 = vector.shape_cast %and3A_689 : vector<16xi32> to vector<1x1x16xi32>
    tpu.vector_store %arg7[%swap3A_692, %swap3A_693, %swap3A_694], %swap3A_697 {strides = array<i32>} : memref<3x2x64xi32, #tpu.memory_space<vmem>>, vector<1x1x16xi32>,
    %get3A_698 = arith.index_cast %min3A_515 : i32 to index
    %get3A_699 = arith.constant 112 : index
    %get3A_700 = tpu.vector_load %arg5[%get3A_698, %get3A_699] {strides = array<i32>} : memref<159x128xi32, #tpu.memory_space<vmem>>, vector<1x16xi32>,
    %get3A_701 = vector.shape_cast %get3A_700 : vector<1x16xi32> to vector<16xi32>
    %shift_right_logical3A_702 = arith.constant 14 : i32
    %shift_right_logical3A_703 = vector.broadcast %shift_right_logical3A_702 : i32 to vector<16xi32>
    %shift_right_logical3A_704 = arith.shrui %get3A_701, %shift_right_logical3A_703 : vector<16xi32>
    %swap3A_705 = arith.constant 2 : i32
    %swap3A_706 = arith.constant 0 : i32
    %swap3A_707 = arith.index_cast %swap3A_705 : i32 to index
    %swap3A_708 = arith.index_cast %swap3A_706 : i32 to index
    %swap3A_709 = arith.constant 112 : index
    %swap3A_710 = tpu.vector_load %arg6[%swap3A_707, %swap3A_708, %swap3A_709] {strides = array<i32>} : memref<3x1x128xi32, #tpu.memory_space<vmem>>, vector<1x1x16xi32>,
    %swap3A_711 = vector.shape_cast %swap3A_710 : vector<1x1x16xi32> to vector<16xi32>
    %swap3A_712 = vector.shape_cast %shift_right_logical3A_704 : vector<16xi32> to vector<1x1x16xi32>
    tpu.vector_store %arg6[%swap3A_707, %swap3A_708, %swap3A_709], %swap3A_712 {strides = array<i32>} : memref<3x1x128xi32, #tpu.memory_space<vmem>>, vector<1x1x16xi32>,
    %and3A_713 = arith.constant 16383 : i32
    %and3A_714 = vector.broadcast %and3A_713 : i32 to vector<16xi32>
    %and3A_715 = arith.andi %get3A_701, %and3A_714 : vector<16xi32>
    %swap3A_716 = arith.constant 2 : i32
    %swap3A_717 = arith.constant 1 : i32
    %swap3A_718 = arith.index_cast %swap3A_716 : i32 to index
    %swap3A_719 = arith.index_cast %swap3A_717 : i32 to index
    %swap3A_720 = arith.constant 48 : index
    %swap3A_721 = tpu.vector_load %arg7[%swap3A_718, %swap3A_719, %swap3A_720] {strides = array<i32>} : memref<3x2x64xi32, #tpu.memory_space<vmem>>, vector<1x1x16xi32>,
    %swap3A_722 = vector.shape_cast %swap3A_721 : vector<1x1x16xi32> to vector<16xi32>
    %swap3A_723 = vector.shape_cast %and3A_715 : vector<16xi32> to vector<1x1x16xi32>
    tpu.vector_store %arg7[%swap3A_718, %swap3A_719, %swap3A_720], %swap3A_723 {strides = array<i32>} : memref<3x2x64xi32, #tpu.memory_space<vmem>>, vector<1x1x16xi32>,
    %dma_start3A_724 = arith.constant 2 : i32
    %dma_start3A_725 = arith.constant 0 : i32
    %dma_start3A_726 = arith.constant 2 : i32
    %dma_start3A_727 = arith.constant 0 : i32
    %dma_start3A_728 = arith.constant 0 : i32
    %dma_start3A_729 = tpu.memref_slice %arg8[%dma_start3A_726, %dma_start3A_727, %dma_start3A_728] : memref<3x128x64xf32, #tpu.memory_space<vmem>> -> memref<1x128x64xf32, #tpu.memory_space<vmem>>
    %dma_start3A_730 = tpu.memref_squeeze %dma_start3A_729 : memref<1x128x64xf32, #tpu.memory_space<vmem>> -> memref<128x64xf32, #tpu.memory_space<vmem>>
    %dma_start3A_731 = arith.constant 0 : i32
    %dma_start3A_732 = tpu.memref_slice %arg6[%dma_start3A_724, %dma_start3A_725, %dma_start3A_731] : memref<3x1x128xi32, #tpu.memory_space<vmem>> -> memref<1x1x128xi32, #tpu.memory_space<vmem>>
    %dma_start3A_733 = tpu.memref_squeeze %dma_start3A_732 : memref<1x1x128xi32, #tpu.memory_space<vmem>> -> memref<128xi32, #tpu.memory_space<vmem>>
    %dma_start3A_734 = arith.constant 0 : i32
    %dma_start3A_735 = arith.constant 0 : i32
    %dma_start3A_736 = tpu.memref_slice %arg9[%dma_start3A_734, %dma_start3A_735] : memref<10000x64xf32, #tpu.memory_space<vmem_shared>> -> memref<10000x64xf32, #tpu.memory_space<vmem_shared>>
    tpu.enqueue_indirect_dma source(%dma_start3A_736 : memref<10000x64xf32, #tpu.memory_space<vmem_shared>>) target(%dma_start3A_730 : memref<128x64xf32, #tpu.memory_space<vmem>>) offsets(%dma_start3A_733 : memref<128xi32, #tpu.memory_space<vmem>>) semaphore(%arg13 : memref<!tpu.dma_semaphore, #tpu.memory_space<semaphore_mem>>)
    %dma_wait3A_737 = arith.constant 1 : i32
    %dma_wait3A_738 = arith.constant 0 : i32
    %dma_wait3A_739 = arith.constant 1 : i32
    %dma_wait3A_740 = arith.constant 0 : i32
    %dma_wait3A_741 = arith.constant 0 : i32
    %dma_wait3A_742 = tpu.memref_slice %arg8[%dma_wait3A_739, %dma_wait3A_740, %dma_wait3A_741] : memref<3x128x64xf32, #tpu.memory_space<vmem>> -> memref<1x128x64xf32, #tpu.memory_space<vmem>>
    %dma_wait3A_743 = tpu.memref_squeeze %dma_wait3A_742 : memref<1x128x64xf32, #tpu.memory_space<vmem>> -> memref<128x64xf32, #tpu.memory_space<vmem>>
    %dma_wait3A_744 = arith.constant 0 : i32
    %dma_wait3A_745 = tpu.memref_slice %arg6[%dma_wait3A_737, %dma_wait3A_738, %dma_wait3A_744] : memref<3x1x128xi32, #tpu.memory_space<vmem>> -> memref<1x1x128xi32, #tpu.memory_space<vmem>>
    %dma_wait3A_746 = tpu.memref_squeeze %dma_wait3A_745 : memref<1x1x128xi32, #tpu.memory_space<vmem>> -> memref<128xi32, #tpu.memory_space<vmem>>
    %dma_wait3A_747 = arith.constant 0 : i32
    %dma_wait3A_748 = arith.constant 0 : i32
    %dma_wait3A_749 = tpu.memref_slice %arg9[%dma_wait3A_747, %dma_wait3A_748] : memref<10000x64xf32, #tpu.memory_space<vmem_shared>> -> memref<10000x64xf32, #tpu.memory_space<vmem_shared>>
    tpu.wait_indirect_dma semaphore(%arg12 : memref<!tpu.dma_semaphore, #tpu.memory_space<semaphore_mem>>) src(%dma_wait3A_749 : memref<10000x64xf32, #tpu.memory_space<vmem_shared>>) dst(%dma_wait3A_743 : memref<128x64xf32, #tpu.memory_space<vmem>>)
    %dma_start3A_750 = arith.constant 1 : i32
    %dma_start3A_751 = arith.constant 1 : i32
    %dma_start3A_752 = arith.constant 0 : i32
    %dma_start3A_753 = arith.constant 0 : i32
    %dma_start3A_754 = arith.constant 0 : i32
    %dma_start3A_755 = tpu.memref_slice %arg8[%dma_start3A_750, %dma_start3A_753, %dma_start3A_754] : memref<3x128x64xf32, #tpu.memory_space<vmem>> -> memref<1x64x64xf32, #tpu.memory_space<vmem>>
    %dma_start3A_756 = tpu.memref_squeeze %dma_start3A_755 : memref<1x64x64xf32, #tpu.memory_space<vmem>> -> memref<64x64xf32, #tpu.memory_space<vmem>>
    %dma_start3A_757 = arith.constant 0 : i32
    %dma_start3A_758 = tpu.memref_slice %arg7[%dma_start3A_751, %dma_start3A_752, %dma_start3A_757] : memref<3x2x64xi32, #tpu.memory_space<vmem>> -> memref<1x1x64xi32, #tpu.memory_space<vmem>>
    %dma_start3A_759 = tpu.memref_squeeze %dma_start3A_758 : memref<1x1x64xi32, #tpu.memory_space<vmem>> -> memref<64xi32, #tpu.memory_space<vmem>>
    %dma_start3A_760 = arith.constant 0 : i32
    %dma_start3A_761 = arith.constant 0 : i32
    %dma_start3A_762 = tpu.memref_slice %arg10[%dma_start3A_760, %dma_start3A_761] : memref<10240x64xf32, #tpu.memory_space<vmem_shared>> -> memref<10240x64xf32, #tpu.memory_space<vmem_shared>>
    tpu.enqueue_indirect_dma source(%dma_start3A_756 : memref<64x64xf32, #tpu.memory_space<vmem>>) target(%dma_start3A_762 : memref<10240x64xf32, #tpu.memory_space<vmem_shared>>) offsets(%dma_start3A_759 : memref<64xi32, #tpu.memory_space<vmem>>) semaphore(%arg16 : memref<!tpu.dma_semaphore, #tpu.memory_space<semaphore_mem>>) {add = true}
    %dma_start3A_763 = arith.constant 1 : i32
    %dma_start3A_764 = arith.constant 1 : i32
    %dma_start3A_765 = arith.constant 1 : i32
    %dma_start3A_766 = arith.constant 64 : i32
    %dma_start3A_767 = arith.constant 0 : i32
    %dma_start3A_768 = tpu.memref_slice %arg8[%dma_start3A_763, %dma_start3A_766, %dma_start3A_767] : memref<3x128x64xf32, #tpu.memory_space<vmem>> -> memref<1x64x64xf32, #tpu.memory_space<vmem>>
    %dma_start3A_769 = tpu.memref_squeeze %dma_start3A_768 : memref<1x64x64xf32, #tpu.memory_space<vmem>> -> memref<64x64xf32, #tpu.memory_space<vmem>>
    %dma_start3A_770 = arith.constant 0 : i32
    %dma_start3A_771 = tpu.memref_slice %arg7[%dma_start3A_764, %dma_start3A_765, %dma_start3A_770] : memref<3x2x64xi32, #tpu.memory_space<vmem>> -> memref<1x1x64xi32, #tpu.memory_space<vmem>>
    %dma_start3A_772 = tpu.memref_squeeze %dma_start3A_771 : memref<1x1x64xi32, #tpu.memory_space<vmem>> -> memref<64xi32, #tpu.memory_space<vmem>>
    %dma_start3A_773 = arith.constant 0 : i32
    %dma_start3A_774 = arith.constant 0 : i32
    %dma_start3A_775 = tpu.memref_slice %arg10[%dma_start3A_773, %dma_start3A_774] : memref<10240x64xf32, #tpu.memory_space<vmem_shared>> -> memref<10240x64xf32, #tpu.memory_space<vmem_shared>>
    tpu.enqueue_indirect_dma source(%dma_start3A_769 : memref<64x64xf32, #tpu.memory_space<vmem>>) target(%dma_start3A_775 : memref<10240x64xf32, #tpu.memory_space<vmem_shared>>) offsets(%dma_start3A_772 : memref<64xi32, #tpu.memory_space<vmem>>) semaphore(%arg17 : memref<!tpu.dma_semaphore, #tpu.memory_space<semaphore_mem>>) {add = true}
    %dma_wait3A_776 = arith.constant 0 : i32
    %dma_wait3A_777 = arith.constant 0 : i32
    %dma_wait3A_778 = arith.constant 0 : i32
    %dma_wait3A_779 = arith.constant 0 : i32
    %dma_wait3A_780 = arith.constant 0 : i32
    %dma_wait3A_781 = tpu.memref_slice %arg8[%dma_wait3A_776, %dma_wait3A_779, %dma_wait3A_780] : memref<3x128x64xf32, #tpu.memory_space<vmem>> -> memref<1x64x64xf32, #tpu.memory_space<vmem>>
    %dma_wait3A_782 = tpu.memref_squeeze %dma_wait3A_781 : memref<1x64x64xf32, #tpu.memory_space<vmem>> -> memref<64x64xf32, #tpu.memory_space<vmem>>
    %dma_wait3A_783 = arith.constant 0 : i32
    %dma_wait3A_784 = tpu.memref_slice %arg7[%dma_wait3A_777, %dma_wait3A_778, %dma_wait3A_783] : memref<3x2x64xi32, #tpu.memory_space<vmem>> -> memref<1x1x64xi32, #tpu.memory_space<vmem>>
    %dma_wait3A_785 = tpu.memref_squeeze %dma_wait3A_784 : memref<1x1x64xi32, #tpu.memory_space<vmem>> -> memref<64xi32, #tpu.memory_space<vmem>>
    %dma_wait3A_786 = arith.constant 0 : i32
    %dma_wait3A_787 = arith.constant 0 : i32
    %dma_wait3A_788 = tpu.memref_slice %arg10[%dma_wait3A_786, %dma_wait3A_787] : memref<10240x64xf32, #tpu.memory_space<vmem_shared>> -> memref<10240x64xf32, #tpu.memory_space<vmem_shared>>
    tpu.wait_indirect_dma semaphore(%arg14 : memref<!tpu.dma_semaphore, #tpu.memory_space<semaphore_mem>>) src(%dma_wait3A_782 : memref<64x64xf32, #tpu.memory_space<vmem>>) dst(%dma_wait3A_788 : memref<10240x64xf32, #tpu.memory_space<vmem_shared>>)
    %dma_wait3A_789 = arith.constant 0 : i32
    %dma_wait3A_790 = arith.constant 0 : i32
    %dma_wait3A_791 = arith.constant 1 : i32
    %dma_wait3A_792 = arith.constant 64 : i32
    %dma_wait3A_793 = arith.constant 0 : i32
    %dma_wait3A_794 = tpu.memref_slice %arg8[%dma_wait3A_789, %dma_wait3A_792, %dma_wait3A_793] : memref<3x128x64xf32, #tpu.memory_space<vmem>> -> memref<1x64x64xf32, #tpu.memory_space<vmem>>
    %dma_wait3A_795 = tpu.memref_squeeze %dma_wait3A_794 : memref<1x64x64xf32, #tpu.memory_space<vmem>> -> memref<64x64xf32, #tpu.memory_space<vmem>>
    %dma_wait3A_796 = arith.constant 0 : i32
    %dma_wait3A_797 = tpu.memref_slice %arg7[%dma_wait3A_790, %dma_wait3A_791, %dma_wait3A_796] : memref<3x2x64xi32, #tpu.memory_space<vmem>> -> memref<1x1x64xi32, #tpu.memory_space<vmem>>
    %dma_wait3A_798 = tpu.memref_squeeze %dma_wait3A_797 : memref<1x1x64xi32, #tpu.memory_space<vmem>> -> memref<64xi32, #tpu.memory_space<vmem>>
    %dma_wait3A_799 = arith.constant 0 : i32
    %dma_wait3A_800 = arith.constant 0 : i32
    %dma_wait3A_801 = tpu.memref_slice %arg10[%dma_wait3A_799, %dma_wait3A_800] : memref<10240x64xf32, #tpu.memory_space<vmem_shared>> -> memref<10240x64xf32, #tpu.memory_space<vmem_shared>>
    tpu.wait_indirect_dma semaphore(%arg15 : memref<!tpu.dma_semaphore, #tpu.memory_space<semaphore_mem>>) src(%dma_wait3A_795 : memref<64x64xf32, #tpu.memory_space<vmem>>) dst(%dma_wait3A_801 : memref<10240x64xf32, #tpu.memory_space<vmem_shared>>)
    %min3A_802 = arith.constant 3 : i32
    %min3A_803 = arith.constant 158 : i32
    %min3A_804 = arith.minsi %min3A_802, %min3A_803 : i32
    %get3A_805 = arith.index_cast %min3A_804 : i32 to index
    %get3A_806 = arith.constant 0 : index
    %get3A_807 = tpu.vector_load %arg5[%get3A_805, %get3A_806] {strides = array<i32>} : memref<159x128xi32, #tpu.memory_space<vmem>>, vector<1x16xi32>,
    %get3A_808 = vector.shape_cast %get3A_807 : vector<1x16xi32> to vector<16xi32>
    %shift_right_logical3A_809 = arith.constant 14 : i32
    %shift_right_logical3A_810 = vector.broadcast %shift_right_logical3A_809 : i32 to vector<16xi32>
    %shift_right_logical3A_811 = arith.shrui %get3A_808, %shift_right_logical3A_810 : vector<16xi32>
    %swap3A_812 = arith.constant 0 : i32
    %swap3A_813 = arith.constant 0 : i32
    %swap3A_814 = arith.index_cast %swap3A_812 : i32 to index
    %swap3A_815 = arith.index_cast %swap3A_813 : i32 to index
    %swap3A_816 = arith.constant 0 : index
    %swap3A_817 = tpu.vector_load %arg6[%swap3A_814, %swap3A_815, %swap3A_816] {strides = array<i32>} : memref<3x1x128xi32, #tpu.memory_space<vmem>>, vector<1x1x16xi32>,
    %swap3A_818 = vector.shape_cast %swap3A_817 : vector<1x1x16xi32> to vector<16xi32>
    %swap3A_819 = vector.shape_cast %shift_right_logical3A_811 : vector<16xi32> to vector<1x1x16xi32>
    tpu.vector_store %arg6[%swap3A_814, %swap3A_815, %swap3A_816], %swap3A_819 {strides = array<i32>} : memref<3x1x128xi32, #tpu.memory_space<vmem>>, vector<1x1x16xi32>,
    %and3A_820 = arith.constant 16383 : i32
    %and3A_821 = vector.broadcast %and3A_820 : i32 to vector<16xi32>
    %and3A_822 = arith.andi %get3A_808, %and3A_821 : vector<16xi32>
    %swap3A_823 = arith.constant 0 : i32
    %swap3A_824 = arith.constant 0 : i32
    %swap3A_825 = arith.index_cast %swap3A_823 : i32 to index
    %swap3A_826 = arith.index_cast %swap3A_824 : i32 to index
    %swap3A_827 = arith.constant 0 : index
    %swap3A_828 = tpu.vector_load %arg7[%swap3A_825, %swap3A_826, %swap3A_827] {strides = array<i32>} : memref<3x2x64xi32, #tpu.memory_space<vmem>>, vector<1x1x16xi32>,
    %swap3A_829 = vector.shape_cast %swap3A_828 : vector<1x1x16xi32> to vector<16xi32>
    %swap3A_830 = vector.shape_cast %and3A_822 : vector<16xi32> to vector<1x1x16xi32>
    tpu.vector_store %arg7[%swap3A_825, %swap3A_826, %swap3A_827], %swap3A_830 {strides = array<i32>} : memref<3x2x64xi32, #tpu.memory_space<vmem>>, vector<1x1x16xi32>,
    %get3A_831 = arith.index_cast %min3A_804 : i32 to index
    %get3A_832 = arith.constant 16 : index
    %get3A_833 = tpu.vector_load %arg5[%get3A_831, %get3A_832] {strides = array<i32>} : memref<159x128xi32, #tpu.memory_space<vmem>>, vector<1x16xi32>,
    %get3A_834 = vector.shape_cast %get3A_833 : vector<1x16xi32> to vector<16xi32>
    %shift_right_logical3A_835 = arith.constant 14 : i32
    %shift_right_logical3A_836 = vector.broadcast %shift_right_logical3A_835 : i32 to vector<16xi32>
    %shift_right_logical3A_837 = arith.shrui %get3A_834, %shift_right_logical3A_836 : vector<16xi32>
    %swap3A_838 = arith.constant 0 : i32
    %swap3A_839 = arith.constant 0 : i32
    %swap3A_840 = arith.index_cast %swap3A_838 : i32 to index
    %swap3A_841 = arith.index_cast %swap3A_839 : i32 to index
    %swap3A_842 = arith.constant 16 : index
    %swap3A_843 = tpu.vector_load %arg6[%swap3A_840, %swap3A_841, %swap3A_842] {strides = array<i32>} : memref<3x1x128xi32, #tpu.memory_space<vmem>>, vector<1x1x16xi32>,
    %swap3A_844 = vector.shape_cast %swap3A_843 : vector<1x1x16xi32> to vector<16xi32>
    %swap3A_845 = vector.shape_cast %shift_right_logical3A_837 : vector<16xi32> to vector<1x1x16xi32>
    tpu.vector_store %arg6[%swap3A_840, %swap3A_841, %swap3A_842], %swap3A_845 {strides = array<i32>} : memref<3x1x128xi32, #tpu.memory_space<vmem>>, vector<1x1x16xi32>,
    %and3A_846 = arith.constant 16383 : i32
    %and3A_847 = vector.broadcast %and3A_846 : i32 to vector<16xi32>
    %and3A_848 = arith.andi %get3A_834, %and3A_847 : vector<16xi32>
    %swap3A_849 = arith.constant 0 : i32
    %swap3A_850 = arith.constant 0 : i32
    %swap3A_851 = arith.index_cast %swap3A_849 : i32 to index
    %swap3A_852 = arith.index_cast %swap3A_850 : i32 to index
    %swap3A_853 = arith.constant 16 : index
    %swap3A_854 = tpu.vector_load %arg7[%swap3A_851, %swap3A_852, %swap3A_853] {strides = array<i32>} : memref<3x2x64xi32, #tpu.memory_space<vmem>>, vector<1x1x16xi32>,
    %swap3A_855 = vector.shape_cast %swap3A_854 : vector<1x1x16xi32> to vector<16xi32>
    %swap3A_856 = vector.shape_cast %and3A_848 : vector<16xi32> to vector<1x1x16xi32>
    tpu.vector_store %arg7[%swap3A_851, %swap3A_852, %swap3A_853], %swap3A_856 {strides = array<i32>} : memref<3x2x64xi32, #tpu.memory_space<vmem>>, vector<1x1x16xi32>,
    %get3A_857 = arith.index_cast %min3A_804 : i32 to index
    %get3A_858 = arith.constant 32 : index
    %get3A_859 = tpu.vector_load %arg5[%get3A_857, %get3A_858] {strides = array<i32>} : memref<159x128xi32, #tpu.memory_space<vmem>>, vector<1x16xi32>,
    %get3A_860 = vector.shape_cast %get3A_859 : vector<1x16xi32> to vector<16xi32>
    %shift_right_logical3A_861 = arith.constant 14 : i32
    %shift_right_logical3A_862 = vector.broadcast %shift_right_logical3A_861 : i32 to vector<16xi32>
    %shift_right_logical3A_863 = arith.shrui %get3A_860, %shift_right_logical3A_862 : vector<16xi32>
    %swap3A_864 = arith.constant 0 : i32
    %swap3A_865 = arith.constant 0 : i32
    %swap3A_866 = arith.index_cast %swap3A_864 : i32 to index
    %swap3A_867 = arith.index_cast %swap3A_865 : i32 to index
    %swap3A_868 = arith.constant 32 : index
    %swap3A_869 = tpu.vector_load %arg6[%swap3A_866, %swap3A_867, %swap3A_868] {strides = array<i32>} : memref<3x1x128xi32, #tpu.memory_space<vmem>>, vector<1x1x16xi32>,
    %swap3A_870 = vector.shape_cast %swap3A_869 : vector<1x1x16xi32> to vector<16xi32>
    %swap3A_871 = vector.shape_cast %shift_right_logical3A_863 : vector<16xi32> to vector<1x1x16xi32>
    tpu.vector_store %arg6[%swap3A_866, %swap3A_867, %swap3A_868], %swap3A_871 {strides = array<i32>} : memref<3x1x128xi32, #tpu.memory_space<vmem>>, vector<1x1x16xi32>,
    %and3A_872 = arith.constant 16383 : i32
    %and3A_873 = vector.broadcast %and3A_872 : i32 to vector<16xi32>
    %and3A_874 = arith.andi %get3A_860, %and3A_873 : vector<16xi32>
    %swap3A_875 = arith.constant 0 : i32
    %swap3A_876 = arith.constant 0 : i32
    %swap3A_877 = arith.index_cast %swap3A_875 : i32 to index
    %swap3A_878 = arith.index_cast %swap3A_876 : i32 to index
    %swap3A_879 = arith.constant 32 : index
    %swap3A_880 = tpu.vector_load %arg7[%swap3A_877, %swap3A_878, %swap3A_879] {strides = array<i32>} : memref<3x2x64xi32, #tpu.memory_space<vmem>>, vector<1x1x16xi32>,
    %swap3A_881 = vector.shape_cast %swap3A_880 : vector<1x1x16xi32> to vector<16xi32>
    %swap3A_882 = vector.shape_cast %and3A_874 : vector<16xi32> to vector<1x1x16xi32>
    tpu.vector_store %arg7[%swap3A_877, %swap3A_878, %swap3A_879], %swap3A_882 {strides = array<i32>} : memref<3x2x64xi32, #tpu.memory_space<vmem>>, vector<1x1x16xi32>,
    %get3A_883 = arith.index_cast %min3A_804 : i32 to index
    %get3A_884 = arith.constant 48 : index
    %get3A_885 = tpu.vector_load %arg5[%get3A_883, %get3A_884] {strides = array<i32>} : memref<159x128xi32, #tpu.memory_space<vmem>>, vector<1x16xi32>,
    %get3A_886 = vector.shape_cast %get3A_885 : vector<1x16xi32> to vector<16xi32>
    %shift_right_logical3A_887 = arith.constant 14 : i32
    %shift_right_logical3A_888 = vector.broadcast %shift_right_logical3A_887 : i32 to vector<16xi32>
    %shift_right_logical3A_889 = arith.shrui %get3A_886, %shift_right_logical3A_888 : vector<16xi32>
    %swap3A_890 = arith.constant 0 : i32
    %swap3A_891 = arith.constant 0 : i32
    %swap3A_892 = arith.index_cast %swap3A_890 : i32 to index
    %swap3A_893 = arith.index_cast %swap3A_891 : i32 to index
    %swap3A_894 = arith.constant 48 : index
    %swap3A_895 = tpu.vector_load %arg6[%swap3A_892, %swap3A_893, %swap3A_894] {strides = array<i32>} : memref<3x1x128xi32, #tpu.memory_space<vmem>>, vector<1x1x16xi32>,
    %swap3A_896 = vector.shape_cast %swap3A_895 : vector<1x1x16xi32> to vector<16xi32>
    %swap3A_897 = vector.shape_cast %shift_right_logical3A_889 : vector<16xi32> to vector<1x1x16xi32>
    tpu.vector_store %arg6[%swap3A_892, %swap3A_893, %swap3A_894], %swap3A_897 {strides = array<i32>} : memref<3x1x128xi32, #tpu.memory_space<vmem>>, vector<1x1x16xi32>,
    %and3A_898 = arith.constant 16383 : i32
    %and3A_899 = vector.broadcast %and3A_898 : i32 to vector<16xi32>
    %and3A_900 = arith.andi %get3A_886, %and3A_899 : vector<16xi32>
    %swap3A_901 = arith.constant 0 : i32
    %swap3A_902 = arith.constant 0 : i32
    %swap3A_903 = arith.index_cast %swap3A_901 : i32 to index
    %swap3A_904 = arith.index_cast %swap3A_902 : i32 to index
    %swap3A_905 = arith.constant 48 : index
    %swap3A_906 = tpu.vector_load %arg7[%swap3A_903, %swap3A_904, %swap3A_905] {strides = array<i32>} : memref<3x2x64xi32, #tpu.memory_space<vmem>>, vector<1x1x16xi32>,
    %swap3A_907 = vector.shape_cast %swap3A_906 : vector<1x1x16xi32> to vector<16xi32>
    %swap3A_908 = vector.shape_cast %and3A_900 : vector<16xi32> to vector<1x1x16xi32>
    tpu.vector_store %arg7[%swap3A_903, %swap3A_904, %swap3A_905], %swap3A_908 {strides = array<i32>} : memref<3x2x64xi32, #tpu.memory_space<vmem>>, vector<1x1x16xi32>,
    %get3A_909 = arith.index_cast %min3A_804 : i32 to index
    %get3A_910 = arith.constant 64 : index
    %get3A_911 = tpu.vector_load %arg5[%get3A_909, %get3A_910] {strides = array<i32>} : memref<159x128xi32, #tpu.memory_space<vmem>>, vector<1x16xi32>,
    %get3A_912 = vector.shape_cast %get3A_911 : vector<1x16xi32> to vector<16xi32>
    %shift_right_logical3A_913 = arith.constant 14 : i32
    %shift_right_logical3A_914 = vector.broadcast %shift_right_logical3A_913 : i32 to vector<16xi32>
    %shift_right_logical3A_915 = arith.shrui %get3A_912, %shift_right_logical3A_914 : vector<16xi32>
    %swap3A_916 = arith.constant 0 : i32
    %swap3A_917 = arith.constant 0 : i32
    %swap3A_918 = arith.index_cast %swap3A_916 : i32 to index
    %swap3A_919 = arith.index_cast %swap3A_917 : i32 to index
    %swap3A_920 = arith.constant 64 : index
    %swap3A_921 = tpu.vector_load %arg6[%swap3A_918, %swap3A_919, %swap3A_920] {strides = array<i32>} : memref<3x1x128xi32, #tpu.memory_space<vmem>>, vector<1x1x16xi32>,
    %swap3A_922 = vector.shape_cast %swap3A_921 : vector<1x1x16xi32> to vector<16xi32>
    %swap3A_923 = vector.shape_cast %shift_right_logical3A_915 : vector<16xi32> to vector<1x1x16xi32>
    tpu.vector_store %arg6[%swap3A_918, %swap3A_919, %swap3A_920], %swap3A_923 {strides = array<i32>} : memref<3x1x128xi32, #tpu.memory_space<vmem>>, vector<1x1x16xi32>,
    %and3A_924 = arith.constant 16383 : i32
    %and3A_925 = vector.broadcast %and3A_924 : i32 to vector<16xi32>
    %and3A_926 = arith.andi %get3A_912, %and3A_925 : vector<16xi32>
    %swap3A_927 = arith.constant 0 : i32
    %swap3A_928 = arith.constant 1 : i32
    %swap3A_929 = arith.index_cast %swap3A_927 : i32 to index
    %swap3A_930 = arith.index_cast %swap3A_928 : i32 to index
    %swap3A_931 = arith.constant 0 : index
    %swap3A_932 = tpu.vector_load %arg7[%swap3A_929, %swap3A_930, %swap3A_931] {strides = array<i32>} : memref<3x2x64xi32, #tpu.memory_space<vmem>>, vector<1x1x16xi32>,
    %swap3A_933 = vector.shape_cast %swap3A_932 : vector<1x1x16xi32> to vector<16xi32>
    %swap3A_934 = vector.shape_cast %and3A_926 : vector<16xi32> to vector<1x1x16xi32>
    tpu.vector_store %arg7[%swap3A_929, %swap3A_930, %swap3A_931], %swap3A_934 {strides = array<i32>} : memref<3x2x64xi32, #tpu.memory_space<vmem>>, vector<1x1x16xi32>,
    %get3A_935 = arith.index_cast %min3A_804 : i32 to index
    %get3A_936 = arith.constant 80 : index
    %get3A_937 = tpu.vector_load %arg5[%get3A_935, %get3A_936] {strides = array<i32>} : memref<159x128xi32, #tpu.memory_space<vmem>>, vector<1x16xi32>,
    %get3A_938 = vector.shape_cast %get3A_937 : vector<1x16xi32> to vector<16xi32>
    %shift_right_logical3A_939 = arith.constant 14 : i32
    %shift_right_logical3A_940 = vector.broadcast %shift_right_logical3A_939 : i32 to vector<16xi32>
    %shift_right_logical3A_941 = arith.shrui %get3A_938, %shift_right_logical3A_940 : vector<16xi32>
    %swap3A_942 = arith.constant 0 : i32
    %swap3A_943 = arith.constant 0 : i32
    %swap3A_944 = arith.index_cast %swap3A_942 : i32 to index
    %swap3A_945 = arith.index_cast %swap3A_943 : i32 to index
    %swap3A_946 = arith.constant 80 : index
    %swap3A_947 = tpu.vector_load %arg6[%swap3A_944, %swap3A_945, %swap3A_946] {strides = array<i32>} : memref<3x1x128xi32, #tpu.memory_space<vmem>>, vector<1x1x16xi32>,
    %swap3A_948 = vector.shape_cast %swap3A_947 : vector<1x1x16xi32> to vector<16xi32>
    %swap3A_949 = vector.shape_cast %shift_right_logical3A_941 : vector<16xi32> to vector<1x1x16xi32>
    tpu.vector_store %arg6[%swap3A_944, %swap3A_945, %swap3A_946], %swap3A_949 {strides = array<i32>} : memref<3x1x128xi32, #tpu.memory_space<vmem>>, vector<1x1x16xi32>,
    %and3A_950 = arith.constant 16383 : i32
    %and3A_951 = vector.broadcast %and3A_950 : i32 to vector<16xi32>
    %and3A_952 = arith.andi %get3A_938, %and3A_951 : vector<16xi32>
    %swap3A_953 = arith.constant 0 : i32
    %swap3A_954 = arith.constant 1 : i32
    %swap3A_955 = arith.index_cast %swap3A_953 : i32 to index
    %swap3A_956 = arith.index_cast %swap3A_954 : i32 to index
    %swap3A_957 = arith.constant 16 : index
    %swap3A_958 = tpu.vector_load %arg7[%swap3A_955, %swap3A_956, %swap3A_957] {strides = array<i32>} : memref<3x2x64xi32, #tpu.memory_space<vmem>>, vector<1x1x16xi32>,
    %swap3A_959 = vector.shape_cast %swap3A_958 : vector<1x1x16xi32> to vector<16xi32>
    %swap3A_960 = vector.shape_cast %and3A_952 : vector<16xi32> to vector<1x1x16xi32>
    tpu.vector_store %arg7[%swap3A_955, %swap3A_956, %swap3A_957], %swap3A_960 {strides = array<i32>} : memref<3x2x64xi32, #tpu.memory_space<vmem>>, vector<1x1x16xi32>,
    %get3A_961 = arith.index_cast %min3A_804 : i32 to index
    %get3A_962 = arith.constant 96 : index
    %get3A_963 = tpu.vector_load %arg5[%get3A_961, %get3A_962] {strides = array<i32>} : memref<159x128xi32, #tpu.memory_space<vmem>>, vector<1x16xi32>,
    %get3A_964 = vector.shape_cast %get3A_963 : vector<1x16xi32> to vector<16xi32>
    %shift_right_logical3A_965 = arith.constant 14 : i32
    %shift_right_logical3A_966 = vector.broadcast %shift_right_logical3A_965 : i32 to vector<16xi32>
    %shift_right_logical3A_967 = arith.shrui %get3A_964, %shift_right_logical3A_966 : vector<16xi32>
    %swap3A_968 = arith.constant 0 : i32
    %swap3A_969 = arith.constant 0 : i32
    %swap3A_970 = arith.index_cast %swap3A_968 : i32 to index
    %swap3A_971 = arith.index_cast %swap3A_969 : i32 to index
    %swap3A_972 = arith.constant 96 : index
    %swap3A_973 = tpu.vector_load %arg6[%swap3A_970, %swap3A_971, %swap3A_972] {strides = array<i32>} : memref<3x1x128xi32, #tpu.memory_space<vmem>>, vector<1x1x16xi32>,
    %swap3A_974 = vector.shape_cast %swap3A_973 : vector<1x1x16xi32> to vector<16xi32>
    %swap3A_975 = vector.shape_cast %shift_right_logical3A_967 : vector<16xi32> to vector<1x1x16xi32>
    tpu.vector_store %arg6[%swap3A_970, %swap3A_971, %swap3A_972], %swap3A_975 {strides = array<i32>} : memref<3x1x128xi32, #tpu.memory_space<vmem>>, vector<1x1x16xi32>,
    %and3A_976 = arith.constant 16383 : i32
    %and3A_977 = vector.broadcast %and3A_976 : i32 to vector<16xi32>
    %and3A_978 = arith.andi %get3A_964, %and3A_977 : vector<16xi32>
    %swap3A_979 = arith.constant 0 : i32
    %swap3A_980 = arith.constant 1 : i32
    %swap3A_981 = arith.index_cast %swap3A_979 : i32 to index
    %swap3A_982 = arith.index_cast %swap3A_980 : i32 to index
    %swap3A_983 = arith.constant 32 : index
    %swap3A_984 = tpu.vector_load %arg7[%swap3A_981, %swap3A_982, %swap3A_983] {strides = array<i32>} : memref<3x2x64xi32, #tpu.memory_space<vmem>>, vector<1x1x16xi32>,
    %swap3A_985 = vector.shape_cast %swap3A_984 : vector<1x1x16xi32> to vector<16xi32>
    %swap3A_986 = vector.shape_cast %and3A_978 : vector<16xi32> to vector<1x1x16xi32>
    tpu.vector_store %arg7[%swap3A_981, %swap3A_982, %swap3A_983], %swap3A_986 {strides = array<i32>} : memref<3x2x64xi32, #tpu.memory_space<vmem>>, vector<1x1x16xi32>,
    %get3A_987 = arith.index_cast %min3A_804 : i32 to index
    %get3A_988 = arith.constant 112 : index
    %get3A_989 = tpu.vector_load %arg5[%get3A_987, %get3A_988] {strides = array<i32>} : memref<159x128xi32, #tpu.memory_space<vmem>>, vector<1x16xi32>,
    %get3A_990 = vector.shape_cast %get3A_989 : vector<1x16xi32> to vector<16xi32>
    %shift_right_logical3A_991 = arith.constant 14 : i32
    %shift_right_logical3A_992 = vector.broadcast %shift_right_logical3A_991 : i32 to vector<16xi32>
    %shift_right_logical3A_993 = arith.shrui %get3A_990, %shift_right_logical3A_992 : vector<16xi32>
    %swap3A_994 = arith.constant 0 : i32
    %swap3A_995 = arith.constant 0 : i32
    %swap3A_996 = arith.index_cast %swap3A_994 : i32 to index
    %swap3A_997 = arith.index_cast %swap3A_995 : i32 to index
    %swap3A_998 = arith.constant 112 : index
    %swap3A_999 = tpu.vector_load %arg6[%swap3A_996, %swap3A_997, %swap3A_998] {strides = array<i32>} : memref<3x1x128xi32, #tpu.memory_space<vmem>>, vector<1x1x16xi32>,
    %swap3A_1000 = vector.shape_cast %swap3A_999 : vector<1x1x16xi32> to vector<16xi32>
    %swap3A_1001 = vector.shape_cast %shift_right_logical3A_993 : vector<16xi32> to vector<1x1x16xi32>
    tpu.vector_store %arg6[%swap3A_996, %swap3A_997, %swap3A_998], %swap3A_1001 {strides = array<i32>} : memref<3x1x128xi32, #tpu.memory_space<vmem>>, vector<1x1x16xi32>,
    %and3A_1002 = arith.constant 16383 : i32
    %and3A_1003 = vector.broadcast %and3A_1002 : i32 to vector<16xi32>
    %and3A_1004 = arith.andi %get3A_990, %and3A_1003 : vector<16xi32>
    %swap3A_1005 = arith.constant 0 : i32
    %swap3A_1006 = arith.constant 1 : i32
    %swap3A_1007 = arith.index_cast %swap3A_1005 : i32 to index
    %swap3A_1008 = arith.index_cast %swap3A_1006 : i32 to index
    %swap3A_1009 = arith.constant 48 : index
    %swap3A_1010 = tpu.vector_load %arg7[%swap3A_1007, %swap3A_1008, %swap3A_1009] {strides = array<i32>} : memref<3x2x64xi32, #tpu.memory_space<vmem>>, vector<1x1x16xi32>,
    %swap3A_1011 = vector.shape_cast %swap3A_1010 : vector<1x1x16xi32> to vector<16xi32>
    %swap3A_1012 = vector.shape_cast %and3A_1004 : vector<16xi32> to vector<1x1x16xi32>
    tpu.vector_store %arg7[%swap3A_1007, %swap3A_1008, %swap3A_1009], %swap3A_1012 {strides = array<i32>} : memref<3x2x64xi32, #tpu.memory_space<vmem>>, vector<1x1x16xi32>,
    %dma_start3A_1013 = arith.constant 0 : i32
    %dma_start3A_1014 = arith.constant 0 : i32
    %dma_start3A_1015 = arith.constant 0 : i32
    %dma_start3A_1016 = arith.constant 0 : i32
    %dma_start3A_1017 = arith.constant 0 : i32
    %dma_start3A_1018 = tpu.memref_slice %arg8[%dma_start3A_1015, %dma_start3A_1016, %dma_start3A_1017] : memref<3x128x64xf32, #tpu.memory_space<vmem>> -> memref<1x128x64xf32, #tpu.memory_space<vmem>>
    %dma_start3A_1019 = tpu.memref_squeeze %dma_start3A_1018 : memref<1x128x64xf32, #tpu.memory_space<vmem>> -> memref<128x64xf32, #tpu.memory_space<vmem>>
    %dma_start3A_1020 = arith.constant 0 : i32
    %dma_start3A_1021 = tpu.memref_slice %arg6[%dma_start3A_1013, %dma_start3A_1014, %dma_start3A_1020] : memref<3x1x128xi32, #tpu.memory_space<vmem>> -> memref<1x1x128xi32, #tpu.memory_space<vmem>>
    %dma_start3A_1022 = tpu.memref_squeeze %dma_start3A_1021 : memref<1x1x128xi32, #tpu.memory_space<vmem>> -> memref<128xi32, #tpu.memory_space<vmem>>
    %dma_start3A_1023 = arith.constant 0 : i32
    %dma_start3A_1024 = arith.constant 0 : i32
    %dma_start3A_1025 = tpu.memref_slice %arg9[%dma_start3A_1023, %dma_start3A_1024] : memref<10000x64xf32, #tpu.memory_space<vmem_shared>> -> memref<10000x64xf32, #tpu.memory_space<vmem_shared>>
    tpu.enqueue_indirect_dma source(%dma_start3A_1025 : memref<10000x64xf32, #tpu.memory_space<vmem_shared>>) target(%dma_start3A_1019 : memref<128x64xf32, #tpu.memory_space<vmem>>) offsets(%dma_start3A_1022 : memref<128xi32, #tpu.memory_space<vmem>>) semaphore(%arg11 : memref<!tpu.dma_semaphore, #tpu.memory_space<semaphore_mem>>)
    %dma_wait3A_1026 = arith.constant 2 : i32
    %dma_wait3A_1027 = arith.constant 0 : i32
    %dma_wait3A_1028 = arith.constant 2 : i32
    %dma_wait3A_1029 = arith.constant 0 : i32
    %dma_wait3A_1030 = arith.constant 0 : i32
    %dma_wait3A_1031 = tpu.memref_slice %arg8[%dma_wait3A_1028, %dma_wait3A_1029, %dma_wait3A_1030] : memref<3x128x64xf32, #tpu.memory_space<vmem>> -> memref<1x128x64xf32, #tpu.memory_space<vmem>>
    %dma_wait3A_1032 = tpu.memref_squeeze %dma_wait3A_1031 : memref<1x128x64xf32, #tpu.memory_space<vmem>> -> memref<128x64xf32, #tpu.memory_space<vmem>>
    %dma_wait3A_1033 = arith.constant 0 : i32
    %dma_wait3A_1034 = tpu.memref_slice %arg6[%dma_wait3A_1026, %dma_wait3A_1027, %dma_wait3A_1033] : memref<3x1x128xi32, #tpu.memory_space<vmem>> -> memref<1x1x128xi32, #tpu.memory_space<vmem>>
    %dma_wait3A_1035 = tpu.memref_squeeze %dma_wait3A_1034 : memref<1x1x128xi32, #tpu.memory_space<vmem>> -> memref<128xi32, #tpu.memory_space<vmem>>
    %dma_wait3A_1036 = arith.constant 0 : i32
    %dma_wait3A_1037 = arith.constant 0 : i32
    %dma_wait3A_1038 = tpu.memref_slice %arg9[%dma_wait3A_1036, %dma_wait3A_1037] : memref<10000x64xf32, #tpu.memory_space<vmem_shared>> -> memref<10000x64xf32, #tpu.memory_space<vmem_shared>>
    tpu.wait_indirect_dma semaphore(%arg13 : memref<!tpu.dma_semaphore, #tpu.memory_space<semaphore_mem>>) src(%dma_wait3A_1038 : memref<10000x64xf32, #tpu.memory_space<vmem_shared>>) dst(%dma_wait3A_1032 : memref<128x64xf32, #tpu.memory_space<vmem>>)
    %dma_start3A_1039 = arith.constant 2 : i32
    %dma_start3A_1040 = arith.constant 2 : i32
    %dma_start3A_1041 = arith.constant 0 : i32
    %dma_start3A_1042 = arith.constant 0 : i32
    %dma_start3A_1043 = arith.constant 0 : i32
    %dma_start3A_1044 = tpu.memref_slice %arg8[%dma_start3A_1039, %dma_start3A_1042, %dma_start3A_1043] : memref<3x128x64xf32, #tpu.memory_space<vmem>> -> memref<1x64x64xf32, #tpu.memory_space<vmem>>
    %dma_start3A_1045 = tpu.memref_squeeze %dma_start3A_1044 : memref<1x64x64xf32, #tpu.memory_space<vmem>> -> memref<64x64xf32, #tpu.memory_space<vmem>>
    %dma_start3A_1046 = arith.constant 0 : i32
    %dma_start3A_1047 = tpu.memref_slice %arg7[%dma_start3A_1040, %dma_start3A_1041, %dma_start3A_1046] : memref<3x2x64xi32, #tpu.memory_space<vmem>> -> memref<1x1x64xi32, #tpu.memory_space<vmem>>
    %dma_start3A_1048 = tpu.memref_squeeze %dma_start3A_1047 : memref<1x1x64xi32, #tpu.memory_space<vmem>> -> memref<64xi32, #tpu.memory_space<vmem>>
    %dma_start3A_1049 = arith.constant 0 : i32
    %dma_start3A_1050 = arith.constant 0 : i32
    %dma_start3A_1051 = tpu.memref_slice %arg10[%dma_start3A_1049, %dma_start3A_1050] : memref<10240x64xf32, #tpu.memory_space<vmem_shared>> -> memref<10240x64xf32, #tpu.memory_space<vmem_shared>>
    tpu.enqueue_indirect_dma source(%dma_start3A_1045 : memref<64x64xf32, #tpu.memory_space<vmem>>) target(%dma_start3A_1051 : memref<10240x64xf32, #tpu.memory_space<vmem_shared>>) offsets(%dma_start3A_1048 : memref<64xi32, #tpu.memory_space<vmem>>) semaphore(%arg18 : memref<!tpu.dma_semaphore, #tpu.memory_space<semaphore_mem>>) {add = true}
    %dma_start3A_1052 = arith.constant 2 : i32
    %dma_start3A_1053 = arith.constant 2 : i32
    %dma_start3A_1054 = arith.constant 1 : i32
    %dma_start3A_1055 = arith.constant 64 : i32
    %dma_start3A_1056 = arith.constant 0 : i32
    %dma_start3A_1057 = tpu.memref_slice %arg8[%dma_start3A_1052, %dma_start3A_1055, %dma_start3A_1056] : memref<3x128x64xf32, #tpu.memory_space<vmem>> -> memref<1x64x64xf32, #tpu.memory_space<vmem>>
    %dma_start3A_1058 = tpu.memref_squeeze %dma_start3A_1057 : memref<1x64x64xf32, #tpu.memory_space<vmem>> -> memref<64x64xf32, #tpu.memory_space<vmem>>
    %dma_start3A_1059 = arith.constant 0 : i32
    %dma_start3A_1060 = tpu.memref_slice %arg7[%dma_start3A_1053, %dma_start3A_1054, %dma_start3A_1059] : memref<3x2x64xi32, #tpu.memory_space<vmem>> -> memref<1x1x64xi32, #tpu.memory_space<vmem>>
    %dma_start3A_1061 = tpu.memref_squeeze %dma_start3A_1060 : memref<1x1x64xi32, #tpu.memory_space<vmem>> -> memref<64xi32, #tpu.memory_space<vmem>>
    %dma_start3A_1062 = arith.constant 0 : i32
    %dma_start3A_1063 = arith.constant 0 : i32
    %dma_start3A_1064 = tpu.memref_slice %arg10[%dma_start3A_1062, %dma_start3A_1063] : memref<10240x64xf32, #tpu.memory_space<vmem_shared>> -> memref<10240x64xf32, #tpu.memory_space<vmem_shared>>
    tpu.enqueue_indirect_dma source(%dma_start3A_1058 : memref<64x64xf32, #tpu.memory_space<vmem>>) target(%dma_start3A_1064 : memref<10240x64xf32, #tpu.memory_space<vmem_shared>>) offsets(%dma_start3A_1061 : memref<64xi32, #tpu.memory_space<vmem>>) semaphore(%arg19 : memref<!tpu.dma_semaphore, #tpu.memory_space<semaphore_mem>>) {add = true}
    %scan3A_1065 = arith.constant 0 : i32
    %scan3A_1066 = arith.constant 1 : i32
    %scan3A_1067 = arith.constant 52 : i32
    %scan3A_1068 = arith.addi %scan3A_1066, %scan3A_1067 : i32
    %scan3A_1069 = arith.constant 1 : i32
    scf.for %scan3A_1143 = %scan3A_1066 to %scan3A_1068 step %scan3A_1069  : i32 {
      %mul3A_1144 = arith.constant 3 : i32
      %mul3A_1145 = arith.muli %scan3A_1143, %mul3A_1144 : i32
      %add3A_1146 = arith.constant 0 : i32
      %add3A_1147 = arith.addi %mul3A_1145, %add3A_1146 : i32
      %add3A_1148 = arith.constant 1 : i32
      %add3A_1149 = arith.addi %add3A_1147, %add3A_1148 : i32
      %sub3A = arith.constant 3 : i32
      %sub3A_1150 = arith.subi %add3A_1149, %sub3A : i32
      %dma_wait3A_1151 = arith.constant 1 : i32
      %dma_wait3A_1152 = arith.constant 1 : i32
      %dma_wait3A_1153 = arith.constant 0 : i32
      %dma_wait3A_1154 = arith.constant 0 : i32
      %dma_wait3A_1155 = arith.constant 0 : i32
      %dma_wait3A_1156 = tpu.memref_slice %arg8[%dma_wait3A_1151, %dma_wait3A_1154, %dma_wait3A_1155] : memref<3x128x64xf32, #tpu.memory_space<vmem>> -> memref<1x64x64xf32, #tpu.memory_space<vmem>>
      %dma_wait3A_1157 = tpu.memref_squeeze %dma_wait3A_1156 : memref<1x64x64xf32, #tpu.memory_space<vmem>> -> memref<64x64xf32, #tpu.memory_space<vmem>>
      %dma_wait3A_1158 = arith.constant 0 : i32
      %dma_wait3A_1159 = tpu.memref_slice %arg7[%dma_wait3A_1152, %dma_wait3A_1153, %dma_wait3A_1158] : memref<3x2x64xi32, #tpu.memory_space<vmem>> -> memref<1x1x64xi32, #tpu.memory_space<vmem>>
      %dma_wait3A_1160 = tpu.memref_squeeze %dma_wait3A_1159 : memref<1x1x64xi32, #tpu.memory_space<vmem>> -> memref<64xi32, #tpu.memory_space<vmem>>
      %dma_wait3A_1161 = arith.constant 0 : i32
      %dma_wait3A_1162 = arith.constant 0 : i32
      %dma_wait3A_1163 = tpu.memref_slice %arg10[%dma_wait3A_1161, %dma_wait3A_1162] : memref<10240x64xf32, #tpu.memory_space<vmem_shared>> -> memref<10240x64xf32, #tpu.memory_space<vmem_shared>>
      tpu.wait_indirect_dma semaphore(%arg16 : memref<!tpu.dma_semaphore, #tpu.memory_space<semaphore_mem>>) src(%dma_wait3A_1157 : memref<64x64xf32, #tpu.memory_space<vmem>>) dst(%dma_wait3A_1163 : memref<10240x64xf32, #tpu.memory_space<vmem_shared>>)
      %dma_wait3A_1164 = arith.constant 1 : i32
      %dma_wait3A_1165 = arith.constant 1 : i32
      %dma_wait3A_1166 = arith.constant 1 : i32
      %dma_wait3A_1167 = arith.constant 64 : i32
      %dma_wait3A_1168 = arith.constant 0 : i32
      %dma_wait3A_1169 = tpu.memref_slice %arg8[%dma_wait3A_1164, %dma_wait3A_1167, %dma_wait3A_1168] : memref<3x128x64xf32, #tpu.memory_space<vmem>> -> memref<1x64x64xf32, #tpu.memory_space<vmem>>
      %dma_wait3A_1170 = tpu.memref_squeeze %dma_wait3A_1169 : memref<1x64x64xf32, #tpu.memory_space<vmem>> -> memref<64x64xf32, #tpu.memory_space<vmem>>
      %dma_wait3A_1171 = arith.constant 0 : i32
      %dma_wait3A_1172 = tpu.memref_slice %arg7[%dma_wait3A_1165, %dma_wait3A_1166, %dma_wait3A_1171] : memref<3x2x64xi32, #tpu.memory_space<vmem>> -> memref<1x1x64xi32, #tpu.memory_space<vmem>>
      %dma_wait3A_1173 = tpu.memref_squeeze %dma_wait3A_1172 : memref<1x1x64xi32, #tpu.memory_space<vmem>> -> memref<64xi32, #tpu.memory_space<vmem>>
      %dma_wait3A_1174 = arith.constant 0 : i32
      %dma_wait3A_1175 = arith.constant 0 : i32
      %dma_wait3A_1176 = tpu.memref_slice %arg10[%dma_wait3A_1174, %dma_wait3A_1175] : memref<10240x64xf32, #tpu.memory_space<vmem_shared>> -> memref<10240x64xf32, #tpu.memory_space<vmem_shared>>
      tpu.wait_indirect_dma semaphore(%arg17 : memref<!tpu.dma_semaphore, #tpu.memory_space<semaphore_mem>>) src(%dma_wait3A_1170 : memref<64x64xf32, #tpu.memory_space<vmem>>) dst(%dma_wait3A_1176 : memref<10240x64xf32, #tpu.memory_space<vmem_shared>>)
      %add3A_1177 = arith.constant 1 : i32
      %add3A_1178 = arith.addi %add3A_1147, %add3A_1177 : i32
      %min3A_1179 = arith.constant 158 : i32
      %min3A_1180 = arith.minsi %add3A_1178, %min3A_1179 : i32
      %get3A_1181 = arith.index_cast %min3A_1180 : i32 to index
      %get3A_1182 = arith.constant 0 : index
      %get3A_1183 = tpu.vector_load %arg5[%get3A_1181, %get3A_1182] {strides = array<i32>} : memref<159x128xi32, #tpu.memory_space<vmem>>, vector<1x16xi32>,
      %get3A_1184 = vector.shape_cast %get3A_1183 : vector<1x16xi32> to vector<16xi32>
      %shift_right_logical3A_1185 = arith.constant 14 : i32
      %shift_right_logical3A_1186 = vector.broadcast %shift_right_logical3A_1185 : i32 to vector<16xi32>
      %shift_right_logical3A_1187 = arith.shrui %get3A_1184, %shift_right_logical3A_1186 : vector<16xi32>
      %swap3A_1188 = arith.constant 1 : i32
      %swap3A_1189 = arith.constant 0 : i32
      %swap3A_1190 = arith.index_cast %swap3A_1188 : i32 to index
      %swap3A_1191 = arith.index_cast %swap3A_1189 : i32 to index
      %swap3A_1192 = arith.constant 0 : index
      %swap3A_1193 = tpu.vector_load %arg6[%swap3A_1190, %swap3A_1191, %swap3A_1192] {strides = array<i32>} : memref<3x1x128xi32, #tpu.memory_space<vmem>>, vector<1x1x16xi32>,
      %swap3A_1194 = vector.shape_cast %swap3A_1193 : vector<1x1x16xi32> to vector<16xi32>
      %swap3A_1195 = vector.shape_cast %shift_right_logical3A_1187 : vector<16xi32> to vector<1x1x16xi32>
      tpu.vector_store %arg6[%swap3A_1190, %swap3A_1191, %swap3A_1192], %swap3A_1195 {strides = array<i32>} : memref<3x1x128xi32, #tpu.memory_space<vmem>>, vector<1x1x16xi32>,
      %and3A_1196 = arith.constant 16383 : i32
      %and3A_1197 = vector.broadcast %and3A_1196 : i32 to vector<16xi32>
      %and3A_1198 = arith.andi %get3A_1184, %and3A_1197 : vector<16xi32>
      %swap3A_1199 = arith.constant 1 : i32
      %swap3A_1200 = arith.constant 0 : i32
      %swap3A_1201 = arith.index_cast %swap3A_1199 : i32 to index
      %swap3A_1202 = arith.index_cast %swap3A_1200 : i32 to index
      %swap3A_1203 = arith.constant 0 : index
      %swap3A_1204 = tpu.vector_load %arg7[%swap3A_1201, %swap3A_1202, %swap3A_1203] {strides = array<i32>} : memref<3x2x64xi32, #tpu.memory_space<vmem>>, vector<1x1x16xi32>,
      %swap3A_1205 = vector.shape_cast %swap3A_1204 : vector<1x1x16xi32> to vector<16xi32>
      %swap3A_1206 = vector.shape_cast %and3A_1198 : vector<16xi32> to vector<1x1x16xi32>
      tpu.vector_store %arg7[%swap3A_1201, %swap3A_1202, %swap3A_1203], %swap3A_1206 {strides = array<i32>} : memref<3x2x64xi32, #tpu.memory_space<vmem>>, vector<1x1x16xi32>,
      %get3A_1207 = arith.index_cast %min3A_1180 : i32 to index
      %get3A_1208 = arith.constant 16 : index
      %get3A_1209 = tpu.vector_load %arg5[%get3A_1207, %get3A_1208] {strides = array<i32>} : memref<159x128xi32, #tpu.memory_space<vmem>>, vector<1x16xi32>,
      %get3A_1210 = vector.shape_cast %get3A_1209 : vector<1x16xi32> to vector<16xi32>
      %shift_right_logical3A_1211 = arith.constant 14 : i32
      %shift_right_logical3A_1212 = vector.broadcast %shift_right_logical3A_1211 : i32 to vector<16xi32>
      %shift_right_logical3A_1213 = arith.shrui %get3A_1210, %shift_right_logical3A_1212 : vector<16xi32>
      %swap3A_1214 = arith.constant 1 : i32
      %swap3A_1215 = arith.constant 0 : i32
      %swap3A_1216 = arith.index_cast %swap3A_1214 : i32 to index
      %swap3A_1217 = arith.index_cast %swap3A_1215 : i32 to index
      %swap3A_1218 = arith.constant 16 : index
      %swap3A_1219 = tpu.vector_load %arg6[%swap3A_1216, %swap3A_1217, %swap3A_1218] {strides = array<i32>} : memref<3x1x128xi32, #tpu.memory_space<vmem>>, vector<1x1x16xi32>,
      %swap3A_1220 = vector.shape_cast %swap3A_1219 : vector<1x1x16xi32> to vector<16xi32>
      %swap3A_1221 = vector.shape_cast %shift_right_logical3A_1213 : vector<16xi32> to vector<1x1x16xi32>
      tpu.vector_store %arg6[%swap3A_1216, %swap3A_1217, %swap3A_1218], %swap3A_1221 {strides = array<i32>} : memref<3x1x128xi32, #tpu.memory_space<vmem>>, vector<1x1x16xi32>,
      %and3A_1222 = arith.constant 16383 : i32
      %and3A_1223 = vector.broadcast %and3A_1222 : i32 to vector<16xi32>
      %and3A_1224 = arith.andi %get3A_1210, %and3A_1223 : vector<16xi32>
      %swap3A_1225 = arith.constant 1 : i32
      %swap3A_1226 = arith.constant 0 : i32
      %swap3A_1227 = arith.index_cast %swap3A_1225 : i32 to index
      %swap3A_1228 = arith.index_cast %swap3A_1226 : i32 to index
      %swap3A_1229 = arith.constant 16 : index
      %swap3A_1230 = tpu.vector_load %arg7[%swap3A_1227, %swap3A_1228, %swap3A_1229] {strides = array<i32>} : memref<3x2x64xi32, #tpu.memory_space<vmem>>, vector<1x1x16xi32>,
      %swap3A_1231 = vector.shape_cast %swap3A_1230 : vector<1x1x16xi32> to vector<16xi32>
      %swap3A_1232 = vector.shape_cast %and3A_1224 : vector<16xi32> to vector<1x1x16xi32>
      tpu.vector_store %arg7[%swap3A_1227, %swap3A_1228, %swap3A_1229], %swap3A_1232 {strides = array<i32>} : memref<3x2x64xi32, #tpu.memory_space<vmem>>, vector<1x1x16xi32>,
      %get3A_1233 = arith.index_cast %min3A_1180 : i32 to index
      %get3A_1234 = arith.constant 32 : index
      %get3A_1235 = tpu.vector_load %arg5[%get3A_1233, %get3A_1234] {strides = array<i32>} : memref<159x128xi32, #tpu.memory_space<vmem>>, vector<1x16xi32>,
      %get3A_1236 = vector.shape_cast %get3A_1235 : vector<1x16xi32> to vector<16xi32>
      %shift_right_logical3A_1237 = arith.constant 14 : i32
      %shift_right_logical3A_1238 = vector.broadcast %shift_right_logical3A_1237 : i32 to vector<16xi32>
      %shift_right_logical3A_1239 = arith.shrui %get3A_1236, %shift_right_logical3A_1238 : vector<16xi32>
      %swap3A_1240 = arith.constant 1 : i32
      %swap3A_1241 = arith.constant 0 : i32
      %swap3A_1242 = arith.index_cast %swap3A_1240 : i32 to index
      %swap3A_1243 = arith.index_cast %swap3A_1241 : i32 to index
      %swap3A_1244 = arith.constant 32 : index
      %swap3A_1245 = tpu.vector_load %arg6[%swap3A_1242, %swap3A_1243, %swap3A_1244] {strides = array<i32>} : memref<3x1x128xi32, #tpu.memory_space<vmem>>, vector<1x1x16xi32>,
      %swap3A_1246 = vector.shape_cast %swap3A_1245 : vector<1x1x16xi32> to vector<16xi32>
      %swap3A_1247 = vector.shape_cast %shift_right_logical3A_1239 : vector<16xi32> to vector<1x1x16xi32>
      tpu.vector_store %arg6[%swap3A_1242, %swap3A_1243, %swap3A_1244], %swap3A_1247 {strides = array<i32>} : memref<3x1x128xi32, #tpu.memory_space<vmem>>, vector<1x1x16xi32>,
      %and3A_1248 = arith.constant 16383 : i32
      %and3A_1249 = vector.broadcast %and3A_1248 : i32 to vector<16xi32>
      %and3A_1250 = arith.andi %get3A_1236, %and3A_1249 : vector<16xi32>
      %swap3A_1251 = arith.constant 1 : i32
      %swap3A_1252 = arith.constant 0 : i32
      %swap3A_1253 = arith.index_cast %swap3A_1251 : i32 to index
      %swap3A_1254 = arith.index_cast %swap3A_1252 : i32 to index
      %swap3A_1255 = arith.constant 32 : index
      %swap3A_1256 = tpu.vector_load %arg7[%swap3A_1253, %swap3A_1254, %swap3A_1255] {strides = array<i32>} : memref<3x2x64xi32, #tpu.memory_space<vmem>>, vector<1x1x16xi32>,
      %swap3A_1257 = vector.shape_cast %swap3A_1256 : vector<1x1x16xi32> to vector<16xi32>
      %swap3A_1258 = vector.shape_cast %and3A_1250 : vector<16xi32> to vector<1x1x16xi32>
      tpu.vector_store %arg7[%swap3A_1253, %swap3A_1254, %swap3A_1255], %swap3A_1258 {strides = array<i32>} : memref<3x2x64xi32, #tpu.memory_space<vmem>>, vector<1x1x16xi32>,
      %get3A_1259 = arith.index_cast %min3A_1180 : i32 to index
      %get3A_1260 = arith.constant 48 : index
      %get3A_1261 = tpu.vector_load %arg5[%get3A_1259, %get3A_1260] {strides = array<i32>} : memref<159x128xi32, #tpu.memory_space<vmem>>, vector<1x16xi32>,
      %get3A_1262 = vector.shape_cast %get3A_1261 : vector<1x16xi32> to vector<16xi32>
      %shift_right_logical3A_1263 = arith.constant 14 : i32
      %shift_right_logical3A_1264 = vector.broadcast %shift_right_logical3A_1263 : i32 to vector<16xi32>
      %shift_right_logical3A_1265 = arith.shrui %get3A_1262, %shift_right_logical3A_1264 : vector<16xi32>
      %swap3A_1266 = arith.constant 1 : i32
      %swap3A_1267 = arith.constant 0 : i32
      %swap3A_1268 = arith.index_cast %swap3A_1266 : i32 to index
      %swap3A_1269 = arith.index_cast %swap3A_1267 : i32 to index
      %swap3A_1270 = arith.constant 48 : index
      %swap3A_1271 = tpu.vector_load %arg6[%swap3A_1268, %swap3A_1269, %swap3A_1270] {strides = array<i32>} : memref<3x1x128xi32, #tpu.memory_space<vmem>>, vector<1x1x16xi32>,
      %swap3A_1272 = vector.shape_cast %swap3A_1271 : vector<1x1x16xi32> to vector<16xi32>
      %swap3A_1273 = vector.shape_cast %shift_right_logical3A_1265 : vector<16xi32> to vector<1x1x16xi32>
      tpu.vector_store %arg6[%swap3A_1268, %swap3A_1269, %swap3A_1270], %swap3A_1273 {strides = array<i32>} : memref<3x1x128xi32, #tpu.memory_space<vmem>>, vector<1x1x16xi32>,
      %and3A_1274 = arith.constant 16383 : i32
      %and3A_1275 = vector.broadcast %and3A_1274 : i32 to vector<16xi32>
      %and3A_1276 = arith.andi %get3A_1262, %and3A_1275 : vector<16xi32>
      %swap3A_1277 = arith.constant 1 : i32
      %swap3A_1278 = arith.constant 0 : i32
      %swap3A_1279 = arith.index_cast %swap3A_1277 : i32 to index
      %swap3A_1280 = arith.index_cast %swap3A_1278 : i32 to index
      %swap3A_1281 = arith.constant 48 : index
      %swap3A_1282 = tpu.vector_load %arg7[%swap3A_1279, %swap3A_1280, %swap3A_1281] {strides = array<i32>} : memref<3x2x64xi32, #tpu.memory_space<vmem>>, vector<1x1x16xi32>,
      %swap3A_1283 = vector.shape_cast %swap3A_1282 : vector<1x1x16xi32> to vector<16xi32>
      %swap3A_1284 = vector.shape_cast %and3A_1276 : vector<16xi32> to vector<1x1x16xi32>
      tpu.vector_store %arg7[%swap3A_1279, %swap3A_1280, %swap3A_1281], %swap3A_1284 {strides = array<i32>} : memref<3x2x64xi32, #tpu.memory_space<vmem>>, vector<1x1x16xi32>,
      %get3A_1285 = arith.index_cast %min3A_1180 : i32 to index
      %get3A_1286 = arith.constant 64 : index
      %get3A_1287 = tpu.vector_load %arg5[%get3A_1285, %get3A_1286] {strides = array<i32>} : memref<159x128xi32, #tpu.memory_space<vmem>>, vector<1x16xi32>,
      %get3A_1288 = vector.shape_cast %get3A_1287 : vector<1x16xi32> to vector<16xi32>
      %shift_right_logical3A_1289 = arith.constant 14 : i32
      %shift_right_logical3A_1290 = vector.broadcast %shift_right_logical3A_1289 : i32 to vector<16xi32>
      %shift_right_logical3A_1291 = arith.shrui %get3A_1288, %shift_right_logical3A_1290 : vector<16xi32>
      %swap3A_1292 = arith.constant 1 : i32
      %swap3A_1293 = arith.constant 0 : i32
      %swap3A_1294 = arith.index_cast %swap3A_1292 : i32 to index
      %swap3A_1295 = arith.index_cast %swap3A_1293 : i32 to index
      %swap3A_1296 = arith.constant 64 : index
      %swap3A_1297 = tpu.vector_load %arg6[%swap3A_1294, %swap3A_1295, %swap3A_1296] {strides = array<i32>} : memref<3x1x128xi32, #tpu.memory_space<vmem>>, vector<1x1x16xi32>,
      %swap3A_1298 = vector.shape_cast %swap3A_1297 : vector<1x1x16xi32> to vector<16xi32>
      %swap3A_1299 = vector.shape_cast %shift_right_logical3A_1291 : vector<16xi32> to vector<1x1x16xi32>
      tpu.vector_store %arg6[%swap3A_1294, %swap3A_1295, %swap3A_1296], %swap3A_1299 {strides = array<i32>} : memref<3x1x128xi32, #tpu.memory_space<vmem>>, vector<1x1x16xi32>,
      %and3A_1300 = arith.constant 16383 : i32
      %and3A_1301 = vector.broadcast %and3A_1300 : i32 to vector<16xi32>
      %and3A_1302 = arith.andi %get3A_1288, %and3A_1301 : vector<16xi32>
      %swap3A_1303 = arith.constant 1 : i32
      %swap3A_1304 = arith.constant 1 : i32
      %swap3A_1305 = arith.index_cast %swap3A_1303 : i32 to index
      %swap3A_1306 = arith.index_cast %swap3A_1304 : i32 to index
      %swap3A_1307 = arith.constant 0 : index
      %swap3A_1308 = tpu.vector_load %arg7[%swap3A_1305, %swap3A_1306, %swap3A_1307] {strides = array<i32>} : memref<3x2x64xi32, #tpu.memory_space<vmem>>, vector<1x1x16xi32>,
      %swap3A_1309 = vector.shape_cast %swap3A_1308 : vector<1x1x16xi32> to vector<16xi32>
      %swap3A_1310 = vector.shape_cast %and3A_1302 : vector<16xi32> to vector<1x1x16xi32>
      tpu.vector_store %arg7[%swap3A_1305, %swap3A_1306, %swap3A_1307], %swap3A_1310 {strides = array<i32>} : memref<3x2x64xi32, #tpu.memory_space<vmem>>, vector<1x1x16xi32>,
      %get3A_1311 = arith.index_cast %min3A_1180 : i32 to index
      %get3A_1312 = arith.constant 80 : index
      %get3A_1313 = tpu.vector_load %arg5[%get3A_1311, %get3A_1312] {strides = array<i32>} : memref<159x128xi32, #tpu.memory_space<vmem>>, vector<1x16xi32>,
      %get3A_1314 = vector.shape_cast %get3A_1313 : vector<1x16xi32> to vector<16xi32>
      %shift_right_logical3A_1315 = arith.constant 14 : i32
      %shift_right_logical3A_1316 = vector.broadcast %shift_right_logical3A_1315 : i32 to vector<16xi32>
      %shift_right_logical3A_1317 = arith.shrui %get3A_1314, %shift_right_logical3A_1316 : vector<16xi32>
      %swap3A_1318 = arith.constant 1 : i32
      %swap3A_1319 = arith.constant 0 : i32
      %swap3A_1320 = arith.index_cast %swap3A_1318 : i32 to index
      %swap3A_1321 = arith.index_cast %swap3A_1319 : i32 to index
      %swap3A_1322 = arith.constant 80 : index
      %swap3A_1323 = tpu.vector_load %arg6[%swap3A_1320, %swap3A_1321, %swap3A_1322] {strides = array<i32>} : memref<3x1x128xi32, #tpu.memory_space<vmem>>, vector<1x1x16xi32>,
      %swap3A_1324 = vector.shape_cast %swap3A_1323 : vector<1x1x16xi32> to vector<16xi32>
      %swap3A_1325 = vector.shape_cast %shift_right_logical3A_1317 : vector<16xi32> to vector<1x1x16xi32>
      tpu.vector_store %arg6[%swap3A_1320, %swap3A_1321, %swap3A_1322], %swap3A_1325 {strides = array<i32>} : memref<3x1x128xi32, #tpu.memory_space<vmem>>, vector<1x1x16xi32>,
      %and3A_1326 = arith.constant 16383 : i32
      %and3A_1327 = vector.broadcast %and3A_1326 : i32 to vector<16xi32>
      %and3A_1328 = arith.andi %get3A_1314, %and3A_1327 : vector<16xi32>
      %swap3A_1329 = arith.constant 1 : i32
      %swap3A_1330 = arith.constant 1 : i32
      %swap3A_1331 = arith.index_cast %swap3A_1329 : i32 to index
      %swap3A_1332 = arith.index_cast %swap3A_1330 : i32 to index
      %swap3A_1333 = arith.constant 16 : index
      %swap3A_1334 = tpu.vector_load %arg7[%swap3A_1331, %swap3A_1332, %swap3A_1333] {strides = array<i32>} : memref<3x2x64xi32, #tpu.memory_space<vmem>>, vector<1x1x16xi32>,
      %swap3A_1335 = vector.shape_cast %swap3A_1334 : vector<1x1x16xi32> to vector<16xi32>
      %swap3A_1336 = vector.shape_cast %and3A_1328 : vector<16xi32> to vector<1x1x16xi32>
      tpu.vector_store %arg7[%swap3A_1331, %swap3A_1332, %swap3A_1333], %swap3A_1336 {strides = array<i32>} : memref<3x2x64xi32, #tpu.memory_space<vmem>>, vector<1x1x16xi32>,
      %get3A_1337 = arith.index_cast %min3A_1180 : i32 to index
      %get3A_1338 = arith.constant 96 : index
      %get3A_1339 = tpu.vector_load %arg5[%get3A_1337, %get3A_1338] {strides = array<i32>} : memref<159x128xi32, #tpu.memory_space<vmem>>, vector<1x16xi32>,
      %get3A_1340 = vector.shape_cast %get3A_1339 : vector<1x16xi32> to vector<16xi32>
      %shift_right_logical3A_1341 = arith.constant 14 : i32
      %shift_right_logical3A_1342 = vector.broadcast %shift_right_logical3A_1341 : i32 to vector<16xi32>
      %shift_right_logical3A_1343 = arith.shrui %get3A_1340, %shift_right_logical3A_1342 : vector<16xi32>
      %swap3A_1344 = arith.constant 1 : i32
      %swap3A_1345 = arith.constant 0 : i32
      %swap3A_1346 = arith.index_cast %swap3A_1344 : i32 to index
      %swap3A_1347 = arith.index_cast %swap3A_1345 : i32 to index
      %swap3A_1348 = arith.constant 96 : index
      %swap3A_1349 = tpu.vector_load %arg6[%swap3A_1346, %swap3A_1347, %swap3A_1348] {strides = array<i32>} : memref<3x1x128xi32, #tpu.memory_space<vmem>>, vector<1x1x16xi32>,
      %swap3A_1350 = vector.shape_cast %swap3A_1349 : vector<1x1x16xi32> to vector<16xi32>
      %swap3A_1351 = vector.shape_cast %shift_right_logical3A_1343 : vector<16xi32> to vector<1x1x16xi32>
      tpu.vector_store %arg6[%swap3A_1346, %swap3A_1347, %swap3A_1348], %swap3A_1351 {strides = array<i32>} : memref<3x1x128xi32, #tpu.memory_space<vmem>>, vector<1x1x16xi32>,
      %and3A_1352 = arith.constant 16383 : i32
      %and3A_1353 = vector.broadcast %and3A_1352 : i32 to vector<16xi32>
      %and3A_1354 = arith.andi %get3A_1340, %and3A_1353 : vector<16xi32>
      %swap3A_1355 = arith.constant 1 : i32
      %swap3A_1356 = arith.constant 1 : i32
      %swap3A_1357 = arith.index_cast %swap3A_1355 : i32 to index
      %swap3A_1358 = arith.index_cast %swap3A_1356 : i32 to index
      %swap3A_1359 = arith.constant 32 : index
      %swap3A_1360 = tpu.vector_load %arg7[%swap3A_1357, %swap3A_1358, %swap3A_1359] {strides = array<i32>} : memref<3x2x64xi32, #tpu.memory_space<vmem>>, vector<1x1x16xi32>,
      %swap3A_1361 = vector.shape_cast %swap3A_1360 : vector<1x1x16xi32> to vector<16xi32>
      %swap3A_1362 = vector.shape_cast %and3A_1354 : vector<16xi32> to vector<1x1x16xi32>
      tpu.vector_store %arg7[%swap3A_1357, %swap3A_1358, %swap3A_1359], %swap3A_1362 {strides = array<i32>} : memref<3x2x64xi32, #tpu.memory_space<vmem>>, vector<1x1x16xi32>,
      %get3A_1363 = arith.index_cast %min3A_1180 : i32 to index
      %get3A_1364 = arith.constant 112 : index
      %get3A_1365 = tpu.vector_load %arg5[%get3A_1363, %get3A_1364] {strides = array<i32>} : memref<159x128xi32, #tpu.memory_space<vmem>>, vector<1x16xi32>,
      %get3A_1366 = vector.shape_cast %get3A_1365 : vector<1x16xi32> to vector<16xi32>
      %shift_right_logical3A_1367 = arith.constant 14 : i32
      %shift_right_logical3A_1368 = vector.broadcast %shift_right_logical3A_1367 : i32 to vector<16xi32>
      %shift_right_logical3A_1369 = arith.shrui %get3A_1366, %shift_right_logical3A_1368 : vector<16xi32>
      %swap3A_1370 = arith.constant 1 : i32
      %swap3A_1371 = arith.constant 0 : i32
      %swap3A_1372 = arith.index_cast %swap3A_1370 : i32 to index
      %swap3A_1373 = arith.index_cast %swap3A_1371 : i32 to index
      %swap3A_1374 = arith.constant 112 : index
      %swap3A_1375 = tpu.vector_load %arg6[%swap3A_1372, %swap3A_1373, %swap3A_1374] {strides = array<i32>} : memref<3x1x128xi32, #tpu.memory_space<vmem>>, vector<1x1x16xi32>,
      %swap3A_1376 = vector.shape_cast %swap3A_1375 : vector<1x1x16xi32> to vector<16xi32>
      %swap3A_1377 = vector.shape_cast %shift_right_logical3A_1369 : vector<16xi32> to vector<1x1x16xi32>
      tpu.vector_store %arg6[%swap3A_1372, %swap3A_1373, %swap3A_1374], %swap3A_1377 {strides = array<i32>} : memref<3x1x128xi32, #tpu.memory_space<vmem>>, vector<1x1x16xi32>,
      %and3A_1378 = arith.constant 16383 : i32
      %and3A_1379 = vector.broadcast %and3A_1378 : i32 to vector<16xi32>
      %and3A_1380 = arith.andi %get3A_1366, %and3A_1379 : vector<16xi32>
      %swap3A_1381 = arith.constant 1 : i32
      %swap3A_1382 = arith.constant 1 : i32
      %swap3A_1383 = arith.index_cast %swap3A_1381 : i32 to index
      %swap3A_1384 = arith.index_cast %swap3A_1382 : i32 to index
      %swap3A_1385 = arith.constant 48 : index
      %swap3A_1386 = tpu.vector_load %arg7[%swap3A_1383, %swap3A_1384, %swap3A_1385] {strides = array<i32>} : memref<3x2x64xi32, #tpu.memory_space<vmem>>, vector<1x1x16xi32>,
      %swap3A_1387 = vector.shape_cast %swap3A_1386 : vector<1x1x16xi32> to vector<16xi32>
      %swap3A_1388 = vector.shape_cast %and3A_1380 : vector<16xi32> to vector<1x1x16xi32>
      tpu.vector_store %arg7[%swap3A_1383, %swap3A_1384, %swap3A_1385], %swap3A_1388 {strides = array<i32>} : memref<3x2x64xi32, #tpu.memory_space<vmem>>, vector<1x1x16xi32>,
      %add3A_1389 = arith.constant 1 : i32
      %add3A_1390 = arith.addi %add3A_1147, %add3A_1389 : i32
      %dma_start3A_1391 = arith.constant 1 : i32
      %dma_start3A_1392 = arith.constant 0 : i32
      %dma_start3A_1393 = arith.constant 1 : i32
      %dma_start3A_1394 = arith.constant 0 : i32
      %dma_start3A_1395 = arith.constant 0 : i32
      %dma_start3A_1396 = tpu.memref_slice %arg8[%dma_start3A_1393, %dma_start3A_1394, %dma_start3A_1395] : memref<3x128x64xf32, #tpu.memory_space<vmem>> -> memref<1x128x64xf32, #tpu.memory_space<vmem>>
      %dma_start3A_1397 = tpu.memref_squeeze %dma_start3A_1396 : memref<1x128x64xf32, #tpu.memory_space<vmem>> -> memref<128x64xf32, #tpu.memory_space<vmem>>
      %dma_start3A_1398 = arith.constant 0 : i32
      %dma_start3A_1399 = tpu.memref_slice %arg6[%dma_start3A_1391, %dma_start3A_1392, %dma_start3A_1398] : memref<3x1x128xi32, #tpu.memory_space<vmem>> -> memref<1x1x128xi32, #tpu.memory_space<vmem>>
      %dma_start3A_1400 = tpu.memref_squeeze %dma_start3A_1399 : memref<1x1x128xi32, #tpu.memory_space<vmem>> -> memref<128xi32, #tpu.memory_space<vmem>>
      %dma_start3A_1401 = arith.constant 0 : i32
      %dma_start3A_1402 = arith.constant 0 : i32
      %dma_start3A_1403 = tpu.memref_slice %arg9[%dma_start3A_1401, %dma_start3A_1402] : memref<10000x64xf32, #tpu.memory_space<vmem_shared>> -> memref<10000x64xf32, #tpu.memory_space<vmem_shared>>
      tpu.enqueue_indirect_dma source(%dma_start3A_1403 : memref<10000x64xf32, #tpu.memory_space<vmem_shared>>) target(%dma_start3A_1397 : memref<128x64xf32, #tpu.memory_space<vmem>>) offsets(%dma_start3A_1400 : memref<128xi32, #tpu.memory_space<vmem>>) semaphore(%arg12 : memref<!tpu.dma_semaphore, #tpu.memory_space<semaphore_mem>>)
      %dma_wait3A_1404 = arith.constant 0 : i32
      %dma_wait3A_1405 = arith.constant 0 : i32
      %dma_wait3A_1406 = arith.constant 0 : i32
      %dma_wait3A_1407 = arith.constant 0 : i32
      %dma_wait3A_1408 = arith.constant 0 : i32
      %dma_wait3A_1409 = tpu.memref_slice %arg8[%dma_wait3A_1406, %dma_wait3A_1407, %dma_wait3A_1408] : memref<3x128x64xf32, #tpu.memory_space<vmem>> -> memref<1x128x64xf32, #tpu.memory_space<vmem>>
      %dma_wait3A_1410 = tpu.memref_squeeze %dma_wait3A_1409 : memref<1x128x64xf32, #tpu.memory_space<vmem>> -> memref<128x64xf32, #tpu.memory_space<vmem>>
      %dma_wait3A_1411 = arith.constant 0 : i32
      %dma_wait3A_1412 = tpu.memref_slice %arg6[%dma_wait3A_1404, %dma_wait3A_1405, %dma_wait3A_1411] : memref<3x1x128xi32, #tpu.memory_space<vmem>> -> memref<1x1x128xi32, #tpu.memory_space<vmem>>
      %dma_wait3A_1413 = tpu.memref_squeeze %dma_wait3A_1412 : memref<1x1x128xi32, #tpu.memory_space<vmem>> -> memref<128xi32, #tpu.memory_space<vmem>>
      %dma_wait3A_1414 = arith.constant 0 : i32
      %dma_wait3A_1415 = arith.constant 0 : i32
      %dma_wait3A_1416 = tpu.memref_slice %arg9[%dma_wait3A_1414, %dma_wait3A_1415] : memref<10000x64xf32, #tpu.memory_space<vmem_shared>> -> memref<10000x64xf32, #tpu.memory_space<vmem_shared>>
      tpu.wait_indirect_dma semaphore(%arg11 : memref<!tpu.dma_semaphore, #tpu.memory_space<semaphore_mem>>) src(%dma_wait3A_1416 : memref<10000x64xf32, #tpu.memory_space<vmem_shared>>) dst(%dma_wait3A_1410 : memref<128x64xf32, #tpu.memory_space<vmem>>)
      %dma_start3A_1417 = arith.constant 0 : i32
      %dma_start3A_1418 = arith.constant 0 : i32
      %dma_start3A_1419 = arith.constant 0 : i32
      %dma_start3A_1420 = arith.constant 0 : i32
      %dma_start3A_1421 = arith.constant 0 : i32
      %dma_start3A_1422 = tpu.memref_slice %arg8[%dma_start3A_1417, %dma_start3A_1420, %dma_start3A_1421] : memref<3x128x64xf32, #tpu.memory_space<vmem>> -> memref<1x64x64xf32, #tpu.memory_space<vmem>>
      %dma_start3A_1423 = tpu.memref_squeeze %dma_start3A_1422 : memref<1x64x64xf32, #tpu.memory_space<vmem>> -> memref<64x64xf32, #tpu.memory_space<vmem>>
      %dma_start3A_1424 = arith.constant 0 : i32
      %dma_start3A_1425 = tpu.memref_slice %arg7[%dma_start3A_1418, %dma_start3A_1419, %dma_start3A_1424] : memref<3x2x64xi32, #tpu.memory_space<vmem>> -> memref<1x1x64xi32, #tpu.memory_space<vmem>>
      %dma_start3A_1426 = tpu.memref_squeeze %dma_start3A_1425 : memref<1x1x64xi32, #tpu.memory_space<vmem>> -> memref<64xi32, #tpu.memory_space<vmem>>
      %dma_start3A_1427 = arith.constant 0 : i32
      %dma_start3A_1428 = arith.constant 0 : i32
      %dma_start3A_1429 = tpu.memref_slice %arg10[%dma_start3A_1427, %dma_start3A_1428] : memref<10240x64xf32, #tpu.memory_space<vmem_shared>> -> memref<10240x64xf32, #tpu.memory_space<vmem_shared>>
      tpu.enqueue_indirect_dma source(%dma_start3A_1423 : memref<64x64xf32, #tpu.memory_space<vmem>>) target(%dma_start3A_1429 : memref<10240x64xf32, #tpu.memory_space<vmem_shared>>) offsets(%dma_start3A_1426 : memref<64xi32, #tpu.memory_space<vmem>>) semaphore(%arg14 : memref<!tpu.dma_semaphore, #tpu.memory_space<semaphore_mem>>) {add = true}
      %dma_start3A_1430 = arith.constant 0 : i32
      %dma_start3A_1431 = arith.constant 0 : i32
      %dma_start3A_1432 = arith.constant 1 : i32
      %dma_start3A_1433 = arith.constant 64 : i32
      %dma_start3A_1434 = arith.constant 0 : i32
      %dma_start3A_1435 = tpu.memref_slice %arg8[%dma_start3A_1430, %dma_start3A_1433, %dma_start3A_1434] : memref<3x128x64xf32, #tpu.memory_space<vmem>> -> memref<1x64x64xf32, #tpu.memory_space<vmem>>
      %dma_start3A_1436 = tpu.memref_squeeze %dma_start3A_1435 : memref<1x64x64xf32, #tpu.memory_space<vmem>> -> memref<64x64xf32, #tpu.memory_space<vmem>>
      %dma_start3A_1437 = arith.constant 0 : i32
      %dma_start3A_1438 = tpu.memref_slice %arg7[%dma_start3A_1431, %dma_start3A_1432, %dma_start3A_1437] : memref<3x2x64xi32, #tpu.memory_space<vmem>> -> memref<1x1x64xi32, #tpu.memory_space<vmem>>
      %dma_start3A_1439 = tpu.memref_squeeze %dma_start3A_1438 : memref<1x1x64xi32, #tpu.memory_space<vmem>> -> memref<64xi32, #tpu.memory_space<vmem>>
      %dma_start3A_1440 = arith.constant 0 : i32
      %dma_start3A_1441 = arith.constant 0 : i32
      %dma_start3A_1442 = tpu.memref_slice %arg10[%dma_start3A_1440, %dma_start3A_1441] : memref<10240x64xf32, #tpu.memory_space<vmem_shared>> -> memref<10240x64xf32, #tpu.memory_space<vmem_shared>>
      tpu.enqueue_indirect_dma source(%dma_start3A_1436 : memref<64x64xf32, #tpu.memory_space<vmem>>) target(%dma_start3A_1442 : memref<10240x64xf32, #tpu.memory_space<vmem_shared>>) offsets(%dma_start3A_1439 : memref<64xi32, #tpu.memory_space<vmem>>) semaphore(%arg15 : memref<!tpu.dma_semaphore, #tpu.memory_space<semaphore_mem>>) {add = true}
      %mul3A_1443 = arith.constant 3 : i32
      %mul3A_1444 = arith.muli %scan3A_1143, %mul3A_1443 : i32
      %add3A_1445 = arith.constant 1 : i32
      %add3A_1446 = arith.addi %mul3A_1444, %add3A_1445 : i32
      %add3A_1447 = arith.constant 1 : i32
      %add3A_1448 = arith.addi %add3A_1446, %add3A_1447 : i32
      %sub3A_1449 = arith.constant 3 : i32
      %sub3A_1450 = arith.subi %add3A_1448, %sub3A_1449 : i32
      %dma_wait3A_1451 = arith.constant 2 : i32
      %dma_wait3A_1452 = arith.constant 2 : i32
      %dma_wait3A_1453 = arith.constant 0 : i32
      %dma_wait3A_1454 = arith.constant 0 : i32
      %dma_wait3A_1455 = arith.constant 0 : i32
      %dma_wait3A_1456 = tpu.memref_slice %arg8[%dma_wait3A_1451, %dma_wait3A_1454, %dma_wait3A_1455] : memref<3x128x64xf32, #tpu.memory_space<vmem>> -> memref<1x64x64xf32, #tpu.memory_space<vmem>>
      %dma_wait3A_1457 = tpu.memref_squeeze %dma_wait3A_1456 : memref<1x64x64xf32, #tpu.memory_space<vmem>> -> memref<64x64xf32, #tpu.memory_space<vmem>>
      %dma_wait3A_1458 = arith.constant 0 : i32
      %dma_wait3A_1459 = tpu.memref_slice %arg7[%dma_wait3A_1452, %dma_wait3A_1453, %dma_wait3A_1458] : memref<3x2x64xi32, #tpu.memory_space<vmem>> -> memref<1x1x64xi32, #tpu.memory_space<vmem>>
      %dma_wait3A_1460 = tpu.memref_squeeze %dma_wait3A_1459 : memref<1x1x64xi32, #tpu.memory_space<vmem>> -> memref<64xi32, #tpu.memory_space<vmem>>
      %dma_wait3A_1461 = arith.constant 0 : i32
      %dma_wait3A_1462 = arith.constant 0 : i32
      %dma_wait3A_1463 = tpu.memref_slice %arg10[%dma_wait3A_1461, %dma_wait3A_1462] : memref<10240x64xf32, #tpu.memory_space<vmem_shared>> -> memref<10240x64xf32, #tpu.memory_space<vmem_shared>>
      tpu.wait_indirect_dma semaphore(%arg18 : memref<!tpu.dma_semaphore, #tpu.memory_space<semaphore_mem>>) src(%dma_wait3A_1457 : memref<64x64xf32, #tpu.memory_space<vmem>>) dst(%dma_wait3A_1463 : memref<10240x64xf32, #tpu.memory_space<vmem_shared>>)
      %dma_wait3A_1464 = arith.constant 2 : i32
      %dma_wait3A_1465 = arith.constant 2 : i32
      %dma_wait3A_1466 = arith.constant 1 : i32
      %dma_wait3A_1467 = arith.constant 64 : i32
      %dma_wait3A_1468 = arith.constant 0 : i32
      %dma_wait3A_1469 = tpu.memref_slice %arg8[%dma_wait3A_1464, %dma_wait3A_1467, %dma_wait3A_1468] : memref<3x128x64xf32, #tpu.memory_space<vmem>> -> memref<1x64x64xf32, #tpu.memory_space<vmem>>
      %dma_wait3A_1470 = tpu.memref_squeeze %dma_wait3A_1469 : memref<1x64x64xf32, #tpu.memory_space<vmem>> -> memref<64x64xf32, #tpu.memory_space<vmem>>
      %dma_wait3A_1471 = arith.constant 0 : i32
      %dma_wait3A_1472 = tpu.memref_slice %arg7[%dma_wait3A_1465, %dma_wait3A_1466, %dma_wait3A_1471] : memref<3x2x64xi32, #tpu.memory_space<vmem>> -> memref<1x1x64xi32, #tpu.memory_space<vmem>>
      %dma_wait3A_1473 = tpu.memref_squeeze %dma_wait3A_1472 : memref<1x1x64xi32, #tpu.memory_space<vmem>> -> memref<64xi32, #tpu.memory_space<vmem>>
      %dma_wait3A_1474 = arith.constant 0 : i32
      %dma_wait3A_1475 = arith.constant 0 : i32
      %dma_wait3A_1476 = tpu.memref_slice %arg10[%dma_wait3A_1474, %dma_wait3A_1475] : memref<10240x64xf32, #tpu.memory_space<vmem_shared>> -> memref<10240x64xf32, #tpu.memory_space<vmem_shared>>
      tpu.wait_indirect_dma semaphore(%arg19 : memref<!tpu.dma_semaphore, #tpu.memory_space<semaphore_mem>>) src(%dma_wait3A_1470 : memref<64x64xf32, #tpu.memory_space<vmem>>) dst(%dma_wait3A_1476 : memref<10240x64xf32, #tpu.memory_space<vmem_shared>>)
      %add3A_1477 = arith.constant 1 : i32
      %add3A_1478 = arith.addi %add3A_1446, %add3A_1477 : i32
      %min3A_1479 = arith.constant 158 : i32
      %min3A_1480 = arith.minsi %add3A_1478, %min3A_1479 : i32
      %get3A_1481 = arith.index_cast %min3A_1480 : i32 to index
      %get3A_1482 = arith.constant 0 : index
      %get3A_1483 = tpu.vector_load %arg5[%get3A_1481, %get3A_1482] {strides = array<i32>} : memref<159x128xi32, #tpu.memory_space<vmem>>, vector<1x16xi32>,
      %get3A_1484 = vector.shape_cast %get3A_1483 : vector<1x16xi32> to vector<16xi32>
      %shift_right_logical3A_1485 = arith.constant 14 : i32
      %shift_right_logical3A_1486 = vector.broadcast %shift_right_logical3A_1485 : i32 to vector<16xi32>
      %shift_right_logical3A_1487 = arith.shrui %get3A_1484, %shift_right_logical3A_1486 : vector<16xi32>
      %swap3A_1488 = arith.constant 2 : i32
      %swap3A_1489 = arith.constant 0 : i32
      %swap3A_1490 = arith.index_cast %swap3A_1488 : i32 to index
      %swap3A_1491 = arith.index_cast %swap3A_1489 : i32 to index
      %swap3A_1492 = arith.constant 0 : index
      %swap3A_1493 = tpu.vector_load %arg6[%swap3A_1490, %swap3A_1491, %swap3A_1492] {strides = array<i32>} : memref<3x1x128xi32, #tpu.memory_space<vmem>>, vector<1x1x16xi32>,
      %swap3A_1494 = vector.shape_cast %swap3A_1493 : vector<1x1x16xi32> to vector<16xi32>
      %swap3A_1495 = vector.shape_cast %shift_right_logical3A_1487 : vector<16xi32> to vector<1x1x16xi32>
      tpu.vector_store %arg6[%swap3A_1490, %swap3A_1491, %swap3A_1492], %swap3A_1495 {strides = array<i32>} : memref<3x1x128xi32, #tpu.memory_space<vmem>>, vector<1x1x16xi32>,
      %and3A_1496 = arith.constant 16383 : i32
      %and3A_1497 = vector.broadcast %and3A_1496 : i32 to vector<16xi32>
      %and3A_1498 = arith.andi %get3A_1484, %and3A_1497 : vector<16xi32>
      %swap3A_1499 = arith.constant 2 : i32
      %swap3A_1500 = arith.constant 0 : i32
      %swap3A_1501 = arith.index_cast %swap3A_1499 : i32 to index
      %swap3A_1502 = arith.index_cast %swap3A_1500 : i32 to index
      %swap3A_1503 = arith.constant 0 : index
      %swap3A_1504 = tpu.vector_load %arg7[%swap3A_1501, %swap3A_1502, %swap3A_1503] {strides = array<i32>} : memref<3x2x64xi32, #tpu.memory_space<vmem>>, vector<1x1x16xi32>,
      %swap3A_1505 = vector.shape_cast %swap3A_1504 : vector<1x1x16xi32> to vector<16xi32>
      %swap3A_1506 = vector.shape_cast %and3A_1498 : vector<16xi32> to vector<1x1x16xi32>
      tpu.vector_store %arg7[%swap3A_1501, %swap3A_1502, %swap3A_1503], %swap3A_1506 {strides = array<i32>} : memref<3x2x64xi32, #tpu.memory_space<vmem>>, vector<1x1x16xi32>,
      %get3A_1507 = arith.index_cast %min3A_1480 : i32 to index
      %get3A_1508 = arith.constant 16 : index
      %get3A_1509 = tpu.vector_load %arg5[%get3A_1507, %get3A_1508] {strides = array<i32>} : memref<159x128xi32, #tpu.memory_space<vmem>>, vector<1x16xi32>,
      %get3A_1510 = vector.shape_cast %get3A_1509 : vector<1x16xi32> to vector<16xi32>
      %shift_right_logical3A_1511 = arith.constant 14 : i32
      %shift_right_logical3A_1512 = vector.broadcast %shift_right_logical3A_1511 : i32 to vector<16xi32>
      %shift_right_logical3A_1513 = arith.shrui %get3A_1510, %shift_right_logical3A_1512 : vector<16xi32>
      %swap3A_1514 = arith.constant 2 : i32
      %swap3A_1515 = arith.constant 0 : i32
      %swap3A_1516 = arith.index_cast %swap3A_1514 : i32 to index
      %swap3A_1517 = arith.index_cast %swap3A_1515 : i32 to index
      %swap3A_1518 = arith.constant 16 : index
      %swap3A_1519 = tpu.vector_load %arg6[%swap3A_1516, %swap3A_1517, %swap3A_1518] {strides = array<i32>} : memref<3x1x128xi32, #tpu.memory_space<vmem>>, vector<1x1x16xi32>,
      %swap3A_1520 = vector.shape_cast %swap3A_1519 : vector<1x1x16xi32> to vector<16xi32>
      %swap3A_1521 = vector.shape_cast %shift_right_logical3A_1513 : vector<16xi32> to vector<1x1x16xi32>
      tpu.vector_store %arg6[%swap3A_1516, %swap3A_1517, %swap3A_1518], %swap3A_1521 {strides = array<i32>} : memref<3x1x128xi32, #tpu.memory_space<vmem>>, vector<1x1x16xi32>,
      %and3A_1522 = arith.constant 16383 : i32
      %and3A_1523 = vector.broadcast %and3A_1522 : i32 to vector<16xi32>
      %and3A_1524 = arith.andi %get3A_1510, %and3A_1523 : vector<16xi32>
      %swap3A_1525 = arith.constant 2 : i32
      %swap3A_1526 = arith.constant 0 : i32
      %swap3A_1527 = arith.index_cast %swap3A_1525 : i32 to index
      %swap3A_1528 = arith.index_cast %swap3A_1526 : i32 to index
      %swap3A_1529 = arith.constant 16 : index
      %swap3A_1530 = tpu.vector_load %arg7[%swap3A_1527, %swap3A_1528, %swap3A_1529] {strides = array<i32>} : memref<3x2x64xi32, #tpu.memory_space<vmem>>, vector<1x1x16xi32>,
      %swap3A_1531 = vector.shape_cast %swap3A_1530 : vector<1x1x16xi32> to vector<16xi32>
      %swap3A_1532 = vector.shape_cast %and3A_1524 : vector<16xi32> to vector<1x1x16xi32>
      tpu.vector_store %arg7[%swap3A_1527, %swap3A_1528, %swap3A_1529], %swap3A_1532 {strides = array<i32>} : memref<3x2x64xi32, #tpu.memory_space<vmem>>, vector<1x1x16xi32>,
      %get3A_1533 = arith.index_cast %min3A_1480 : i32 to index
      %get3A_1534 = arith.constant 32 : index
      %get3A_1535 = tpu.vector_load %arg5[%get3A_1533, %get3A_1534] {strides = array<i32>} : memref<159x128xi32, #tpu.memory_space<vmem>>, vector<1x16xi32>,
      %get3A_1536 = vector.shape_cast %get3A_1535 : vector<1x16xi32> to vector<16xi32>
      %shift_right_logical3A_1537 = arith.constant 14 : i32
      %shift_right_logical3A_1538 = vector.broadcast %shift_right_logical3A_1537 : i32 to vector<16xi32>
      %shift_right_logical3A_1539 = arith.shrui %get3A_1536, %shift_right_logical3A_1538 : vector<16xi32>
      %swap3A_1540 = arith.constant 2 : i32
      %swap3A_1541 = arith.constant 0 : i32
      %swap3A_1542 = arith.index_cast %swap3A_1540 : i32 to index
      %swap3A_1543 = arith.index_cast %swap3A_1541 : i32 to index
      %swap3A_1544 = arith.constant 32 : index
      %swap3A_1545 = tpu.vector_load %arg6[%swap3A_1542, %swap3A_1543, %swap3A_1544] {strides = array<i32>} : memref<3x1x128xi32, #tpu.memory_space<vmem>>, vector<1x1x16xi32>,
      %swap3A_1546 = vector.shape_cast %swap3A_1545 : vector<1x1x16xi32> to vector<16xi32>
      %swap3A_1547 = vector.shape_cast %shift_right_logical3A_1539 : vector<16xi32> to vector<1x1x16xi32>
      tpu.vector_store %arg6[%swap3A_1542, %swap3A_1543, %swap3A_1544], %swap3A_1547 {strides = array<i32>} : memref<3x1x128xi32, #tpu.memory_space<vmem>>, vector<1x1x16xi32>,
      %and3A_1548 = arith.constant 16383 : i32
      %and3A_1549 = vector.broadcast %and3A_1548 : i32 to vector<16xi32>
      %and3A_1550 = arith.andi %get3A_1536, %and3A_1549 : vector<16xi32>
      %swap3A_1551 = arith.constant 2 : i32
      %swap3A_1552 = arith.constant 0 : i32
      %swap3A_1553 = arith.index_cast %swap3A_1551 : i32 to index
      %swap3A_1554 = arith.index_cast %swap3A_1552 : i32 to index
      %swap3A_1555 = arith.constant 32 : index
      %swap3A_1556 = tpu.vector_load %arg7[%swap3A_1553, %swap3A_1554, %swap3A_1555] {strides = array<i32>} : memref<3x2x64xi32, #tpu.memory_space<vmem>>, vector<1x1x16xi32>,
      %swap3A_1557 = vector.shape_cast %swap3A_1556 : vector<1x1x16xi32> to vector<16xi32>
      %swap3A_1558 = vector.shape_cast %and3A_1550 : vector<16xi32> to vector<1x1x16xi32>
      tpu.vector_store %arg7[%swap3A_1553, %swap3A_1554, %swap3A_1555], %swap3A_1558 {strides = array<i32>} : memref<3x2x64xi32, #tpu.memory_space<vmem>>, vector<1x1x16xi32>,
      %get3A_1559 = arith.index_cast %min3A_1480 : i32 to index
      %get3A_1560 = arith.constant 48 : index
      %get3A_1561 = tpu.vector_load %arg5[%get3A_1559, %get3A_1560] {strides = array<i32>} : memref<159x128xi32, #tpu.memory_space<vmem>>, vector<1x16xi32>,
      %get3A_1562 = vector.shape_cast %get3A_1561 : vector<1x16xi32> to vector<16xi32>
      %shift_right_logical3A_1563 = arith.constant 14 : i32
      %shift_right_logical3A_1564 = vector.broadcast %shift_right_logical3A_1563 : i32 to vector<16xi32>
      %shift_right_logical3A_1565 = arith.shrui %get3A_1562, %shift_right_logical3A_1564 : vector<16xi32>
      %swap3A_1566 = arith.constant 2 : i32
      %swap3A_1567 = arith.constant 0 : i32
      %swap3A_1568 = arith.index_cast %swap3A_1566 : i32 to index
      %swap3A_1569 = arith.index_cast %swap3A_1567 : i32 to index
      %swap3A_1570 = arith.constant 48 : index
      %swap3A_1571 = tpu.vector_load %arg6[%swap3A_1568, %swap3A_1569, %swap3A_1570] {strides = array<i32>} : memref<3x1x128xi32, #tpu.memory_space<vmem>>, vector<1x1x16xi32>,
      %swap3A_1572 = vector.shape_cast %swap3A_1571 : vector<1x1x16xi32> to vector<16xi32>
      %swap3A_1573 = vector.shape_cast %shift_right_logical3A_1565 : vector<16xi32> to vector<1x1x16xi32>
      tpu.vector_store %arg6[%swap3A_1568, %swap3A_1569, %swap3A_1570], %swap3A_1573 {strides = array<i32>} : memref<3x1x128xi32, #tpu.memory_space<vmem>>, vector<1x1x16xi32>,
      %and3A_1574 = arith.constant 16383 : i32
      %and3A_1575 = vector.broadcast %and3A_1574 : i32 to vector<16xi32>
      %and3A_1576 = arith.andi %get3A_1562, %and3A_1575 : vector<16xi32>
      %swap3A_1577 = arith.constant 2 : i32
      %swap3A_1578 = arith.constant 0 : i32
      %swap3A_1579 = arith.index_cast %swap3A_1577 : i32 to index
      %swap3A_1580 = arith.index_cast %swap3A_1578 : i32 to index
      %swap3A_1581 = arith.constant 48 : index
      %swap3A_1582 = tpu.vector_load %arg7[%swap3A_1579, %swap3A_1580, %swap3A_1581] {strides = array<i32>} : memref<3x2x64xi32, #tpu.memory_space<vmem>>, vector<1x1x16xi32>,
      %swap3A_1583 = vector.shape_cast %swap3A_1582 : vector<1x1x16xi32> to vector<16xi32>
      %swap3A_1584 = vector.shape_cast %and3A_1576 : vector<16xi32> to vector<1x1x16xi32>
      tpu.vector_store %arg7[%swap3A_1579, %swap3A_1580, %swap3A_1581], %swap3A_1584 {strides = array<i32>} : memref<3x2x64xi32, #tpu.memory_space<vmem>>, vector<1x1x16xi32>,
      %get3A_1585 = arith.index_cast %min3A_1480 : i32 to index
      %get3A_1586 = arith.constant 64 : index
      %get3A_1587 = tpu.vector_load %arg5[%get3A_1585, %get3A_1586] {strides = array<i32>} : memref<159x128xi32, #tpu.memory_space<vmem>>, vector<1x16xi32>,
      %get3A_1588 = vector.shape_cast %get3A_1587 : vector<1x16xi32> to vector<16xi32>
      %shift_right_logical3A_1589 = arith.constant 14 : i32
      %shift_right_logical3A_1590 = vector.broadcast %shift_right_logical3A_1589 : i32 to vector<16xi32>
      %shift_right_logical3A_1591 = arith.shrui %get3A_1588, %shift_right_logical3A_1590 : vector<16xi32>
      %swap3A_1592 = arith.constant 2 : i32
      %swap3A_1593 = arith.constant 0 : i32
      %swap3A_1594 = arith.index_cast %swap3A_1592 : i32 to index
      %swap3A_1595 = arith.index_cast %swap3A_1593 : i32 to index
      %swap3A_1596 = arith.constant 64 : index
      %swap3A_1597 = tpu.vector_load %arg6[%swap3A_1594, %swap3A_1595, %swap3A_1596] {strides = array<i32>} : memref<3x1x128xi32, #tpu.memory_space<vmem>>, vector<1x1x16xi32>,
      %swap3A_1598 = vector.shape_cast %swap3A_1597 : vector<1x1x16xi32> to vector<16xi32>
      %swap3A_1599 = vector.shape_cast %shift_right_logical3A_1591 : vector<16xi32> to vector<1x1x16xi32>
      tpu.vector_store %arg6[%swap3A_1594, %swap3A_1595, %swap3A_1596], %swap3A_1599 {strides = array<i32>} : memref<3x1x128xi32, #tpu.memory_space<vmem>>, vector<1x1x16xi32>,
      %and3A_1600 = arith.constant 16383 : i32
      %and3A_1601 = vector.broadcast %and3A_1600 : i32 to vector<16xi32>
      %and3A_1602 = arith.andi %get3A_1588, %and3A_1601 : vector<16xi32>
      %swap3A_1603 = arith.constant 2 : i32
      %swap3A_1604 = arith.constant 1 : i32
      %swap3A_1605 = arith.index_cast %swap3A_1603 : i32 to index
      %swap3A_1606 = arith.index_cast %swap3A_1604 : i32 to index
      %swap3A_1607 = arith.constant 0 : index
      %swap3A_1608 = tpu.vector_load %arg7[%swap3A_1605, %swap3A_1606, %swap3A_1607] {strides = array<i32>} : memref<3x2x64xi32, #tpu.memory_space<vmem>>, vector<1x1x16xi32>,
      %swap3A_1609 = vector.shape_cast %swap3A_1608 : vector<1x1x16xi32> to vector<16xi32>
      %swap3A_1610 = vector.shape_cast %and3A_1602 : vector<16xi32> to vector<1x1x16xi32>
      tpu.vector_store %arg7[%swap3A_1605, %swap3A_1606, %swap3A_1607], %swap3A_1610 {strides = array<i32>} : memref<3x2x64xi32, #tpu.memory_space<vmem>>, vector<1x1x16xi32>,
      %get3A_1611 = arith.index_cast %min3A_1480 : i32 to index
      %get3A_1612 = arith.constant 80 : index
      %get3A_1613 = tpu.vector_load %arg5[%get3A_1611, %get3A_1612] {strides = array<i32>} : memref<159x128xi32, #tpu.memory_space<vmem>>, vector<1x16xi32>,
      %get3A_1614 = vector.shape_cast %get3A_1613 : vector<1x16xi32> to vector<16xi32>
      %shift_right_logical3A_1615 = arith.constant 14 : i32
      %shift_right_logical3A_1616 = vector.broadcast %shift_right_logical3A_1615 : i32 to vector<16xi32>
      %shift_right_logical3A_1617 = arith.shrui %get3A_1614, %shift_right_logical3A_1616 : vector<16xi32>
      %swap3A_1618 = arith.constant 2 : i32
      %swap3A_1619 = arith.constant 0 : i32
      %swap3A_1620 = arith.index_cast %swap3A_1618 : i32 to index
      %swap3A_1621 = arith.index_cast %swap3A_1619 : i32 to index
      %swap3A_1622 = arith.constant 80 : index
      %swap3A_1623 = tpu.vector_load %arg6[%swap3A_1620, %swap3A_1621, %swap3A_1622] {strides = array<i32>} : memref<3x1x128xi32, #tpu.memory_space<vmem>>, vector<1x1x16xi32>,
      %swap3A_1624 = vector.shape_cast %swap3A_1623 : vector<1x1x16xi32> to vector<16xi32>
      %swap3A_1625 = vector.shape_cast %shift_right_logical3A_1617 : vector<16xi32> to vector<1x1x16xi32>
      tpu.vector_store %arg6[%swap3A_1620, %swap3A_1621, %swap3A_1622], %swap3A_1625 {strides = array<i32>} : memref<3x1x128xi32, #tpu.memory_space<vmem>>, vector<1x1x16xi32>,
      %and3A_1626 = arith.constant 16383 : i32
      %and3A_1627 = vector.broadcast %and3A_1626 : i32 to vector<16xi32>
      %and3A_1628 = arith.andi %get3A_1614, %and3A_1627 : vector<16xi32>
      %swap3A_1629 = arith.constant 2 : i32
      %swap3A_1630 = arith.constant 1 : i32
      %swap3A_1631 = arith.index_cast %swap3A_1629 : i32 to index
      %swap3A_1632 = arith.index_cast %swap3A_1630 : i32 to index
      %swap3A_1633 = arith.constant 16 : index
      %swap3A_1634 = tpu.vector_load %arg7[%swap3A_1631, %swap3A_1632, %swap3A_1633] {strides = array<i32>} : memref<3x2x64xi32, #tpu.memory_space<vmem>>, vector<1x1x16xi32>,
      %swap3A_1635 = vector.shape_cast %swap3A_1634 : vector<1x1x16xi32> to vector<16xi32>
      %swap3A_1636 = vector.shape_cast %and3A_1628 : vector<16xi32> to vector<1x1x16xi32>
      tpu.vector_store %arg7[%swap3A_1631, %swap3A_1632, %swap3A_1633], %swap3A_1636 {strides = array<i32>} : memref<3x2x64xi32, #tpu.memory_space<vmem>>, vector<1x1x16xi32>,
      %get3A_1637 = arith.index_cast %min3A_1480 : i32 to index
      %get3A_1638 = arith.constant 96 : index
      %get3A_1639 = tpu.vector_load %arg5[%get3A_1637, %get3A_1638] {strides = array<i32>} : memref<159x128xi32, #tpu.memory_space<vmem>>, vector<1x16xi32>,
      %get3A_1640 = vector.shape_cast %get3A_1639 : vector<1x16xi32> to vector<16xi32>
      %shift_right_logical3A_1641 = arith.constant 14 : i32
      %shift_right_logical3A_1642 = vector.broadcast %shift_right_logical3A_1641 : i32 to vector<16xi32>
      %shift_right_logical3A_1643 = arith.shrui %get3A_1640, %shift_right_logical3A_1642 : vector<16xi32>
      %swap3A_1644 = arith.constant 2 : i32
      %swap3A_1645 = arith.constant 0 : i32
      %swap3A_1646 = arith.index_cast %swap3A_1644 : i32 to index
      %swap3A_1647 = arith.index_cast %swap3A_1645 : i32 to index
      %swap3A_1648 = arith.constant 96 : index
      %swap3A_1649 = tpu.vector_load %arg6[%swap3A_1646, %swap3A_1647, %swap3A_1648] {strides = array<i32>} : memref<3x1x128xi32, #tpu.memory_space<vmem>>, vector<1x1x16xi32>,
      %swap3A_1650 = vector.shape_cast %swap3A_1649 : vector<1x1x16xi32> to vector<16xi32>
      %swap3A_1651 = vector.shape_cast %shift_right_logical3A_1643 : vector<16xi32> to vector<1x1x16xi32>
      tpu.vector_store %arg6[%swap3A_1646, %swap3A_1647, %swap3A_1648], %swap3A_1651 {strides = array<i32>} : memref<3x1x128xi32, #tpu.memory_space<vmem>>, vector<1x1x16xi32>,
      %and3A_1652 = arith.constant 16383 : i32
      %and3A_1653 = vector.broadcast %and3A_1652 : i32 to vector<16xi32>
      %and3A_1654 = arith.andi %get3A_1640, %and3A_1653 : vector<16xi32>
      %swap3A_1655 = arith.constant 2 : i32
      %swap3A_1656 = arith.constant 1 : i32
      %swap3A_1657 = arith.index_cast %swap3A_1655 : i32 to index
      %swap3A_1658 = arith.index_cast %swap3A_1656 : i32 to index
      %swap3A_1659 = arith.constant 32 : index
      %swap3A_1660 = tpu.vector_load %arg7[%swap3A_1657, %swap3A_1658, %swap3A_1659] {strides = array<i32>} : memref<3x2x64xi32, #tpu.memory_space<vmem>>, vector<1x1x16xi32>,
      %swap3A_1661 = vector.shape_cast %swap3A_1660 : vector<1x1x16xi32> to vector<16xi32>
      %swap3A_1662 = vector.shape_cast %and3A_1654 : vector<16xi32> to vector<1x1x16xi32>
      tpu.vector_store %arg7[%swap3A_1657, %swap3A_1658, %swap3A_1659], %swap3A_1662 {strides = array<i32>} : memref<3x2x64xi32, #tpu.memory_space<vmem>>, vector<1x1x16xi32>,
      %get3A_1663 = arith.index_cast %min3A_1480 : i32 to index
      %get3A_1664 = arith.constant 112 : index
      %get3A_1665 = tpu.vector_load %arg5[%get3A_1663, %get3A_1664] {strides = array<i32>} : memref<159x128xi32, #tpu.memory_space<vmem>>, vector<1x16xi32>,
      %get3A_1666 = vector.shape_cast %get3A_1665 : vector<1x16xi32> to vector<16xi32>
      %shift_right_logical3A_1667 = arith.constant 14 : i32
      %shift_right_logical3A_1668 = vector.broadcast %shift_right_logical3A_1667 : i32 to vector<16xi32>
      %shift_right_logical3A_1669 = arith.shrui %get3A_1666, %shift_right_logical3A_1668 : vector<16xi32>
      %swap3A_1670 = arith.constant 2 : i32
      %swap3A_1671 = arith.constant 0 : i32
      %swap3A_1672 = arith.index_cast %swap3A_1670 : i32 to index
      %swap3A_1673 = arith.index_cast %swap3A_1671 : i32 to index
      %swap3A_1674 = arith.constant 112 : index
      %swap3A_1675 = tpu.vector_load %arg6[%swap3A_1672, %swap3A_1673, %swap3A_1674] {strides = array<i32>} : memref<3x1x128xi32, #tpu.memory_space<vmem>>, vector<1x1x16xi32>,
      %swap3A_1676 = vector.shape_cast %swap3A_1675 : vector<1x1x16xi32> to vector<16xi32>
      %swap3A_1677 = vector.shape_cast %shift_right_logical3A_1669 : vector<16xi32> to vector<1x1x16xi32>
      tpu.vector_store %arg6[%swap3A_1672, %swap3A_1673, %swap3A_1674], %swap3A_1677 {strides = array<i32>} : memref<3x1x128xi32, #tpu.memory_space<vmem>>, vector<1x1x16xi32>,
      %and3A_1678 = arith.constant 16383 : i32
      %and3A_1679 = vector.broadcast %and3A_1678 : i32 to vector<16xi32>
      %and3A_1680 = arith.andi %get3A_1666, %and3A_1679 : vector<16xi32>
      %swap3A_1681 = arith.constant 2 : i32
      %swap3A_1682 = arith.constant 1 : i32
      %swap3A_1683 = arith.index_cast %swap3A_1681 : i32 to index
      %swap3A_1684 = arith.index_cast %swap3A_1682 : i32 to index
      %swap3A_1685 = arith.constant 48 : index
      %swap3A_1686 = tpu.vector_load %arg7[%swap3A_1683, %swap3A_1684, %swap3A_1685] {strides = array<i32>} : memref<3x2x64xi32, #tpu.memory_space<vmem>>, vector<1x1x16xi32>,
      %swap3A_1687 = vector.shape_cast %swap3A_1686 : vector<1x1x16xi32> to vector<16xi32>
      %swap3A_1688 = vector.shape_cast %and3A_1680 : vector<16xi32> to vector<1x1x16xi32>
      tpu.vector_store %arg7[%swap3A_1683, %swap3A_1684, %swap3A_1685], %swap3A_1688 {strides = array<i32>} : memref<3x2x64xi32, #tpu.memory_space<vmem>>, vector<1x1x16xi32>,
      %add3A_1689 = arith.constant 1 : i32
      %add3A_1690 = arith.addi %add3A_1446, %add3A_1689 : i32
      %dma_start3A_1691 = arith.constant 2 : i32
      %dma_start3A_1692 = arith.constant 0 : i32
      %dma_start3A_1693 = arith.constant 2 : i32
      %dma_start3A_1694 = arith.constant 0 : i32
      %dma_start3A_1695 = arith.constant 0 : i32
      %dma_start3A_1696 = tpu.memref_slice %arg8[%dma_start3A_1693, %dma_start3A_1694, %dma_start3A_1695] : memref<3x128x64xf32, #tpu.memory_space<vmem>> -> memref<1x128x64xf32, #tpu.memory_space<vmem>>
      %dma_start3A_1697 = tpu.memref_squeeze %dma_start3A_1696 : memref<1x128x64xf32, #tpu.memory_space<vmem>> -> memref<128x64xf32, #tpu.memory_space<vmem>>
      %dma_start3A_1698 = arith.constant 0 : i32
      %dma_start3A_1699 = tpu.memref_slice %arg6[%dma_start3A_1691, %dma_start3A_1692, %dma_start3A_1698] : memref<3x1x128xi32, #tpu.memory_space<vmem>> -> memref<1x1x128xi32, #tpu.memory_space<vmem>>
      %dma_start3A_1700 = tpu.memref_squeeze %dma_start3A_1699 : memref<1x1x128xi32, #tpu.memory_space<vmem>> -> memref<128xi32, #tpu.memory_space<vmem>>
      %dma_start3A_1701 = arith.constant 0 : i32
      %dma_start3A_1702 = arith.constant 0 : i32
      %dma_start3A_1703 = tpu.memref_slice %arg9[%dma_start3A_1701, %dma_start3A_1702] : memref<10000x64xf32, #tpu.memory_space<vmem_shared>> -> memref<10000x64xf32, #tpu.memory_space<vmem_shared>>
      tpu.enqueue_indirect_dma source(%dma_start3A_1703 : memref<10000x64xf32, #tpu.memory_space<vmem_shared>>) target(%dma_start3A_1697 : memref<128x64xf32, #tpu.memory_space<vmem>>) offsets(%dma_start3A_1700 : memref<128xi32, #tpu.memory_space<vmem>>) semaphore(%arg13 : memref<!tpu.dma_semaphore, #tpu.memory_space<semaphore_mem>>)
      %dma_wait3A_1704 = arith.constant 1 : i32
      %dma_wait3A_1705 = arith.constant 0 : i32
      %dma_wait3A_1706 = arith.constant 1 : i32
      %dma_wait3A_1707 = arith.constant 0 : i32
      %dma_wait3A_1708 = arith.constant 0 : i32
      %dma_wait3A_1709 = tpu.memref_slice %arg8[%dma_wait3A_1706, %dma_wait3A_1707, %dma_wait3A_1708] : memref<3x128x64xf32, #tpu.memory_space<vmem>> -> memref<1x128x64xf32, #tpu.memory_space<vmem>>
      %dma_wait3A_1710 = tpu.memref_squeeze %dma_wait3A_1709 : memref<1x128x64xf32, #tpu.memory_space<vmem>> -> memref<128x64xf32, #tpu.memory_space<vmem>>
      %dma_wait3A_1711 = arith.constant 0 : i32
      %dma_wait3A_1712 = tpu.memref_slice %arg6[%dma_wait3A_1704, %dma_wait3A_1705, %dma_wait3A_1711] : memref<3x1x128xi32, #tpu.memory_space<vmem>> -> memref<1x1x128xi32, #tpu.memory_space<vmem>>
      %dma_wait3A_1713 = tpu.memref_squeeze %dma_wait3A_1712 : memref<1x1x128xi32, #tpu.memory_space<vmem>> -> memref<128xi32, #tpu.memory_space<vmem>>
      %dma_wait3A_1714 = arith.constant 0 : i32
      %dma_wait3A_1715 = arith.constant 0 : i32
      %dma_wait3A_1716 = tpu.memref_slice %arg9[%dma_wait3A_1714, %dma_wait3A_1715] : memref<10000x64xf32, #tpu.memory_space<vmem_shared>> -> memref<10000x64xf32, #tpu.memory_space<vmem_shared>>
      tpu.wait_indirect_dma semaphore(%arg12 : memref<!tpu.dma_semaphore, #tpu.memory_space<semaphore_mem>>) src(%dma_wait3A_1716 : memref<10000x64xf32, #tpu.memory_space<vmem_shared>>) dst(%dma_wait3A_1710 : memref<128x64xf32, #tpu.memory_space<vmem>>)
      %dma_start3A_1717 = arith.constant 1 : i32
      %dma_start3A_1718 = arith.constant 1 : i32
      %dma_start3A_1719 = arith.constant 0 : i32
      %dma_start3A_1720 = arith.constant 0 : i32
      %dma_start3A_1721 = arith.constant 0 : i32
      %dma_start3A_1722 = tpu.memref_slice %arg8[%dma_start3A_1717, %dma_start3A_1720, %dma_start3A_1721] : memref<3x128x64xf32, #tpu.memory_space<vmem>> -> memref<1x64x64xf32, #tpu.memory_space<vmem>>
      %dma_start3A_1723 = tpu.memref_squeeze %dma_start3A_1722 : memref<1x64x64xf32, #tpu.memory_space<vmem>> -> memref<64x64xf32, #tpu.memory_space<vmem>>
      %dma_start3A_1724 = arith.constant 0 : i32
      %dma_start3A_1725 = tpu.memref_slice %arg7[%dma_start3A_1718, %dma_start3A_1719, %dma_start3A_1724] : memref<3x2x64xi32, #tpu.memory_space<vmem>> -> memref<1x1x64xi32, #tpu.memory_space<vmem>>
      %dma_start3A_1726 = tpu.memref_squeeze %dma_start3A_1725 : memref<1x1x64xi32, #tpu.memory_space<vmem>> -> memref<64xi32, #tpu.memory_space<vmem>>
      %dma_start3A_1727 = arith.constant 0 : i32
      %dma_start3A_1728 = arith.constant 0 : i32
      %dma_start3A_1729 = tpu.memref_slice %arg10[%dma_start3A_1727, %dma_start3A_1728] : memref<10240x64xf32, #tpu.memory_space<vmem_shared>> -> memref<10240x64xf32, #tpu.memory_space<vmem_shared>>
      tpu.enqueue_indirect_dma source(%dma_start3A_1723 : memref<64x64xf32, #tpu.memory_space<vmem>>) target(%dma_start3A_1729 : memref<10240x64xf32, #tpu.memory_space<vmem_shared>>) offsets(%dma_start3A_1726 : memref<64xi32, #tpu.memory_space<vmem>>) semaphore(%arg16 : memref<!tpu.dma_semaphore, #tpu.memory_space<semaphore_mem>>) {add = true}
      %dma_start3A_1730 = arith.constant 1 : i32
      %dma_start3A_1731 = arith.constant 1 : i32
      %dma_start3A_1732 = arith.constant 1 : i32
      %dma_start3A_1733 = arith.constant 64 : i32
      %dma_start3A_1734 = arith.constant 0 : i32
      %dma_start3A_1735 = tpu.memref_slice %arg8[%dma_start3A_1730, %dma_start3A_1733, %dma_start3A_1734] : memref<3x128x64xf32, #tpu.memory_space<vmem>> -> memref<1x64x64xf32, #tpu.memory_space<vmem>>
      %dma_start3A_1736 = tpu.memref_squeeze %dma_start3A_1735 : memref<1x64x64xf32, #tpu.memory_space<vmem>> -> memref<64x64xf32, #tpu.memory_space<vmem>>
      %dma_start3A_1737 = arith.constant 0 : i32
      %dma_start3A_1738 = tpu.memref_slice %arg7[%dma_start3A_1731, %dma_start3A_1732, %dma_start3A_1737] : memref<3x2x64xi32, #tpu.memory_space<vmem>> -> memref<1x1x64xi32, #tpu.memory_space<vmem>>
      %dma_start3A_1739 = tpu.memref_squeeze %dma_start3A_1738 : memref<1x1x64xi32, #tpu.memory_space<vmem>> -> memref<64xi32, #tpu.memory_space<vmem>>
      %dma_start3A_1740 = arith.constant 0 : i32
      %dma_start3A_1741 = arith.constant 0 : i32
      %dma_start3A_1742 = tpu.memref_slice %arg10[%dma_start3A_1740, %dma_start3A_1741] : memref<10240x64xf32, #tpu.memory_space<vmem_shared>> -> memref<10240x64xf32, #tpu.memory_space<vmem_shared>>
      tpu.enqueue_indirect_dma source(%dma_start3A_1736 : memref<64x64xf32, #tpu.memory_space<vmem>>) target(%dma_start3A_1742 : memref<10240x64xf32, #tpu.memory_space<vmem_shared>>) offsets(%dma_start3A_1739 : memref<64xi32, #tpu.memory_space<vmem>>) semaphore(%arg17 : memref<!tpu.dma_semaphore, #tpu.memory_space<semaphore_mem>>) {add = true}
      %mul3A_1743 = arith.constant 3 : i32
      %mul3A_1744 = arith.muli %scan3A_1143, %mul3A_1743 : i32
      %add3A_1745 = arith.constant 2 : i32
      %add3A_1746 = arith.addi %mul3A_1744, %add3A_1745 : i32
      %add3A_1747 = arith.constant 1 : i32
      %add3A_1748 = arith.addi %add3A_1746, %add3A_1747 : i32
      %sub3A_1749 = arith.constant 3 : i32
      %sub3A_1750 = arith.subi %add3A_1748, %sub3A_1749 : i32
      %dma_wait3A_1751 = arith.constant 0 : i32
      %dma_wait3A_1752 = arith.constant 0 : i32
      %dma_wait3A_1753 = arith.constant 0 : i32
      %dma_wait3A_1754 = arith.constant 0 : i32
      %dma_wait3A_1755 = arith.constant 0 : i32
      %dma_wait3A_1756 = tpu.memref_slice %arg8[%dma_wait3A_1751, %dma_wait3A_1754, %dma_wait3A_1755] : memref<3x128x64xf32, #tpu.memory_space<vmem>> -> memref<1x64x64xf32, #tpu.memory_space<vmem>>
      %dma_wait3A_1757 = tpu.memref_squeeze %dma_wait3A_1756 : memref<1x64x64xf32, #tpu.memory_space<vmem>> -> memref<64x64xf32, #tpu.memory_space<vmem>>
      %dma_wait3A_1758 = arith.constant 0 : i32
      %dma_wait3A_1759 = tpu.memref_slice %arg7[%dma_wait3A_1752, %dma_wait3A_1753, %dma_wait3A_1758] : memref<3x2x64xi32, #tpu.memory_space<vmem>> -> memref<1x1x64xi32, #tpu.memory_space<vmem>>
      %dma_wait3A_1760 = tpu.memref_squeeze %dma_wait3A_1759 : memref<1x1x64xi32, #tpu.memory_space<vmem>> -> memref<64xi32, #tpu.memory_space<vmem>>
      %dma_wait3A_1761 = arith.constant 0 : i32
      %dma_wait3A_1762 = arith.constant 0 : i32
      %dma_wait3A_1763 = tpu.memref_slice %arg10[%dma_wait3A_1761, %dma_wait3A_1762] : memref<10240x64xf32, #tpu.memory_space<vmem_shared>> -> memref<10240x64xf32, #tpu.memory_space<vmem_shared>>
      tpu.wait_indirect_dma semaphore(%arg14 : memref<!tpu.dma_semaphore, #tpu.memory_space<semaphore_mem>>) src(%dma_wait3A_1757 : memref<64x64xf32, #tpu.memory_space<vmem>>) dst(%dma_wait3A_1763 : memref<10240x64xf32, #tpu.memory_space<vmem_shared>>)
      %dma_wait3A_1764 = arith.constant 0 : i32
      %dma_wait3A_1765 = arith.constant 0 : i32
      %dma_wait3A_1766 = arith.constant 1 : i32
      %dma_wait3A_1767 = arith.constant 64 : i32
      %dma_wait3A_1768 = arith.constant 0 : i32
      %dma_wait3A_1769 = tpu.memref_slice %arg8[%dma_wait3A_1764, %dma_wait3A_1767, %dma_wait3A_1768] : memref<3x128x64xf32, #tpu.memory_space<vmem>> -> memref<1x64x64xf32, #tpu.memory_space<vmem>>
      %dma_wait3A_1770 = tpu.memref_squeeze %dma_wait3A_1769 : memref<1x64x64xf32, #tpu.memory_space<vmem>> -> memref<64x64xf32, #tpu.memory_space<vmem>>
      %dma_wait3A_1771 = arith.constant 0 : i32
      %dma_wait3A_1772 = tpu.memref_slice %arg7[%dma_wait3A_1765, %dma_wait3A_1766, %dma_wait3A_1771] : memref<3x2x64xi32, #tpu.memory_space<vmem>> -> memref<1x1x64xi32, #tpu.memory_space<vmem>>
      %dma_wait3A_1773 = tpu.memref_squeeze %dma_wait3A_1772 : memref<1x1x64xi32, #tpu.memory_space<vmem>> -> memref<64xi32, #tpu.memory_space<vmem>>
      %dma_wait3A_1774 = arith.constant 0 : i32
      %dma_wait3A_1775 = arith.constant 0 : i32
      %dma_wait3A_1776 = tpu.memref_slice %arg10[%dma_wait3A_1774, %dma_wait3A_1775] : memref<10240x64xf32, #tpu.memory_space<vmem_shared>> -> memref<10240x64xf32, #tpu.memory_space<vmem_shared>>
      tpu.wait_indirect_dma semaphore(%arg15 : memref<!tpu.dma_semaphore, #tpu.memory_space<semaphore_mem>>) src(%dma_wait3A_1770 : memref<64x64xf32, #tpu.memory_space<vmem>>) dst(%dma_wait3A_1776 : memref<10240x64xf32, #tpu.memory_space<vmem_shared>>)
      %add3A_1777 = arith.constant 1 : i32
      %add3A_1778 = arith.addi %add3A_1746, %add3A_1777 : i32
      %min3A_1779 = arith.constant 158 : i32
      %min3A_1780 = arith.minsi %add3A_1778, %min3A_1779 : i32
      %get3A_1781 = arith.index_cast %min3A_1780 : i32 to index
      %get3A_1782 = arith.constant 0 : index
      %get3A_1783 = tpu.vector_load %arg5[%get3A_1781, %get3A_1782] {strides = array<i32>} : memref<159x128xi32, #tpu.memory_space<vmem>>, vector<1x16xi32>,
      %get3A_1784 = vector.shape_cast %get3A_1783 : vector<1x16xi32> to vector<16xi32>
      %shift_right_logical3A_1785 = arith.constant 14 : i32
      %shift_right_logical3A_1786 = vector.broadcast %shift_right_logical3A_1785 : i32 to vector<16xi32>
      %shift_right_logical3A_1787 = arith.shrui %get3A_1784, %shift_right_logical3A_1786 : vector<16xi32>
      %swap3A_1788 = arith.constant 0 : i32
      %swap3A_1789 = arith.constant 0 : i32
      %swap3A_1790 = arith.index_cast %swap3A_1788 : i32 to index
      %swap3A_1791 = arith.index_cast %swap3A_1789 : i32 to index
      %swap3A_1792 = arith.constant 0 : index
      %swap3A_1793 = tpu.vector_load %arg6[%swap3A_1790, %swap3A_1791, %swap3A_1792] {strides = array<i32>} : memref<3x1x128xi32, #tpu.memory_space<vmem>>, vector<1x1x16xi32>,
      %swap3A_1794 = vector.shape_cast %swap3A_1793 : vector<1x1x16xi32> to vector<16xi32>
      %swap3A_1795 = vector.shape_cast %shift_right_logical3A_1787 : vector<16xi32> to vector<1x1x16xi32>
      tpu.vector_store %arg6[%swap3A_1790, %swap3A_1791, %swap3A_1792], %swap3A_1795 {strides = array<i32>} : memref<3x1x128xi32, #tpu.memory_space<vmem>>, vector<1x1x16xi32>,
      %and3A_1796 = arith.constant 16383 : i32
      %and3A_1797 = vector.broadcast %and3A_1796 : i32 to vector<16xi32>
      %and3A_1798 = arith.andi %get3A_1784, %and3A_1797 : vector<16xi32>
      %swap3A_1799 = arith.constant 0 : i32
      %swap3A_1800 = arith.constant 0 : i32
      %swap3A_1801 = arith.index_cast %swap3A_1799 : i32 to index
      %swap3A_1802 = arith.index_cast %swap3A_1800 : i32 to index
      %swap3A_1803 = arith.constant 0 : index
      %swap3A_1804 = tpu.vector_load %arg7[%swap3A_1801, %swap3A_1802, %swap3A_1803] {strides = array<i32>} : memref<3x2x64xi32, #tpu.memory_space<vmem>>, vector<1x1x16xi32>,
      %swap3A_1805 = vector.shape_cast %swap3A_1804 : vector<1x1x16xi32> to vector<16xi32>
      %swap3A_1806 = vector.shape_cast %and3A_1798 : vector<16xi32> to vector<1x1x16xi32>
      tpu.vector_store %arg7[%swap3A_1801, %swap3A_1802, %swap3A_1803], %swap3A_1806 {strides = array<i32>} : memref<3x2x64xi32, #tpu.memory_space<vmem>>, vector<1x1x16xi32>,
      %get3A_1807 = arith.index_cast %min3A_1780 : i32 to index
      %get3A_1808 = arith.constant 16 : index
      %get3A_1809 = tpu.vector_load %arg5[%get3A_1807, %get3A_1808] {strides = array<i32>} : memref<159x128xi32, #tpu.memory_space<vmem>>, vector<1x16xi32>,
      %get3A_1810 = vector.shape_cast %get3A_1809 : vector<1x16xi32> to vector<16xi32>
      %shift_right_logical3A_1811 = arith.constant 14 : i32
      %shift_right_logical3A_1812 = vector.broadcast %shift_right_logical3A_1811 : i32 to vector<16xi32>
      %shift_right_logical3A_1813 = arith.shrui %get3A_1810, %shift_right_logical3A_1812 : vector<16xi32>
      %swap3A_1814 = arith.constant 0 : i32
      %swap3A_1815 = arith.constant 0 : i32
      %swap3A_1816 = arith.index_cast %swap3A_1814 : i32 to index
      %swap3A_1817 = arith.index_cast %swap3A_1815 : i32 to index
      %swap3A_1818 = arith.constant 16 : index
      %swap3A_1819 = tpu.vector_load %arg6[%swap3A_1816, %swap3A_1817, %swap3A_1818] {strides = array<i32>} : memref<3x1x128xi32, #tpu.memory_space<vmem>>, vector<1x1x16xi32>,
      %swap3A_1820 = vector.shape_cast %swap3A_1819 : vector<1x1x16xi32> to vector<16xi32>
      %swap3A_1821 = vector.shape_cast %shift_right_logical3A_1813 : vector<16xi32> to vector<1x1x16xi32>
      tpu.vector_store %arg6[%swap3A_1816, %swap3A_1817, %swap3A_1818], %swap3A_1821 {strides = array<i32>} : memref<3x1x128xi32, #tpu.memory_space<vmem>>, vector<1x1x16xi32>,
      %and3A_1822 = arith.constant 16383 : i32
      %and3A_1823 = vector.broadcast %and3A_1822 : i32 to vector<16xi32>
      %and3A_1824 = arith.andi %get3A_1810, %and3A_1823 : vector<16xi32>
      %swap3A_1825 = arith.constant 0 : i32
      %swap3A_1826 = arith.constant 0 : i32
      %swap3A_1827 = arith.index_cast %swap3A_1825 : i32 to index
      %swap3A_1828 = arith.index_cast %swap3A_1826 : i32 to index
      %swap3A_1829 = arith.constant 16 : index
      %swap3A_1830 = tpu.vector_load %arg7[%swap3A_1827, %swap3A_1828, %swap3A_1829] {strides = array<i32>} : memref<3x2x64xi32, #tpu.memory_space<vmem>>, vector<1x1x16xi32>,
      %swap3A_1831 = vector.shape_cast %swap3A_1830 : vector<1x1x16xi32> to vector<16xi32>
      %swap3A_1832 = vector.shape_cast %and3A_1824 : vector<16xi32> to vector<1x1x16xi32>
      tpu.vector_store %arg7[%swap3A_1827, %swap3A_1828, %swap3A_1829], %swap3A_1832 {strides = array<i32>} : memref<3x2x64xi32, #tpu.memory_space<vmem>>, vector<1x1x16xi32>,
      %get3A_1833 = arith.index_cast %min3A_1780 : i32 to index
      %get3A_1834 = arith.constant 32 : index
      %get3A_1835 = tpu.vector_load %arg5[%get3A_1833, %get3A_1834] {strides = array<i32>} : memref<159x128xi32, #tpu.memory_space<vmem>>, vector<1x16xi32>,
      %get3A_1836 = vector.shape_cast %get3A_1835 : vector<1x16xi32> to vector<16xi32>
      %shift_right_logical3A_1837 = arith.constant 14 : i32
      %shift_right_logical3A_1838 = vector.broadcast %shift_right_logical3A_1837 : i32 to vector<16xi32>
      %shift_right_logical3A_1839 = arith.shrui %get3A_1836, %shift_right_logical3A_1838 : vector<16xi32>
      %swap3A_1840 = arith.constant 0 : i32
      %swap3A_1841 = arith.constant 0 : i32
      %swap3A_1842 = arith.index_cast %swap3A_1840 : i32 to index
      %swap3A_1843 = arith.index_cast %swap3A_1841 : i32 to index
      %swap3A_1844 = arith.constant 32 : index
      %swap3A_1845 = tpu.vector_load %arg6[%swap3A_1842, %swap3A_1843, %swap3A_1844] {strides = array<i32>} : memref<3x1x128xi32, #tpu.memory_space<vmem>>, vector<1x1x16xi32>,
      %swap3A_1846 = vector.shape_cast %swap3A_1845 : vector<1x1x16xi32> to vector<16xi32>
      %swap3A_1847 = vector.shape_cast %shift_right_logical3A_1839 : vector<16xi32> to vector<1x1x16xi32>
      tpu.vector_store %arg6[%swap3A_1842, %swap3A_1843, %swap3A_1844], %swap3A_1847 {strides = array<i32>} : memref<3x1x128xi32, #tpu.memory_space<vmem>>, vector<1x1x16xi32>,
      %and3A_1848 = arith.constant 16383 : i32
      %and3A_1849 = vector.broadcast %and3A_1848 : i32 to vector<16xi32>
      %and3A_1850 = arith.andi %get3A_1836, %and3A_1849 : vector<16xi32>
      %swap3A_1851 = arith.constant 0 : i32
      %swap3A_1852 = arith.constant 0 : i32
      %swap3A_1853 = arith.index_cast %swap3A_1851 : i32 to index
      %swap3A_1854 = arith.index_cast %swap3A_1852 : i32 to index
      %swap3A_1855 = arith.constant 32 : index
      %swap3A_1856 = tpu.vector_load %arg7[%swap3A_1853, %swap3A_1854, %swap3A_1855] {strides = array<i32>} : memref<3x2x64xi32, #tpu.memory_space<vmem>>, vector<1x1x16xi32>,
      %swap3A_1857 = vector.shape_cast %swap3A_1856 : vector<1x1x16xi32> to vector<16xi32>
      %swap3A_1858 = vector.shape_cast %and3A_1850 : vector<16xi32> to vector<1x1x16xi32>
      tpu.vector_store %arg7[%swap3A_1853, %swap3A_1854, %swap3A_1855], %swap3A_1858 {strides = array<i32>} : memref<3x2x64xi32, #tpu.memory_space<vmem>>, vector<1x1x16xi32>,
      %get3A_1859 = arith.index_cast %min3A_1780 : i32 to index
      %get3A_1860 = arith.constant 48 : index
      %get3A_1861 = tpu.vector_load %arg5[%get3A_1859, %get3A_1860] {strides = array<i32>} : memref<159x128xi32, #tpu.memory_space<vmem>>, vector<1x16xi32>,
      %get3A_1862 = vector.shape_cast %get3A_1861 : vector<1x16xi32> to vector<16xi32>
      %shift_right_logical3A_1863 = arith.constant 14 : i32
      %shift_right_logical3A_1864 = vector.broadcast %shift_right_logical3A_1863 : i32 to vector<16xi32>
      %shift_right_logical3A_1865 = arith.shrui %get3A_1862, %shift_right_logical3A_1864 : vector<16xi32>
      %swap3A_1866 = arith.constant 0 : i32
      %swap3A_1867 = arith.constant 0 : i32
      %swap3A_1868 = arith.index_cast %swap3A_1866 : i32 to index
      %swap3A_1869 = arith.index_cast %swap3A_1867 : i32 to index
      %swap3A_1870 = arith.constant 48 : index
      %swap3A_1871 = tpu.vector_load %arg6[%swap3A_1868, %swap3A_1869, %swap3A_1870] {strides = array<i32>} : memref<3x1x128xi32, #tpu.memory_space<vmem>>, vector<1x1x16xi32>,
      %swap3A_1872 = vector.shape_cast %swap3A_1871 : vector<1x1x16xi32> to vector<16xi32>
      %swap3A_1873 = vector.shape_cast %shift_right_logical3A_1865 : vector<16xi32> to vector<1x1x16xi32>
      tpu.vector_store %arg6[%swap3A_1868, %swap3A_1869, %swap3A_1870], %swap3A_1873 {strides = array<i32>} : memref<3x1x128xi32, #tpu.memory_space<vmem>>, vector<1x1x16xi32>,
      %and3A_1874 = arith.constant 16383 : i32
      %and3A_1875 = vector.broadcast %and3A_1874 : i32 to vector<16xi32>
      %and3A_1876 = arith.andi %get3A_1862, %and3A_1875 : vector<16xi32>
      %swap3A_1877 = arith.constant 0 : i32
      %swap3A_1878 = arith.constant 0 : i32
      %swap3A_1879 = arith.index_cast %swap3A_1877 : i32 to index
      %swap3A_1880 = arith.index_cast %swap3A_1878 : i32 to index
      %swap3A_1881 = arith.constant 48 : index
      %swap3A_1882 = tpu.vector_load %arg7[%swap3A_1879, %swap3A_1880, %swap3A_1881] {strides = array<i32>} : memref<3x2x64xi32, #tpu.memory_space<vmem>>, vector<1x1x16xi32>,
      %swap3A_1883 = vector.shape_cast %swap3A_1882 : vector<1x1x16xi32> to vector<16xi32>
      %swap3A_1884 = vector.shape_cast %and3A_1876 : vector<16xi32> to vector<1x1x16xi32>
      tpu.vector_store %arg7[%swap3A_1879, %swap3A_1880, %swap3A_1881], %swap3A_1884 {strides = array<i32>} : memref<3x2x64xi32, #tpu.memory_space<vmem>>, vector<1x1x16xi32>,
      %get3A_1885 = arith.index_cast %min3A_1780 : i32 to index
      %get3A_1886 = arith.constant 64 : index
      %get3A_1887 = tpu.vector_load %arg5[%get3A_1885, %get3A_1886] {strides = array<i32>} : memref<159x128xi32, #tpu.memory_space<vmem>>, vector<1x16xi32>,
      %get3A_1888 = vector.shape_cast %get3A_1887 : vector<1x16xi32> to vector<16xi32>
      %shift_right_logical3A_1889 = arith.constant 14 : i32
      %shift_right_logical3A_1890 = vector.broadcast %shift_right_logical3A_1889 : i32 to vector<16xi32>
      %shift_right_logical3A_1891 = arith.shrui %get3A_1888, %shift_right_logical3A_1890 : vector<16xi32>
      %swap3A_1892 = arith.constant 0 : i32
      %swap3A_1893 = arith.constant 0 : i32
      %swap3A_1894 = arith.index_cast %swap3A_1892 : i32 to index
      %swap3A_1895 = arith.index_cast %swap3A_1893 : i32 to index
      %swap3A_1896 = arith.constant 64 : index
      %swap3A_1897 = tpu.vector_load %arg6[%swap3A_1894, %swap3A_1895, %swap3A_1896] {strides = array<i32>} : memref<3x1x128xi32, #tpu.memory_space<vmem>>, vector<1x1x16xi32>,
      %swap3A_1898 = vector.shape_cast %swap3A_1897 : vector<1x1x16xi32> to vector<16xi32>
      %swap3A_1899 = vector.shape_cast %shift_right_logical3A_1891 : vector<16xi32> to vector<1x1x16xi32>
      tpu.vector_store %arg6[%swap3A_1894, %swap3A_1895, %swap3A_1896], %swap3A_1899 {strides = array<i32>} : memref<3x1x128xi32, #tpu.memory_space<vmem>>, vector<1x1x16xi32>,
      %and3A_1900 = arith.constant 16383 : i32
      %and3A_1901 = vector.broadcast %and3A_1900 : i32 to vector<16xi32>
      %and3A_1902 = arith.andi %get3A_1888, %and3A_1901 : vector<16xi32>
      %swap3A_1903 = arith.constant 0 : i32
      %swap3A_1904 = arith.constant 1 : i32
      %swap3A_1905 = arith.index_cast %swap3A_1903 : i32 to index
      %swap3A_1906 = arith.index_cast %swap3A_1904 : i32 to index
      %swap3A_1907 = arith.constant 0 : index
      %swap3A_1908 = tpu.vector_load %arg7[%swap3A_1905, %swap3A_1906, %swap3A_1907] {strides = array<i32>} : memref<3x2x64xi32, #tpu.memory_space<vmem>>, vector<1x1x16xi32>,
      %swap3A_1909 = vector.shape_cast %swap3A_1908 : vector<1x1x16xi32> to vector<16xi32>
      %swap3A_1910 = vector.shape_cast %and3A_1902 : vector<16xi32> to vector<1x1x16xi32>
      tpu.vector_store %arg7[%swap3A_1905, %swap3A_1906, %swap3A_1907], %swap3A_1910 {strides = array<i32>} : memref<3x2x64xi32, #tpu.memory_space<vmem>>, vector<1x1x16xi32>,
      %get3A_1911 = arith.index_cast %min3A_1780 : i32 to index
      %get3A_1912 = arith.constant 80 : index
      %get3A_1913 = tpu.vector_load %arg5[%get3A_1911, %get3A_1912] {strides = array<i32>} : memref<159x128xi32, #tpu.memory_space<vmem>>, vector<1x16xi32>,
      %get3A_1914 = vector.shape_cast %get3A_1913 : vector<1x16xi32> to vector<16xi32>
      %shift_right_logical3A_1915 = arith.constant 14 : i32
      %shift_right_logical3A_1916 = vector.broadcast %shift_right_logical3A_1915 : i32 to vector<16xi32>
      %shift_right_logical3A_1917 = arith.shrui %get3A_1914, %shift_right_logical3A_1916 : vector<16xi32>
      %swap3A_1918 = arith.constant 0 : i32
      %swap3A_1919 = arith.constant 0 : i32
      %swap3A_1920 = arith.index_cast %swap3A_1918 : i32 to index
      %swap3A_1921 = arith.index_cast %swap3A_1919 : i32 to index
      %swap3A_1922 = arith.constant 80 : index
      %swap3A_1923 = tpu.vector_load %arg6[%swap3A_1920, %swap3A_1921, %swap3A_1922] {strides = array<i32>} : memref<3x1x128xi32, #tpu.memory_space<vmem>>, vector<1x1x16xi32>,
      %swap3A_1924 = vector.shape_cast %swap3A_1923 : vector<1x1x16xi32> to vector<16xi32>
      %swap3A_1925 = vector.shape_cast %shift_right_logical3A_1917 : vector<16xi32> to vector<1x1x16xi32>
      tpu.vector_store %arg6[%swap3A_1920, %swap3A_1921, %swap3A_1922], %swap3A_1925 {strides = array<i32>} : memref<3x1x128xi32, #tpu.memory_space<vmem>>, vector<1x1x16xi32>,
      %and3A_1926 = arith.constant 16383 : i32
      %and3A_1927 = vector.broadcast %and3A_1926 : i32 to vector<16xi32>
      %and3A_1928 = arith.andi %get3A_1914, %and3A_1927 : vector<16xi32>
      %swap3A_1929 = arith.constant 0 : i32
      %swap3A_1930 = arith.constant 1 : i32
      %swap3A_1931 = arith.index_cast %swap3A_1929 : i32 to index
      %swap3A_1932 = arith.index_cast %swap3A_1930 : i32 to index
      %swap3A_1933 = arith.constant 16 : index
      %swap3A_1934 = tpu.vector_load %arg7[%swap3A_1931, %swap3A_1932, %swap3A_1933] {strides = array<i32>} : memref<3x2x64xi32, #tpu.memory_space<vmem>>, vector<1x1x16xi32>,
      %swap3A_1935 = vector.shape_cast %swap3A_1934 : vector<1x1x16xi32> to vector<16xi32>
      %swap3A_1936 = vector.shape_cast %and3A_1928 : vector<16xi32> to vector<1x1x16xi32>
      tpu.vector_store %arg7[%swap3A_1931, %swap3A_1932, %swap3A_1933], %swap3A_1936 {strides = array<i32>} : memref<3x2x64xi32, #tpu.memory_space<vmem>>, vector<1x1x16xi32>,
      %get3A_1937 = arith.index_cast %min3A_1780 : i32 to index
      %get3A_1938 = arith.constant 96 : index
      %get3A_1939 = tpu.vector_load %arg5[%get3A_1937, %get3A_1938] {strides = array<i32>} : memref<159x128xi32, #tpu.memory_space<vmem>>, vector<1x16xi32>,
      %get3A_1940 = vector.shape_cast %get3A_1939 : vector<1x16xi32> to vector<16xi32>
      %shift_right_logical3A_1941 = arith.constant 14 : i32
      %shift_right_logical3A_1942 = vector.broadcast %shift_right_logical3A_1941 : i32 to vector<16xi32>
      %shift_right_logical3A_1943 = arith.shrui %get3A_1940, %shift_right_logical3A_1942 : vector<16xi32>
      %swap3A_1944 = arith.constant 0 : i32
      %swap3A_1945 = arith.constant 0 : i32
      %swap3A_1946 = arith.index_cast %swap3A_1944 : i32 to index
      %swap3A_1947 = arith.index_cast %swap3A_1945 : i32 to index
      %swap3A_1948 = arith.constant 96 : index
      %swap3A_1949 = tpu.vector_load %arg6[%swap3A_1946, %swap3A_1947, %swap3A_1948] {strides = array<i32>} : memref<3x1x128xi32, #tpu.memory_space<vmem>>, vector<1x1x16xi32>,
      %swap3A_1950 = vector.shape_cast %swap3A_1949 : vector<1x1x16xi32> to vector<16xi32>
      %swap3A_1951 = vector.shape_cast %shift_right_logical3A_1943 : vector<16xi32> to vector<1x1x16xi32>
      tpu.vector_store %arg6[%swap3A_1946, %swap3A_1947, %swap3A_1948], %swap3A_1951 {strides = array<i32>} : memref<3x1x128xi32, #tpu.memory_space<vmem>>, vector<1x1x16xi32>,
      %and3A_1952 = arith.constant 16383 : i32
      %and3A_1953 = vector.broadcast %and3A_1952 : i32 to vector<16xi32>
      %and3A_1954 = arith.andi %get3A_1940, %and3A_1953 : vector<16xi32>
      %swap3A_1955 = arith.constant 0 : i32
      %swap3A_1956 = arith.constant 1 : i32
      %swap3A_1957 = arith.index_cast %swap3A_1955 : i32 to index
      %swap3A_1958 = arith.index_cast %swap3A_1956 : i32 to index
      %swap3A_1959 = arith.constant 32 : index
      %swap3A_1960 = tpu.vector_load %arg7[%swap3A_1957, %swap3A_1958, %swap3A_1959] {strides = array<i32>} : memref<3x2x64xi32, #tpu.memory_space<vmem>>, vector<1x1x16xi32>,
      %swap3A_1961 = vector.shape_cast %swap3A_1960 : vector<1x1x16xi32> to vector<16xi32>
      %swap3A_1962 = vector.shape_cast %and3A_1954 : vector<16xi32> to vector<1x1x16xi32>
      tpu.vector_store %arg7[%swap3A_1957, %swap3A_1958, %swap3A_1959], %swap3A_1962 {strides = array<i32>} : memref<3x2x64xi32, #tpu.memory_space<vmem>>, vector<1x1x16xi32>,
      %get3A_1963 = arith.index_cast %min3A_1780 : i32 to index
      %get3A_1964 = arith.constant 112 : index
      %get3A_1965 = tpu.vector_load %arg5[%get3A_1963, %get3A_1964] {strides = array<i32>} : memref<159x128xi32, #tpu.memory_space<vmem>>, vector<1x16xi32>,
      %get3A_1966 = vector.shape_cast %get3A_1965 : vector<1x16xi32> to vector<16xi32>
      %shift_right_logical3A_1967 = arith.constant 14 : i32
      %shift_right_logical3A_1968 = vector.broadcast %shift_right_logical3A_1967 : i32 to vector<16xi32>
      %shift_right_logical3A_1969 = arith.shrui %get3A_1966, %shift_right_logical3A_1968 : vector<16xi32>
      %swap3A_1970 = arith.constant 0 : i32
      %swap3A_1971 = arith.constant 0 : i32
      %swap3A_1972 = arith.index_cast %swap3A_1970 : i32 to index
      %swap3A_1973 = arith.index_cast %swap3A_1971 : i32 to index
      %swap3A_1974 = arith.constant 112 : index
      %swap3A_1975 = tpu.vector_load %arg6[%swap3A_1972, %swap3A_1973, %swap3A_1974] {strides = array<i32>} : memref<3x1x128xi32, #tpu.memory_space<vmem>>, vector<1x1x16xi32>,
      %swap3A_1976 = vector.shape_cast %swap3A_1975 : vector<1x1x16xi32> to vector<16xi32>
      %swap3A_1977 = vector.shape_cast %shift_right_logical3A_1969 : vector<16xi32> to vector<1x1x16xi32>
      tpu.vector_store %arg6[%swap3A_1972, %swap3A_1973, %swap3A_1974], %swap3A_1977 {strides = array<i32>} : memref<3x1x128xi32, #tpu.memory_space<vmem>>, vector<1x1x16xi32>,
      %and3A_1978 = arith.constant 16383 : i32
      %and3A_1979 = vector.broadcast %and3A_1978 : i32 to vector<16xi32>
      %and3A_1980 = arith.andi %get3A_1966, %and3A_1979 : vector<16xi32>
      %swap3A_1981 = arith.constant 0 : i32
      %swap3A_1982 = arith.constant 1 : i32
      %swap3A_1983 = arith.index_cast %swap3A_1981 : i32 to index
      %swap3A_1984 = arith.index_cast %swap3A_1982 : i32 to index
      %swap3A_1985 = arith.constant 48 : index
      %swap3A_1986 = tpu.vector_load %arg7[%swap3A_1983, %swap3A_1984, %swap3A_1985] {strides = array<i32>} : memref<3x2x64xi32, #tpu.memory_space<vmem>>, vector<1x1x16xi32>,
      %swap3A_1987 = vector.shape_cast %swap3A_1986 : vector<1x1x16xi32> to vector<16xi32>
      %swap3A_1988 = vector.shape_cast %and3A_1980 : vector<16xi32> to vector<1x1x16xi32>
      tpu.vector_store %arg7[%swap3A_1983, %swap3A_1984, %swap3A_1985], %swap3A_1988 {strides = array<i32>} : memref<3x2x64xi32, #tpu.memory_space<vmem>>, vector<1x1x16xi32>,
      %add3A_1989 = arith.constant 1 : i32
      %add3A_1990 = arith.addi %add3A_1746, %add3A_1989 : i32
      %dma_start3A_1991 = arith.constant 0 : i32
      %dma_start3A_1992 = arith.constant 0 : i32
      %dma_start3A_1993 = arith.constant 0 : i32
      %dma_start3A_1994 = arith.constant 0 : i32
      %dma_start3A_1995 = arith.constant 0 : i32
      %dma_start3A_1996 = tpu.memref_slice %arg8[%dma_start3A_1993, %dma_start3A_1994, %dma_start3A_1995] : memref<3x128x64xf32, #tpu.memory_space<vmem>> -> memref<1x128x64xf32, #tpu.memory_space<vmem>>
      %dma_start3A_1997 = tpu.memref_squeeze %dma_start3A_1996 : memref<1x128x64xf32, #tpu.memory_space<vmem>> -> memref<128x64xf32, #tpu.memory_space<vmem>>
      %dma_start3A_1998 = arith.constant 0 : i32
      %dma_start3A_1999 = tpu.memref_slice %arg6[%dma_start3A_1991, %dma_start3A_1992, %dma_start3A_1998] : memref<3x1x128xi32, #tpu.memory_space<vmem>> -> memref<1x1x128xi32, #tpu.memory_space<vmem>>
      %dma_start3A_2000 = tpu.memref_squeeze %dma_start3A_1999 : memref<1x1x128xi32, #tpu.memory_space<vmem>> -> memref<128xi32, #tpu.memory_space<vmem>>
      %dma_start3A_2001 = arith.constant 0 : i32
      %dma_start3A_2002 = arith.constant 0 : i32
      %dma_start3A_2003 = tpu.memref_slice %arg9[%dma_start3A_2001, %dma_start3A_2002] : memref<10000x64xf32, #tpu.memory_space<vmem_shared>> -> memref<10000x64xf32, #tpu.memory_space<vmem_shared>>
      tpu.enqueue_indirect_dma source(%dma_start3A_2003 : memref<10000x64xf32, #tpu.memory_space<vmem_shared>>) target(%dma_start3A_1997 : memref<128x64xf32, #tpu.memory_space<vmem>>) offsets(%dma_start3A_2000 : memref<128xi32, #tpu.memory_space<vmem>>) semaphore(%arg11 : memref<!tpu.dma_semaphore, #tpu.memory_space<semaphore_mem>>)
      %dma_wait3A_2004 = arith.constant 2 : i32
      %dma_wait3A_2005 = arith.constant 0 : i32
      %dma_wait3A_2006 = arith.constant 2 : i32
      %dma_wait3A_2007 = arith.constant 0 : i32
      %dma_wait3A_2008 = arith.constant 0 : i32
      %dma_wait3A_2009 = tpu.memref_slice %arg8[%dma_wait3A_2006, %dma_wait3A_2007, %dma_wait3A_2008] : memref<3x128x64xf32, #tpu.memory_space<vmem>> -> memref<1x128x64xf32, #tpu.memory_space<vmem>>
      %dma_wait3A_2010 = tpu.memref_squeeze %dma_wait3A_2009 : memref<1x128x64xf32, #tpu.memory_space<vmem>> -> memref<128x64xf32, #tpu.memory_space<vmem>>
      %dma_wait3A_2011 = arith.constant 0 : i32
      %dma_wait3A_2012 = tpu.memref_slice %arg6[%dma_wait3A_2004, %dma_wait3A_2005, %dma_wait3A_2011] : memref<3x1x128xi32, #tpu.memory_space<vmem>> -> memref<1x1x128xi32, #tpu.memory_space<vmem>>
      %dma_wait3A_2013 = tpu.memref_squeeze %dma_wait3A_2012 : memref<1x1x128xi32, #tpu.memory_space<vmem>> -> memref<128xi32, #tpu.memory_space<vmem>>
      %dma_wait3A_2014 = arith.constant 0 : i32
      %dma_wait3A_2015 = arith.constant 0 : i32
      %dma_wait3A_2016 = tpu.memref_slice %arg9[%dma_wait3A_2014, %dma_wait3A_2015] : memref<10000x64xf32, #tpu.memory_space<vmem_shared>> -> memref<10000x64xf32, #tpu.memory_space<vmem_shared>>
      tpu.wait_indirect_dma semaphore(%arg13 : memref<!tpu.dma_semaphore, #tpu.memory_space<semaphore_mem>>) src(%dma_wait3A_2016 : memref<10000x64xf32, #tpu.memory_space<vmem_shared>>) dst(%dma_wait3A_2010 : memref<128x64xf32, #tpu.memory_space<vmem>>)
      %dma_start3A_2017 = arith.constant 2 : i32
      %dma_start3A_2018 = arith.constant 2 : i32
      %dma_start3A_2019 = arith.constant 0 : i32
      %dma_start3A_2020 = arith.constant 0 : i32
      %dma_start3A_2021 = arith.constant 0 : i32
      %dma_start3A_2022 = tpu.memref_slice %arg8[%dma_start3A_2017, %dma_start3A_2020, %dma_start3A_2021] : memref<3x128x64xf32, #tpu.memory_space<vmem>> -> memref<1x64x64xf32, #tpu.memory_space<vmem>>
      %dma_start3A_2023 = tpu.memref_squeeze %dma_start3A_2022 : memref<1x64x64xf32, #tpu.memory_space<vmem>> -> memref<64x64xf32, #tpu.memory_space<vmem>>
      %dma_start3A_2024 = arith.constant 0 : i32
      %dma_start3A_2025 = tpu.memref_slice %arg7[%dma_start3A_2018, %dma_start3A_2019, %dma_start3A_2024] : memref<3x2x64xi32, #tpu.memory_space<vmem>> -> memref<1x1x64xi32, #tpu.memory_space<vmem>>
      %dma_start3A_2026 = tpu.memref_squeeze %dma_start3A_2025 : memref<1x1x64xi32, #tpu.memory_space<vmem>> -> memref<64xi32, #tpu.memory_space<vmem>>
      %dma_start3A_2027 = arith.constant 0 : i32
      %dma_start3A_2028 = arith.constant 0 : i32
      %dma_start3A_2029 = tpu.memref_slice %arg10[%dma_start3A_2027, %dma_start3A_2028] : memref<10240x64xf32, #tpu.memory_space<vmem_shared>> -> memref<10240x64xf32, #tpu.memory_space<vmem_shared>>
      tpu.enqueue_indirect_dma source(%dma_start3A_2023 : memref<64x64xf32, #tpu.memory_space<vmem>>) target(%dma_start3A_2029 : memref<10240x64xf32, #tpu.memory_space<vmem_shared>>) offsets(%dma_start3A_2026 : memref<64xi32, #tpu.memory_space<vmem>>) semaphore(%arg18 : memref<!tpu.dma_semaphore, #tpu.memory_space<semaphore_mem>>) {add = true}
      %dma_start3A_2030 = arith.constant 2 : i32
      %dma_start3A_2031 = arith.constant 2 : i32
      %dma_start3A_2032 = arith.constant 1 : i32
      %dma_start3A_2033 = arith.constant 64 : i32
      %dma_start3A_2034 = arith.constant 0 : i32
      %dma_start3A_2035 = tpu.memref_slice %arg8[%dma_start3A_2030, %dma_start3A_2033, %dma_start3A_2034] : memref<3x128x64xf32, #tpu.memory_space<vmem>> -> memref<1x64x64xf32, #tpu.memory_space<vmem>>
      %dma_start3A_2036 = tpu.memref_squeeze %dma_start3A_2035 : memref<1x64x64xf32, #tpu.memory_space<vmem>> -> memref<64x64xf32, #tpu.memory_space<vmem>>
      %dma_start3A_2037 = arith.constant 0 : i32
      %dma_start3A_2038 = tpu.memref_slice %arg7[%dma_start3A_2031, %dma_start3A_2032, %dma_start3A_2037] : memref<3x2x64xi32, #tpu.memory_space<vmem>> -> memref<1x1x64xi32, #tpu.memory_space<vmem>>
      %dma_start3A_2039 = tpu.memref_squeeze %dma_start3A_2038 : memref<1x1x64xi32, #tpu.memory_space<vmem>> -> memref<64xi32, #tpu.memory_space<vmem>>
      %dma_start3A_2040 = arith.constant 0 : i32
      %dma_start3A_2041 = arith.constant 0 : i32
      %dma_start3A_2042 = tpu.memref_slice %arg10[%dma_start3A_2040, %dma_start3A_2041] : memref<10240x64xf32, #tpu.memory_space<vmem_shared>> -> memref<10240x64xf32, #tpu.memory_space<vmem_shared>>
      tpu.enqueue_indirect_dma source(%dma_start3A_2036 : memref<64x64xf32, #tpu.memory_space<vmem>>) target(%dma_start3A_2042 : memref<10240x64xf32, #tpu.memory_space<vmem_shared>>) offsets(%dma_start3A_2039 : memref<64xi32, #tpu.memory_space<vmem>>) semaphore(%arg19 : memref<!tpu.dma_semaphore, #tpu.memory_space<semaphore_mem>>) {add = true}
    }
    %scan3A_1070 = arith.constant 52 : i32
    %dma_wait3A_1071 = arith.constant 0 : i32
    %dma_wait3A_1072 = arith.constant 0 : i32
    %dma_wait3A_1073 = arith.constant 0 : i32
    %dma_wait3A_1074 = arith.constant 0 : i32
    %dma_wait3A_1075 = arith.constant 0 : i32
    %dma_wait3A_1076 = tpu.memref_slice %arg8[%dma_wait3A_1073, %dma_wait3A_1074, %dma_wait3A_1075] : memref<3x128x64xf32, #tpu.memory_space<vmem>> -> memref<1x128x64xf32, #tpu.memory_space<vmem>>
    %dma_wait3A_1077 = tpu.memref_squeeze %dma_wait3A_1076 : memref<1x128x64xf32, #tpu.memory_space<vmem>> -> memref<128x64xf32, #tpu.memory_space<vmem>>
    %dma_wait3A_1078 = arith.constant 0 : i32
    %dma_wait3A_1079 = tpu.memref_slice %arg6[%dma_wait3A_1071, %dma_wait3A_1072, %dma_wait3A_1078] : memref<3x1x128xi32, #tpu.memory_space<vmem>> -> memref<1x1x128xi32, #tpu.memory_space<vmem>>
    %dma_wait3A_1080 = tpu.memref_squeeze %dma_wait3A_1079 : memref<1x1x128xi32, #tpu.memory_space<vmem>> -> memref<128xi32, #tpu.memory_space<vmem>>
    %dma_wait3A_1081 = arith.constant 0 : i32
    %dma_wait3A_1082 = arith.constant 0 : i32
    %dma_wait3A_1083 = tpu.memref_slice %arg9[%dma_wait3A_1081, %dma_wait3A_1082] : memref<10000x64xf32, #tpu.memory_space<vmem_shared>> -> memref<10000x64xf32, #tpu.memory_space<vmem_shared>>
    tpu.wait_indirect_dma semaphore(%arg11 : memref<!tpu.dma_semaphore, #tpu.memory_space<semaphore_mem>>) src(%dma_wait3A_1083 : memref<10000x64xf32, #tpu.memory_space<vmem_shared>>) dst(%dma_wait3A_1077 : memref<128x64xf32, #tpu.memory_space<vmem>>)
    %dma_wait3A_1084 = arith.constant 1 : i32
    %dma_wait3A_1085 = arith.constant 1 : i32
    %dma_wait3A_1086 = arith.constant 0 : i32
    %dma_wait3A_1087 = arith.constant 0 : i32
    %dma_wait3A_1088 = arith.constant 0 : i32
    %dma_wait3A_1089 = tpu.memref_slice %arg8[%dma_wait3A_1084, %dma_wait3A_1087, %dma_wait3A_1088] : memref<3x128x64xf32, #tpu.memory_space<vmem>> -> memref<1x64x64xf32, #tpu.memory_space<vmem>>
    %dma_wait3A_1090 = tpu.memref_squeeze %dma_wait3A_1089 : memref<1x64x64xf32, #tpu.memory_space<vmem>> -> memref<64x64xf32, #tpu.memory_space<vmem>>
    %dma_wait3A_1091 = arith.constant 0 : i32
    %dma_wait3A_1092 = tpu.memref_slice %arg7[%dma_wait3A_1085, %dma_wait3A_1086, %dma_wait3A_1091] : memref<3x2x64xi32, #tpu.memory_space<vmem>> -> memref<1x1x64xi32, #tpu.memory_space<vmem>>
    %dma_wait3A_1093 = tpu.memref_squeeze %dma_wait3A_1092 : memref<1x1x64xi32, #tpu.memory_space<vmem>> -> memref<64xi32, #tpu.memory_space<vmem>>
    %dma_wait3A_1094 = arith.constant 0 : i32
    %dma_wait3A_1095 = arith.constant 0 : i32
    %dma_wait3A_1096 = tpu.memref_slice %arg10[%dma_wait3A_1094, %dma_wait3A_1095] : memref<10240x64xf32, #tpu.memory_space<vmem_shared>> -> memref<10240x64xf32, #tpu.memory_space<vmem_shared>>
    tpu.wait_indirect_dma semaphore(%arg16 : memref<!tpu.dma_semaphore, #tpu.memory_space<semaphore_mem>>) src(%dma_wait3A_1090 : memref<64x64xf32, #tpu.memory_space<vmem>>) dst(%dma_wait3A_1096 : memref<10240x64xf32, #tpu.memory_space<vmem_shared>>)
    %dma_wait3A_1097 = arith.constant 1 : i32
    %dma_wait3A_1098 = arith.constant 1 : i32
    %dma_wait3A_1099 = arith.constant 1 : i32
    %dma_wait3A_1100 = arith.constant 64 : i32
    %dma_wait3A_1101 = arith.constant 0 : i32
    %dma_wait3A_1102 = tpu.memref_slice %arg8[%dma_wait3A_1097, %dma_wait3A_1100, %dma_wait3A_1101] : memref<3x128x64xf32, #tpu.memory_space<vmem>> -> memref<1x64x64xf32, #tpu.memory_space<vmem>>
    %dma_wait3A_1103 = tpu.memref_squeeze %dma_wait3A_1102 : memref<1x64x64xf32, #tpu.memory_space<vmem>> -> memref<64x64xf32, #tpu.memory_space<vmem>>
    %dma_wait3A_1104 = arith.constant 0 : i32
    %dma_wait3A_1105 = tpu.memref_slice %arg7[%dma_wait3A_1098, %dma_wait3A_1099, %dma_wait3A_1104] : memref<3x2x64xi32, #tpu.memory_space<vmem>> -> memref<1x1x64xi32, #tpu.memory_space<vmem>>
    %dma_wait3A_1106 = tpu.memref_squeeze %dma_wait3A_1105 : memref<1x1x64xi32, #tpu.memory_space<vmem>> -> memref<64xi32, #tpu.memory_space<vmem>>
    %dma_wait3A_1107 = arith.constant 0 : i32
    %dma_wait3A_1108 = arith.constant 0 : i32
    %dma_wait3A_1109 = tpu.memref_slice %arg10[%dma_wait3A_1107, %dma_wait3A_1108] : memref<10240x64xf32, #tpu.memory_space<vmem_shared>> -> memref<10240x64xf32, #tpu.memory_space<vmem_shared>>
    tpu.wait_indirect_dma semaphore(%arg17 : memref<!tpu.dma_semaphore, #tpu.memory_space<semaphore_mem>>) src(%dma_wait3A_1103 : memref<64x64xf32, #tpu.memory_space<vmem>>) dst(%dma_wait3A_1109 : memref<10240x64xf32, #tpu.memory_space<vmem_shared>>)
    %dma_wait3A_1110 = arith.constant 2 : i32
    %dma_wait3A_1111 = arith.constant 2 : i32
    %dma_wait3A_1112 = arith.constant 0 : i32
    %dma_wait3A_1113 = arith.constant 0 : i32
    %dma_wait3A_1114 = arith.constant 0 : i32
    %dma_wait3A_1115 = tpu.memref_slice %arg8[%dma_wait3A_1110, %dma_wait3A_1113, %dma_wait3A_1114] : memref<3x128x64xf32, #tpu.memory_space<vmem>> -> memref<1x64x64xf32, #tpu.memory_space<vmem>>
    %dma_wait3A_1116 = tpu.memref_squeeze %dma_wait3A_1115 : memref<1x64x64xf32, #tpu.memory_space<vmem>> -> memref<64x64xf32, #tpu.memory_space<vmem>>
    %dma_wait3A_1117 = arith.constant 0 : i32
    %dma_wait3A_1118 = tpu.memref_slice %arg7[%dma_wait3A_1111, %dma_wait3A_1112, %dma_wait3A_1117] : memref<3x2x64xi32, #tpu.memory_space<vmem>> -> memref<1x1x64xi32, #tpu.memory_space<vmem>>
    %dma_wait3A_1119 = tpu.memref_squeeze %dma_wait3A_1118 : memref<1x1x64xi32, #tpu.memory_space<vmem>> -> memref<64xi32, #tpu.memory_space<vmem>>
    %dma_wait3A_1120 = arith.constant 0 : i32
    %dma_wait3A_1121 = arith.constant 0 : i32
    %dma_wait3A_1122 = tpu.memref_slice %arg10[%dma_wait3A_1120, %dma_wait3A_1121] : memref<10240x64xf32, #tpu.memory_space<vmem_shared>> -> memref<10240x64xf32, #tpu.memory_space<vmem_shared>>
    tpu.wait_indirect_dma semaphore(%arg18 : memref<!tpu.dma_semaphore, #tpu.memory_space<semaphore_mem>>) src(%dma_wait3A_1116 : memref<64x64xf32, #tpu.memory_space<vmem>>) dst(%dma_wait3A_1122 : memref<10240x64xf32, #tpu.memory_space<vmem_shared>>)
    %dma_wait3A_1123 = arith.constant 2 : i32
    %dma_wait3A_1124 = arith.constant 2 : i32
    %dma_wait3A_1125 = arith.constant 1 : i32
    %dma_wait3A_1126 = arith.constant 64 : i32
    %dma_wait3A_1127 = arith.constant 0 : i32
    %dma_wait3A_1128 = tpu.memref_slice %arg8[%dma_wait3A_1123, %dma_wait3A_1126, %dma_wait3A_1127] : memref<3x128x64xf32, #tpu.memory_space<vmem>> -> memref<1x64x64xf32, #tpu.memory_space<vmem>>
    %dma_wait3A_1129 = tpu.memref_squeeze %dma_wait3A_1128 : memref<1x64x64xf32, #tpu.memory_space<vmem>> -> memref<64x64xf32, #tpu.memory_space<vmem>>
    %dma_wait3A_1130 = arith.constant 0 : i32
    %dma_wait3A_1131 = tpu.memref_slice %arg7[%dma_wait3A_1124, %dma_wait3A_1125, %dma_wait3A_1130] : memref<3x2x64xi32, #tpu.memory_space<vmem>> -> memref<1x1x64xi32, #tpu.memory_space<vmem>>
    %dma_wait3A_1132 = tpu.memref_squeeze %dma_wait3A_1131 : memref<1x1x64xi32, #tpu.memory_space<vmem>> -> memref<64xi32, #tpu.memory_space<vmem>>
    %dma_wait3A_1133 = arith.constant 0 : i32
    %dma_wait3A_1134 = arith.constant 0 : i32
    %dma_wait3A_1135 = tpu.memref_slice %arg10[%dma_wait3A_1133, %dma_wait3A_1134] : memref<10240x64xf32, #tpu.memory_space<vmem_shared>> -> memref<10240x64xf32, #tpu.memory_space<vmem_shared>>
    tpu.wait_indirect_dma semaphore(%arg19 : memref<!tpu.dma_semaphore, #tpu.memory_space<semaphore_mem>>) src(%dma_wait3A_1129 : memref<64x64xf32, #tpu.memory_space<vmem>>) dst(%dma_wait3A_1135 : memref<10240x64xf32, #tpu.memory_space<vmem_shared>>)
    %barrier3A_1136 = arith.constant 0 : index
    tpu.barrier barrier_id(%barrier3A_1136)
    %mul3A_1137 = arith.constant 640 : i32
    %mul3A_1138 = arith.muli %arg1, %mul3A_1137 : i32
    %mul3A_1139 = arith.constant 640 : i32
    %mul3A_1140 = arith.muli %arg1, %mul3A_1139 : i32
    %mul3A_1141 = arith.constant 64 : i32
    %mul3A_1142 = arith.muli %arg0, %mul3A_1141 : i32
    "tpu.region"() ({
      %run_scoped3A_1143 = tpu.sem_alloc : memref<!tpu.dma_semaphore, #tpu.memory_space<semaphore_mem>>
      %dma_start3A_1144 = tpu.memref_slice %arg4[%mul3A_1140, %mul3A_1142] : memref<10240x128xf32, #tpu.memory_space<hbm>> -> memref<640x64xf32, #tpu.memory_space<hbm>>
      %dma_start3A_1145 = arith.constant 0 : i32
      %dma_start3A_1146 = tpu.memref_slice %arg10[%mul3A_1138, %dma_start3A_1145] : memref<10240x64xf32, #tpu.memory_space<vmem_shared>> -> memref<640x64xf32, #tpu.memory_space<vmem_shared>>
      tpu.enqueue_dma source(%dma_start3A_1146 : memref<640x64xf32, #tpu.memory_space<vmem_shared>>) target(%dma_start3A_1144 : memref<640x64xf32, #tpu.memory_space<hbm>>) target_semaphore(%run_scoped3A_1143 : memref<!tpu.dma_semaphore, #tpu.memory_space<semaphore_mem>>)
      %dma_wait3A_1147 = tpu.memref_slice %arg4[%mul3A_1140, %mul3A_1142] : memref<10240x128xf32, #tpu.memory_space<hbm>> -> memref<640x64xf32, #tpu.memory_space<hbm>>
      %dma_wait3A_1148 = arith.constant 0 : i32
      %dma_wait3A_1149 = tpu.memref_slice %arg10[%mul3A_1138, %dma_wait3A_1148] : memref<10240x64xf32, #tpu.memory_space<vmem_shared>> -> memref<640x64xf32, #tpu.memory_space<vmem_shared>>
      tpu.wait_dma2 semaphore(%run_scoped3A_1143 : memref<!tpu.dma_semaphore, #tpu.memory_space<semaphore_mem>>) src(%dma_wait3A_1149 : memref<640x64xf32, #tpu.memory_space<vmem_shared>>) dst(%dma_wait3A_1147 : memref<640x64xf32, #tpu.memory_space<hbm>>)
      tpu.yield
    }) : () -> ()
    return
  }
}

module attributes {stable_mosaic.version = 14 : i64} {
  func.func @_epilogue_body(%arg0: i32, %arg1: memref<2000x128xf32, #tpu.memory_space<vmem>>, %arg2: memref<2000x1xf32, #tpu.memory_space<vmem>>, %arg3: memref<128x128xf32, #tpu.memory_space<vmem>>, %arg4: memref<1x128xf32, #tpu.memory_space<vmem>>, %arg5: memref<2000x128xf32, #tpu.memory_space<vmem>>) attributes {dimension_semantics = [#tpu.dimension_semantics<arbitrary>], iteration_bounds = array<i64: 5>, scalar_prefetch = 0 : i64, scratch_operands = 0 : i64, tpu.core_type = #tpu.core_type<tc>, window_params = [{transform_indices = @transform_0, window_bounds = array<i64: 2000, 128>}, {transform_indices = @transform_1, window_bounds = array<i64: 2000, 1>}, {pipeline_mode = #tpu.pipeline_mode<synchronous>, transform_indices = @transform_2, window_bounds = array<i64: 128, 128>}, {pipeline_mode = #tpu.pipeline_mode<synchronous>, transform_indices = @transform_3, window_bounds = array<i64: 1, 128>}, {transform_indices = @transform_4, window_bounds = array<i64: 2000, 128>}]} {
    %get3A = arith.constant 0 : index
    %get3A_0 = arith.constant 0 : index
    %get3A_1 = vector.load %arg1[%get3A, %get3A_0] : memref<2000x128xf32, #tpu.memory_space<vmem>>, vector<2000x128xf32>
    %get3A_2 = arith.constant 0 : index
    %get3A_3 = arith.constant 0 : index
    %get3A_4 = vector.load %arg2[%get3A_2, %get3A_3] : memref<2000x1xf32, #tpu.memory_space<vmem>>, vector<2000x1xf32>
    %div3A = vector.broadcast %get3A_4 : vector<2000x1xf32> to vector<2000x128xf32>
    %div3A_5 = arith.divf %get3A_1, %div3A : vector<2000x128xf32>
    %get3A_6 = arith.constant 0 : index
    %get3A_7 = arith.constant 0 : index
    %get3A_8 = vector.load %arg3[%get3A_6, %get3A_7] : memref<128x128xf32, #tpu.memory_space<vmem>>, vector<128x128xf32>
    %dot_general3A = arith.constant dense<0.000000e+00> : vector<2000x128xf32>
    %dot_general3A_9 = tpu.matmul %div3A_5, %get3A_8, %dot_general3A {dimension_numbers = #tpu.dot_dimension_numbers<[1], [1], [0], [0], [0, 0, 1, 0], [], []>, transpose_lhs_hint = false} : vector<2000x128xf32>, vector<128x128xf32>, vector<2000x128xf32> -> vector<2000x128xf32>
    %get3A_10 = arith.constant 0 : index
    %get3A_11 = arith.constant 0 : index
    %get3A_12 = vector.load %arg4[%get3A_10, %get3A_11] : memref<1x128xf32, #tpu.memory_space<vmem>>, vector<1x128xf32>
    %add3A = vector.broadcast %get3A_12 : vector<1x128xf32> to vector<2000x128xf32>
    %add3A_13 = arith.addf %dot_general3A_9, %add3A : vector<2000x128xf32>
    %swap3A = arith.constant 0 : index
    %swap3A_14 = arith.constant 0 : index
    %swap3A_15 = vector.load %arg5[%swap3A, %swap3A_14] : memref<2000x128xf32, #tpu.memory_space<vmem>>, vector<2000x128xf32>
    tpu.vector_store %arg5[%swap3A, %swap3A_14], %add3A_13 {strides = array<i32>} : memref<2000x128xf32, #tpu.memory_space<vmem>>, vector<2000x128xf32>,
    return
  }
  func.func @transform_0(%arg0: i32) -> (i32, i32) {
    %c0_i32 = arith.constant 0 : i32
    %c0_i32_0 = arith.constant 0 : i32
    return %arg0, %c0_i32 : i32, i32
  }
  func.func @transform_1(%arg0: i32) -> (i32, i32) {
    %c0_i32 = arith.constant 0 : i32
    %c0_i32_0 = arith.constant 0 : i32
    return %arg0, %c0_i32 : i32, i32
  }
  func.func @transform_2(%arg0: i32) -> (i32, i32) {
    %c0_i32 = arith.constant 0 : i32
    %c0_i32_0 = arith.constant 0 : i32
    %c0_i32_1 = arith.constant 0 : i32
    return %c0_i32, %c0_i32_0 : i32, i32
  }
  func.func @transform_3(%arg0: i32) -> (i32, i32) {
    %c0_i32 = arith.constant 0 : i32
    %c0_i32_0 = arith.constant 0 : i32
    %c0_i32_1 = arith.constant 0 : i32
    return %c0_i32, %c0_i32_0 : i32, i32
  }
  func.func @transform_4(%arg0: i32) -> (i32, i32) {
    %c0_i32 = arith.constant 0 : i32
    %c0_i32_0 = arith.constant 0 : i32
    return %arg0, %c0_i32 : i32, i32
  }
}

module attributes {stable_mosaic.version = 14 : i64} {
  func.func @_pack_body(%arg0: i32, %arg1: memref<2x20352xi32, #tpu.memory_space<vmem>>, %arg2: memref<1x159x128xi32, #tpu.memory_space<vmem>>) attributes {dimension_semantics = [#tpu.dimension_semantics<arbitrary>], iteration_bounds = array<i64: 16>, scalar_prefetch = 0 : i64, scratch_operands = 0 : i64, tpu.core_type = #tpu.core_type<tc>, window_params = [{transform_indices = @transform_0, window_bounds = array<i64: 2, 20352>}, {transform_indices = @transform_1, window_bounds = array<i64: 1, 159, 128>}]} {
    %get3A = arith.constant 0 : index
    %get3A_0 = arith.constant 0 : index
    %get3A_1 = vector.load %arg1[%get3A, %get3A_0] : memref<2x20352xi32, #tpu.memory_space<vmem>>, vector<2x20352xi32>
    %slice3A = vector.extract_strided_slice %get3A_1 {offsets = [0, 0], sizes = [1, 20352], strides = [1, 1]} : vector<2x20352xi32> to vector<1x20352xi32>
    %slice3A_2 = vector.extract_strided_slice %get3A_1 {offsets = [1, 0], sizes = [1, 20352], strides = [1, 1]} : vector<2x20352xi32> to vector<1x20352xi32>
    %mul3A = arith.constant 20352 : i32
    %mul3A_3 = arith.muli %arg0, %mul3A : i32
    %iota3A = tpu.iota {dimensions = array<i32: 1>} : vector<1x20352xi32>
    %add3A = vector.broadcast %mul3A_3 : i32 to vector<1x20352xi32>
    %add3A_4 = arith.addi %add3A, %iota3A : vector<1x20352xi32>
    %lt3A = arith.constant 320000 : i32
    %lt3A_5 = vector.broadcast %lt3A : i32 to vector<1x20352xi32>
    %lt3A_6 = arith.cmpi slt, %add3A_4, %lt3A_5 : vector<1x20352xi32>
    %shift_left3A = arith.constant 14 : i32
    %shift_left3A_7 = vector.broadcast %shift_left3A : i32 to vector<1x20352xi32>
    %shift_left3A_8 = arith.shli %slice3A, %shift_left3A_7 : vector<1x20352xi32>
    %or3A = arith.ori %shift_left3A_8, %slice3A_2 : vector<1x20352xi32>
    %jit3A = arith.constant 10000 : i32
    %broadcast_in_dim3A = vector.broadcast %jit3A : i32 to vector<1x20352xi32>
    %select_n3A = arith.select %lt3A_6, %or3A, %broadcast_in_dim3A : vector<1x20352xi1>, vector<1x20352xi32>
    %reshape3A = vector.shape_cast %select_n3A : vector<1x20352xi32> to vector<1x159x128xi32>
    %swap3A = arith.constant 0 : index
    %swap3A_9 = arith.constant 0 : index
    %swap3A_10 = arith.constant 0 : index
    %swap3A_11 = vector.load %arg2[%swap3A, %swap3A_9, %swap3A_10] : memref<1x159x128xi32, #tpu.memory_space<vmem>>, vector<1x159x128xi32>
    tpu.vector_store %arg2[%swap3A, %swap3A_9, %swap3A_10], %reshape3A {strides = array<i32>} : memref<1x159x128xi32, #tpu.memory_space<vmem>>, vector<1x159x128xi32>,
    return
  }
  func.func @transform_0(%arg0: i32) -> (i32, i32) {
    %c0_i32 = arith.constant 0 : i32
    %c0_i32_0 = arith.constant 0 : i32
    return %c0_i32, %arg0 : i32, i32
  }
  func.func @transform_1(%arg0: i32) -> (i32, i32, i32) {
    %c0_i32 = arith.constant 0 : i32
    %c0_i32_0 = arith.constant 0 : i32
    %c0_i32_1 = arith.constant 0 : i32
    return %arg0, %c0_i32, %c0_i32_0 : i32, i32, i32
  }
}

</mosaic_0001>

<sc_bundles>
// kernel: kernel.5.cloned.1.call-start
scs
__scs_entry_jumppad:
0x0: {  	(pc) =	sbr.rel $0x88, $3  }
0x1: {  	(tag) =	ssettag $0x0;
	lr =	simm.s32 $0x1  }
0x2: {  	[smem:$0x3F9C] =	sst lr;
	_ =	strace $0xD0000000  }
0x3: {  	_ = 	snop  }
0x4: {  	_ = 	snop  }
0x5: {  	_ = 	snop  }
0x6: {  	_ = 	snop  }
0x7: {  	_ = 	snop  }
__scs_overlays_trampoline_lowered:
0x8: {  	[smem:$0x3FAB] =	sst s0  }
0x9: {  	[smem:$0x3FAC] =	sst s1  }
0xa: {  	[smem:$0x3FAD] =	sst s2  }
0xb: {  	[smem:$0x3FAE] =	sst s3  }
0xc: {  	[smem:$0x3FAF] =	sst s4  }
0xd: {  	[smem:$0x3FB0] =	sst s5  }
0xe: {  	[smem:$0x3FB1] =	sst s6  }
0xf: {  	[smem:$0x3FB2] =	sst s7  }
0x10: {  	[smem:$0x3FB3] =	sst s8  }
0x11: {  	[smem:$0x3FB4] =	sst s9;
	s0 =	simm.s32 @!p0 $0x0  }
0x12: {  	s1 =	sld [smem:$0x3F9A];
	s0 =	simm.s32 @p0 $0x1  }
0x13: {  	[smem:$0x3FB5] =	sst s0;
	s0 =	simm.s32 @!p1 $0x0  }
0x14: {  	s2 =	sld [smem:$0x3F99];
	s0 =	simm.s32 @p1 $0x1  }
0x15: {  	[smem:$0x3FB6] =	sst s0;
	s0 =	simm.s32 @!p2 $0x0  }
0x16: {  	s3 =	sld [smem:$0x3FDB];
	s0 =	simm.s32 @p2 $0x1  }
0x17: {  	s4 =	simm.s32 $0x1BF5;
	[smem:$0x3FB8] =	sst s0  }
0x18: {  	s0 =	sld [smem:$0x3F9B];
	_ =	swait.ge [sflag:s4], $0x0  }
0x19: {  	s7 =	sld [smem:$0x3F9C]  }
0x1a: {  	s8 =	sadd.s32 $0xFFFFE003, lr  }
0x1b: {  	s9 =	sadd.s32 $0xFFFFFEF7, lr;
	s5 =	simm.s32 $0xFFFFFFFF;
	p2 =	slt.u32 s8, $0xFFFFF086  }
0x1c: {  	p1 =	slt.u32 s9, $0xF7A;
	s5 =	simm.s32 @!p2 $0x0  }
0x1d: {  	s5 =	simm.s32 @p1 $0x1;
	p0 =	seq.s32 s7, s2  }
0x1e: {  	s7 =	smul.u32 @!p0 $0xF7A, s2;
	p2 =	seq.s32 @!p0 s5, $0x0  }
0x1f: {  	s9 =	smul.u32 $0xF7A, s1;
	s8 =	simm.s32 @!p0 $0x1BF5;
	p2 =	por !p2, p0  }
0x20: {  	[sflag:s8] =	ssyncset.s32 @!p0 $0xFFFFF086;
	s6 =	sadd.s32 @!p0 s3, s7;
	s7 =	simm.s32 @!p0 $0x108  }
0x21: {  	s3 =	sadd.s32 s3, s9;
	s6 =	sadd.s32 @!p0 $0x88, s6;
	s7 =	simm.s32 @p2 $0x1082  }
0x22: {  	[simem:s7], [sflag:s8] =	dma.local @!p0 [hbm:s6], $0xF7A  }
0x23: {  	s9 =	sor.u32 $0xD0000000, s2;
	s6 =	simm.s32 $0x108;
	_ =	swait.ge @!p0 [sflag:s8], $0x0  }
0x24: {  	s3 =	sadd.s32 $0x88, s3;
	s6 =	simm.s32 @!p1 $0x1082;
	[sflag:s4] =	ssyncset.s32 $0xFFFFF086  }
0x25: {  	[simem:s6], [sflag:s4] =	dma.local [hbm:s3], $0xF7A  }
0x26: {  	[smem:$0x3F9C] =	sst s1;
	(tag) =	ssettag s2;
	_ =	strace s9  }
0x27: {  	s1 =	sld [smem:$0x3FAC]  }
0x28: {  	s2 =	sld [smem:$0x3FAD]  }
0x29: {  	s4 =	sld [smem:$0x3FAF]  }
0x2a: {  	p0 =	seq.s32 s5, $0x0;
	s5 =	sld [smem:$0x3FB0]  }
0x2b: {  	s6 =	sld [smem:$0x3FB1]  }
0x2c: {  	s7 =	sld [smem:$0x3FB2]  }
0x2d: {  	s3 =	simm.s32 $0x108;
	s8 =	sld [smem:$0x3FB3]  }
0x2e: {  	s3 =	simm.s32 @!p0 $0x1082;
	s9 =	sld [smem:$0x3FB4]  }
0x2f: {  	lr =	sadd.s32 s0, s3;
	s0 =	sld [smem:$0x3FAB]  }
0x30: {  	s3 =	sld [smem:$0x3FAE]  }
0x31: {  	[smem:$0x3FB7] =	sst s10  }
0x32: {  	s10 =	sld [smem:$0x3FB5];
	_ =	sdelay $0x3  }
0x33: {  	p0 =	seq.s32 s10, $0x1;
	s10 =	sld [smem:$0x3FB7];
	_ =	sdelay $0x3  }
0x34: {  	[smem:$0x3FB7] =	sst s10  }
0x35: {  	s10 =	sld [smem:$0x3FB6];
	_ =	sdelay $0x3  }
0x36: {  	p1 =	seq.s32 s10, $0x1;
	s10 =	sld [smem:$0x3FB7];
	_ =	sdelay $0x3  }
0x37: {  	[smem:$0x3FB7] =	sst s10  }
0x38: {  	s10 =	sld [smem:$0x3FB8]  }
0x39: {  	_ = 	snop;
	(pc) =	sbr.ind lr, $3  }
0x3a: {  	_ = 	snop  }
0x3b: {  	_ = 	snop  }
0x3c: {  	p2 =	seq.s32 s10, $0x1;
	s10 =	sld [smem:$0x3FB7]  }
0x3d: {  	_ =	shalt  }
0x3e: {  	_ =	shalt  }
0x3f: {  	_ =	shalt  }
0x40: {  	_ =	shalt  }
0x41: {  	_ =	shalt  }
0x42: {  	_ =	shalt  }
0x43: {  	_ =	shalt  }
0x44: {  	_ =	shalt  }
0x45: {  	_ =	shalt  }
0x46: {  	_ =	shalt  }
0x47: {  	_ =	shalt  }
0x48: {  	_ =	shalt  }
0x49: {  	_ =	shalt  }
0x4a: {  	_ =	shalt  }
0x4b: {  	_ =	shalt  }
0x4c: {  	_ =	shalt  }
0x4d: {  	_ =	shalt  }
0x4e: {  	_ =	shalt  }
0x4f: {  	_ =	shalt  }
0x50: {  	_ =	shalt  }
0x51: {  	_ =	shalt  }
0x52: {  	_ =	shalt  }
0x53: {  	_ =	shalt  }
0x54: {  	_ =	shalt  }
0x55: {  	_ =	shalt  }
0x56: {  	_ =	shalt  }
0x57: {  	_ =	shalt  }
0x58: {  	_ =	shalt  }
0x59: {  	_ =	shalt  }
0x5a: {  	_ =	shalt  }
0x5b: {  	_ =	shalt  }
0x5c: {  	_ =	shalt  }
0x5d: {  	_ =	shalt  }
0x5e: {  	_ =	shalt  }
0x5f: {  	_ =	shalt  }
0x60: {  	_ =	shalt  }
0x61: {  	_ =	shalt  }
0x62: {  	_ =	shalt  }
0x63: {  	_ =	shalt  }
0x64: {  	_ =	shalt  }
0x65: {  	_ =	shalt  }
0x66: {  	_ =	shalt  }
0x67: {  	_ =	shalt  }
0x68: {  	_ =	shalt  }
0x69: {  	_ =	shalt  }
0x6a: {  	_ =	shalt  }
0x6b: {  	_ =	shalt  }
0x6c: {  	_ =	shalt  }
0x6d: {  	_ =	shalt  }
0x6e: {  	_ =	shalt  }
0x6f: {  	_ =	shalt  }
0x70: {  	_ =	shalt  }
0x71: {  	_ =	shalt  }
0x72: {  	_ =	shalt  }
0x73: {  	_ =	shalt  }
0x74: {  	_ =	shalt  }
0x75: {  	_ =	shalt  }
0x76: {  	_ =	shalt  }
0x77: {  	_ =	shalt  }
0x78: {  	_ =	shalt  }
0x79: {  	_ =	shalt  }
0x7a: {  	_ =	shalt  }
0x7b: {  	_ =	shalt  }
0x7c: {  	_ =	shalt  }
0x7d: {  	_ =	shalt  }
0x7e: {  	_ =	shalt  }
0x7f: {  	_ =	shalt  }
0x80: {  	_ =	shalt  }
0x81: {  	_ =	shalt  }
0x82: {  	_ =	shalt  }
0x83: {  	_ =	shalt  }
0x84: {  	_ =	shalt  }
0x85: {  	_ =	shalt  }
0x86: {  	_ =	shalt  }
0x87: {  	_ =	shalt  }
.Lfunc_end0:
.L_simem_size_0:
called_computation_lowered:
.L_overlay_start_0:
0x88: {  	s2 =	sld [smem:$0x3FD9]  }
0x89: {  	s3 =	sld [smem:$0x3FFE];
	_ =	sdelay $0x1  }
0x8a: {  	s1 =	srdreg.scid  }
0x8b: {  	s0 =	sand.u32 $0x1, s1  }
0x8c: {  	s17 =	sshll.u32 s0, $0xA;
	s2 =	sadd.s32 s3, s2  }
0x8d: {  	s2 =	sadd.s32 s2, s17  }
0x8e: {  	[smem:$0x3FC3] =	sst s2  }
0x8f: {  	_ = 	snop  }
0x90: {  	s2 =	sld [smem:$0x3FC9]  }
0x91: {  	s18 =	sld [smem:$0x3FD0];
	(tm) =	ssettm $0x1  }
0x92: {  	s4 =	sld [smem:$0x3FFB];
	_ =	sdelay $0x3  }
0x93: {  	_ =	strace s4  }
0x94: {  	s4 =	sld [smem:$0x3FFC];
	_ =	sdelay $0x3  }
0x95: {  	_ =	strace s4  }
0x96: {  	s4 =	sld [smem:$0x3FFD];
	_ =	sdelay $0x3  }
0x97: {  	_ =	strace s4  }
0x98: {  	_ =	strace $0x8FFFFFFF  }
0x99: {  	s19 =	sld [smem:$0x3FDB];
	_ =	sdelay $0x1  }
0x9a: {  	s5 =	simm.s32 $_scs_section_size  }
0x9b: {  	s6 =	simm.s32 $_size__tile_overlayer_lowered;
	s7 =	simm.s32 $_tile_overlayer_lowered  }
0x9c: {  	s22 =	simm.s32 $0x1BFF;
	s21 =	sshll.u32 s7, $0x1;
	s4 =	sadd.s32 s5, s19  }
0x9d: {  	s8 =	simm.s32 $0x0;
	s20 =	sshll.u32 s6, $0x1;
	s6 =	sadd.s32 s21, s4  }
0x9e: {  	[timem:s8], [sflag:s22] =	dma.local [hbm:s6], s20  }
0x9f: {  	_ =	swait.ge [sflag:s22], s20  }
0xa0: {  	s5 =	ssub.s32 $0x0, s20;
	[sflag:s22] =	ssyncset.done $0x0  }
0xa1: {  	[sflag:s22] =	ssyncadd.s32 s5;
	_ =	sdelay $0x1  }
0xa2: {  	s23 =	simm.s32 $0x1B8B  }
0xa3: {  	_ =	swait.ge [sflag:s23], $0x1  }
0xa4: {  	[sflag:s23] =	ssyncset.done $0x0  }
0xa5: {  	s25 =	simm.s32 $0x1B8E;
	s24 =	sld [smem:$0x3FFE];
	[sflag:s23] =	ssyncadd.s32 $0xFFFFFFFF  }
0xa6: {  	s26 =	simm.s32 $execute0_lowered;
	[smem:$0x3FD2] =	sst s25  }
0xa7: {  	s6 =	sshll.u32 s26, $0x1;
	_ =	strace $0x80000046;
	[dreg:$0x1] =	wrdreg $0xFFFFFFFF  }
0xa8: {  	s28 =	simm.s32 $_size_execute0_lowered;
	s4 =	sadd.s32 s4, s6;
	[dreg:$0x0] =	wrdreg $0x0  }
0xa9: {  	s6 =	sshll.u32 s28, $0x1;
	[dreg:$0x2] =	wrdreg s4  }
0xaa: {  	[dreg:$0x3] =	wrdreg s6  }
0xab: {  	[dreg:$0x4] =	wrdreg $0xC0  }
0xac: {  	_ =	task [dreg:s8], $0x5FFFF  }
0xad: {  	[dreg:$0x1] =	wrdreg $0xFFFFFFFF  }
0xae: {  	[dreg:$0x0] =	wrdreg $0x60  }
0xaf: {  	[dreg:$0x2] =	wrdreg s2  }
0xb0: {  	[dreg:$0x3] =	wrdreg s18  }
0xb1: {  	[dreg:$0x4] =	wrdreg s24  }
0xb2: {  	[dreg:$0x5] =	wrdreg $0x14EC00  }
0xb3: {  	[dreg:$0x6] =	wrdreg $0xB2800  }
0xb4: {  	[dreg:$0x7] =	wrdreg $0x9  }
0xb5: {  	_ =	task.clear_ibuf [dreg:s8], $0x8FFFF;
	_ =	strace $0x90000046  }
0xb6: {  	s29 =	simm.s32 $0x9;
	_ =	strace $0x80000048  }
0xb7: {  	_ =	swait.ge [sflag:s29], $0x1  }
0xb8: {  	[sflag:s29] =	ssyncadd.s32 $0xFFFFFFFF  }
0xb9: {  	_ =	strace $0x90000048  }
0xba: {  	_ =	sfence  }
0xbb: {  	s30 =	sld [smem:$0x0];
	_ =	sdelay $0x2  }
0xbc: {  	s31 =	sshll.u32 s1, $0xD;
	s1 =	sshrl.u32 s1, $0x2  }
0xbd: {  	s3 =	sand.u32 $0x4000, s31;
	s1 =	sadd.s32 s1, s30  }
0xbe: {  	s0 =	sor.u32 s3, s0;
	s1 =	sshll.u32 s1, $0x11  }
0xbf: {  	s0 =	sor.u32 s1, s0  }
0xc0: {  	s0 =	sadd.s32 $0x8F2B, s0  }
0xc1: {  	[sflag:s0] =	ssyncadd.remote.s32 $0x1  }
0xc2: {  	_ =	sfence.sel $0xFFFF  }
0xc3: {  	[dreg:$0x0] =	wrdreg $0xFFFFFFFF;
	(pc) =	sbr.abs _section_cstart, $3  }
0xc4: {  	[dreg:$0x1] =	wrdreg $0xFFFFFFFF  }
0xc5: {  	_ =	task.clear_ibuf [dreg:s8], $0x2FFFF;
	_ =	strace $0x9FFFFFFF  }
0xc6: {  	(tm) =	ssettm $0x7FFFFFFF  }
0xc7: {  	_ =	shalt  }
tec
execute0_lowered:
.L_overlay_start_1:
0x0: {  	(tag) =	ssettag $0x1  }
0x1: {  	s0 =	rddreg [dreg:$0x0]  }
0x2: {  	s1 =	rddreg [dreg:$0x1]  }
0x3: {  	s4 =	rddreg [dreg:$0x2]  }
0x4: {  	s3 =	srdreg.scid;
	s10 =	stileid.u32  }
0x5: {  	s2 =	rddreg [dreg:$0x3];
	s8 =	simm.s32 $0x0;
	s31 =	simm.s32 $0x9280  }
0x6: {  	s11 =	simm.s32 $0x6;
	s12 =	simm.s32 $0x7;
	s6 =	smul.u32 $0x14000, s10  }
0x7: {  	s13 =	simm.s32 $0x9;
	s28 =	simm.s32 $0x5000;
	s14 =	smul.u32 $0x28000, s10  }
0x8: {  	s29 =	simm.s32 $0x5100;
	s30 =	simm.s32 $0x5140;
	s9 =	smul.u32 $0x13880, s10  }
0x9: {  	s5 =	sand.u32 $0x1, s3;
	s3 =	rddreg [dreg:$0x4];
	s16 =	smul.u32 $0x27100, s10  }
0xa: {  	[smem:$0x7FF] =	sst s8;
	s19 =	smul.u32 $0x9F0, s10;
	s25 =	sshll.u32 s10, $0x6  }
0xb: {  	s7 =	sshll.u32 s5, $0x6;
	_ =	strace $0x80000047;
	s5 =	ssub.s32 $0x2, s5  }
0xc: {  	s6 =	sor.u32 s7, s6;
	s15 =	sshrl.u32 s5, $0x1;
	s8 =	sshrl.u32 s14, $0x2  }
0xd: {  	s7 =	sor.u32 s7, s9;
	s22 =	sadd.s32 s1, s19;
	s14 =	simm.s32 $0x5280  }
0xe: {  	s19 =	simm.s32 $0x8;
	s1 =	simm.s32 $0x2;
	s6 =	sshrl.u32 s6, $0x3  }
0xf: {  	s5 =	ssub.s32 s5, s15;
	s20 =	sadd.s32 s8, s2;
	[dreg:$0xc] =	wrdreg s22  }
0x10: {  	s7 =	sshrl.u32 s7, $0x3;
	s8 =	sadd.s32 $0x2000, s20;
	[dreg:$0x6] =	wrdreg s20  }
0x11: {  	s4 =	sadd.s32 s6, s4;
	s17 =	sadd.s32 $0x4000, s20;
	[dreg:$0x7] =	wrdreg s8  }
0x12: {  	s18 =	sadd.s32 $0x6000, s20;
	s6 =	sshrl.u32 s16, $0x2;
	[dreg:$0x8] =	wrdreg s17  }
0x13: {  	s21 =	sadd.s32 $0x8000, s20;
	s0 =	sadd.s32 s0, s7;
	[dreg:$0x9] =	wrdreg s18  }
0x14: {  	s24 =	smax.u32 s5, $0x1;
	s7 =	simm.s32 $0x4;
	[dreg:$0xa] =	wrdreg s21  }
0x15: {  	s6 =	sadd.s32 s6, s3;
	[dreg:$0xb] =	wrdreg s0;
	s23 =	sadd.s32 $0xE00, s4  }
0x16: {  	[dreg:$0xe] =	wrdreg s24;
	s4 =	simm.s32 $0xA;
	s0 =	sor.u32 $0x1C0A, s25  }
0x17: {  	s18 =	simm.s32 $0x1;
	s21 =	simm.s32 $0x80;
	s24 =	simm.s32 $0x7280  }
0x18: {  	s25 =	simm.s32 $0x40;
	s8 =	simm.s32 $0x5;
	[dreg:$0xd] =	wrdreg s23  }
0x19: {  	s17 =	simm.s32 $0x3;
	[dreg:$0xf] =	wrdreg s0;
	s26 =	sshrl.u32 s6, $0x3  }
0x1a: {  	v0 =	vimm.f32 $0.0e+00;
	s0 =	simm.s32 $0x0;
	s23 =	simm.s32 $0xA280;
	[dreg:$0x10] =	wrdreg s26  }
.LBB2_1:
0x1b: {  	[dreg:$0x11] =	wrdreg s0;
	s5 =	simm.s32 $0x1;
	[tilespmem:s14+$0x0] =	vst v0;
	s15 =	simm.s32 $0x5280  }
.LBB2_2:
0x1c: {  	p0 =	sne.s32 s5, $0x1FF  }
.Ltmp0:
0x1d: {  	_ = 	snop;
	(pc) =	sbr.rel @p0 .LBB2_2-.Ltmp0, $3  }
0x1e: {  	_ =	sdelay $0x1  }
0x1f: {  	s5 =	sadd.s32 $0x1, s5;
	s15 =	sadd.s32 $0x10, s15  }
0x20: {  	[tilespmem:s15+$0x0] =	vst v0  }
0x21: {  	[spmem:s20] =	stream.linear.scatter [tilespmem:s14], [sflag:$0xA], $0x2000, $0x38;
	[tilespmem:$0x1EEC0] =	vst v63  }
0x22: {  	_ =	swait.ge [sflag:s4], $0x2000  }
0x23: {  	[sflag:s4] =	ssyncset.done $0x0  }
0x24: {  	s5 =	rddreg [dreg:$0x7];
	[sflag:s4] =	ssyncadd.s32 $0xFFFFE000  }
0x25: {  	[spmem:s5] =	stream.linear.scatter [tilespmem:s14], [sflag:$0xA], $0x2000, $0x38;
	[tilespmem:$0x1EEC0] =	vst v63  }
0x26: {  	_ =	swait.ge [sflag:s4], $0x2000  }
0x27: {  	[sflag:s4] =	ssyncset.done $0x0  }
0x28: {  	s22 =	rddreg [dreg:$0x8];
	[sflag:s4] =	ssyncadd.s32 $0xFFFFE000  }
0x29: {  	[spmem:s22] =	stream.linear.scatter [tilespmem:s14], [sflag:$0xA], $0x2000, $0x38;
	[tilespmem:$0x1EEC0] =	vst v63  }
0x2a: {  	_ =	swait.ge [sflag:s4], $0x2000  }
0x2b: {  	[sflag:s4] =	ssyncset.done $0x0  }
0x2c: {  	s26 =	rddreg [dreg:$0x9];
	[sflag:s4] =	ssyncadd.s32 $0xFFFFE000  }
0x2d: {  	[spmem:s26] =	stream.linear.scatter [tilespmem:s14], [sflag:$0xA], $0x2000, $0x38;
	[tilespmem:$0x1EEC0] =	vst v63  }
0x2e: {  	_ =	swait.ge [sflag:s4], $0x2000  }
0x2f: {  	[sflag:s4] =	ssyncset.done $0x0  }
0x30: {  	s0 =	rddreg [dreg:$0xa];
	[sflag:s4] =	ssyncadd.s32 $0xFFFFE000  }
0x31: {  	[spmem:s0] =	stream.linear.scatter [tilespmem:s14], [sflag:$0xA], $0x2000, $0x38;
	[tilespmem:$0x1EEC0] =	vst v63  }
0x32: {  	_ =	swait.ge [sflag:s4], $0x2000  }
0x33: {  	s6 =	rddreg [dreg:$0xb]  }
0x34: {  	[sflag:s4] =	ssyncset.done $0x0;
	s15 =	rddreg [dreg:$0xf]  }
0x35: {  	s22 =	simm.s32 $0x10;
	s16 =	rddreg [dreg:$0x10];
	[sflag:s4] =	ssyncadd.s32 $0xFFFFE000  }
0x36: {  	[spmem:s16@s19], [sflag:s15] =	dma.strided [hbm:s6@s22], $0x1388, s18, $0x8   }
0x37: {  	_ =	swait.ge [sflag:s4], $0x1388  }
0x38: {  	[sflag:s4] =	ssyncset.done $0x0  }
0x39: {  	s9 =	simm.s32 $0x0;
	s10 =	rddreg [dreg:$0xc];
	[sflag:s4] =	ssyncadd.s32 $0xFFFFEC78  }
0x3a: {  	[tilespmem:s9], [sflag:$0xA] =	stream.linear.gather [hbm4b:s10+s9], $0x4F80, $0x38;
	[tilespmem:$0x1EEC0] =	vst v63  }
0x3b: {  	_ =	swait.ge [sflag:s4], $0x4F80  }
0x3c: {  	[sflag:s4] =	ssyncset.done $0x0  }
0x3d: {  	[sflag:s4] =	ssyncadd.s32 $0xFFFFB080  }
0x3e: {  	[bflag:$0x0] =	sbarrier.arrive $0xFFFF  }
0x3f: {  	v1 =	vld [tilespmem:$0x0];
	_ =	sdelay $0x1  }
0x40: {  	v2 =	vld [tilespmem:$0x10];
	_ =	sdelay $0x1  }
0x41: {  	v3 =	vld [tilespmem:$0x20]  }
0x42: {  	v4 =	vshrl.u32 v1, $0xE  }
0x43: {  	v53 =	vld [tilespmem:$0x30];
	v1 =	vand.u32 $0x3FFF, v1;
	[tilespmem:$0x4F80] =	vst v4  }
0x44: {  	[tilespmem:$0x5100] =	vst v1;
	v1 =	vshrl.u32 v2, $0xE  }
0x45: {  	[tilespmem:$0x4F90] =	vst v1;
	v1 =	vand.u32 $0x3FFF, v2;
	v2 =	vld [tilespmem:$0x40]  }
0x46: {  	[tilespmem:$0x5110] =	vst v1;
	v1 =	vshrl.u32 v3, $0xE  }
0x47: {  	[tilespmem:$0x4FA0] =	vst v1;
	v1 =	vand.u32 $0x3FFF, v3;
	v3 =	vld [tilespmem:$0x50]  }
0x48: {  	[tilespmem:$0x5120] =	vst v1;
	v1 =	vshrl.u32 v53, $0xE  }
0x49: {  	v54 =	vld [tilespmem:$0x60];
	[tilespmem:$0x4FB0] =	vst v1;
	v1 =	vand.u32 $0x3FFF, v53  }
0x4a: {  	[tilespmem:$0x5130] =	vst v1;
	v1 =	vshrl.u32 v2, $0xE  }
0x4b: {  	[tilespmem:$0x4FC0] =	vst v1;
	v1 =	vand.u32 $0x3FFF, v2;
	v2 =	vld [tilespmem:$0x70]  }
0x4c: {  	[tilespmem:$0x5140] =	vst v1;
	v1 =	vshrl.u32 v3, $0xE  }
0x4d: {  	[tilespmem:$0x4FD0] =	vst v1;
	v1 =	vand.u32 $0x3FFF, v3  }
0x4e: {  	[tilespmem:$0x5150] =	vst v1;
	v1 =	vshrl.u32 v54, $0xE  }
0x4f: {  	[tilespmem:$0x4FE0] =	vst v1;
	v1 =	vand.u32 $0x3FFF, v54  }
0x50: {  	[tilespmem:$0x5160] =	vst v1;
	v1 =	vshrl.u32 v2, $0xE  }
0x51: {  	[tilespmem:$0x4FF0] =	vst v1;
	v1 =	vand.u32 $0x3FFF, v2  }
0x52: {  	s15 =	simm.s32 $0x4F80;
	[tilespmem:$0x5170] =	vst v1  }
0x53: {  	[tilespmem:s14], [sflag:$0x1] =	stream.indirect.gather [spmem:s3], $0x40, s15, s21, $0xb8;
	[tilespmem:$0x1EEC0] =	vst v63  }
0x54: {  	v1 =	vld [tilespmem:$0x80];
	_ =	sdelay $0x1  }
0x55: {  	v2 =	vld [tilespmem:$0x90];
	_ =	sdelay $0x1  }
0x56: {  	v3 =	vld [tilespmem:$0xA0]  }
0x57: {  	v55 =	vshrl.u32 v1, $0xE  }
0x58: {  	v56 =	vld [tilespmem:$0xB0];
	v1 =	vand.u32 $0x3FFF, v1;
	[tilespmem:$0x5000] =	vst v55  }
0x59: {  	[tilespmem:$0x5180] =	vst v1;
	v1 =	vshrl.u32 v2, $0xE  }
0x5a: {  	[tilespmem:$0x5010] =	vst v1;
	v1 =	vand.u32 $0x3FFF, v2;
	v2 =	vld [tilespmem:$0xC0]  }
0x5b: {  	[tilespmem:$0x5190] =	vst v1;
	v1 =	vshrl.u32 v3, $0xE  }
0x5c: {  	[tilespmem:$0x5020] =	vst v1;
	v1 =	vand.u32 $0x3FFF, v3;
	v3 =	vld [tilespmem:$0xD0]  }
0x5d: {  	[tilespmem:$0x51A0] =	vst v1;
	v1 =	vshrl.u32 v56, $0xE  }
0x5e: {  	v57 =	vld [tilespmem:$0xE0];
	[tilespmem:$0x5030] =	vst v1;
	v1 =	vand.u32 $0x3FFF, v56  }
0x5f: {  	[tilespmem:$0x51B0] =	vst v1;
	v1 =	vshrl.u32 v2, $0xE  }
0x60: {  	[tilespmem:$0x5040] =	vst v1;
	v1 =	vand.u32 $0x3FFF, v2;
	v2 =	vld [tilespmem:$0xF0]  }
0x61: {  	[tilespmem:$0x51C0] =	vst v1;
	v1 =	vshrl.u32 v3, $0xE  }
0x62: {  	[tilespmem:$0x5050] =	vst v1;
	v1 =	vand.u32 $0x3FFF, v3  }
0x63: {  	[tilespmem:$0x51D0] =	vst v1;
	v1 =	vshrl.u32 v57, $0xE  }
0x64: {  	[tilespmem:$0x5060] =	vst v1;
	v1 =	vand.u32 $0x3FFF, v57  }
0x65: {  	[tilespmem:$0x51E0] =	vst v1;
	v1 =	vshrl.u32 v2, $0xE  }
0x66: {  	[tilespmem:$0x5070] =	vst v1;
	v1 =	vand.u32 $0x3FFF, v2  }
0x67: {  	s0 =	simm.s32 $0x5000;
	[tilespmem:$0x51F0] =	vst v1  }
0x68: {  	[tilespmem:s24], [sflag:$0x2] =	stream.indirect.gather [spmem:s3], $0x40, s0, s21, $0xb8;
	[tilespmem:$0x1EEC0] =	vst v63  }
0x69: {  	_ =	swait.ge [sflag:s18], $0x2000  }
0x6a: {  	[sflag:s18] =	ssyncset.done $0x0  }
0x6b: {  	s22 =	simm.s32 $0x5100;
	[sflag:s18] =	ssyncadd.s32 $0xFFFFE000  }
0x6c: {  	[spmem:s2] =	stream.indirect.scatter.add.f32 [tilespmem:s14], [sflag:$0x4], $0x40, s22, s25, $0xb8;
	[tilespmem:$0x1EEC0] =	vst v63  }
0x6d: {  	s26 =	simm.s32 $0x5140;
	s16 =	simm.s32 $0x6280  }
0x6e: {  	[spmem:s2] =	stream.indirect.scatter.add.f32 [tilespmem:s16], [sflag:$0x5], $0x40, s26, s25, $0xb8;
	[tilespmem:$0x1EEC0] =	vst v63  }
0x6f: {  	v1 =	vld [tilespmem:$0x100];
	_ =	sdelay $0x1  }
0x70: {  	v2 =	vld [tilespmem:$0x110];
	_ =	sdelay $0x1  }
0x71: {  	v3 =	vld [tilespmem:$0x120]  }
0x72: {  	v58 =	vshrl.u32 v1, $0xE  }
0x73: {  	v59 =	vld [tilespmem:$0x130];
	v1 =	vand.u32 $0x3FFF, v1;
	[tilespmem:$0x5080] =	vst v58  }
0x74: {  	[tilespmem:$0x5200] =	vst v1;
	v1 =	vshrl.u32 v2, $0xE  }
0x75: {  	[tilespmem:$0x5090] =	vst v1;
	v1 =	vand.u32 $0x3FFF, v2;
	v2 =	vld [tilespmem:$0x140]  }
0x76: {  	[tilespmem:$0x5210] =	vst v1;
	v1 =	vshrl.u32 v3, $0xE  }
0x77: {  	[tilespmem:$0x50A0] =	vst v1;
	v1 =	vand.u32 $0x3FFF, v3;
	v3 =	vld [tilespmem:$0x150]  }
0x78: {  	[tilespmem:$0x5220] =	vst v1;
	v1 =	vshrl.u32 v59, $0xE  }
0x79: {  	v60 =	vld [tilespmem:$0x160];
	[tilespmem:$0x50B0] =	vst v1;
	v1 =	vand.u32 $0x3FFF, v59  }
0x7a: {  	[tilespmem:$0x5230] =	vst v1;
	v1 =	vshrl.u32 v2, $0xE  }
0x7b: {  	[tilespmem:$0x50C0] =	vst v1;
	v1 =	vand.u32 $0x3FFF, v2;
	v2 =	vld [tilespmem:$0x170]  }
0x7c: {  	[tilespmem:$0x5240] =	vst v1;
	v1 =	vshrl.u32 v3, $0xE  }
0x7d: {  	[tilespmem:$0x50D0] =	vst v1;
	v1 =	vand.u32 $0x3FFF, v3  }
0x7e: {  	[tilespmem:$0x5250] =	vst v1;
	v1 =	vshrl.u32 v60, $0xE  }
0x7f: {  	[tilespmem:$0x50E0] =	vst v1;
	v1 =	vand.u32 $0x3FFF, v60  }
0x80: {  	[tilespmem:$0x5260] =	vst v1;
	v1 =	vshrl.u32 v2, $0xE  }
0x81: {  	[tilespmem:$0x50F0] =	vst v1;
	v1 =	vand.u32 $0x3FFF, v2  }
0x82: {  	s6 =	simm.s32 $0x5080;
	[tilespmem:$0x5270] =	vst v1  }
0x83: {  	[tilespmem:s31], [sflag:$0x3] =	stream.indirect.gather [spmem:s3], $0x40, s6, s21, $0xb8;
	[tilespmem:$0x1EEC0] =	vst v63  }
0x84: {  	_ =	swait.ge [sflag:s1], $0x2000  }
0x85: {  	[sflag:s1] =	ssyncset.done $0x0  }
0x86: {  	s9 =	simm.s32 $0x5180;
	[sflag:s1] =	ssyncadd.s32 $0xFFFFE000  }
0x87: {  	[spmem:s2] =	stream.indirect.scatter.add.f32 [tilespmem:s24], [sflag:$0x6], $0x40, s9, s25, $0xb8;
	[tilespmem:$0x1EEC0] =	vst v63  }
0x88: {  	s20 =	simm.s32 $0x51C0;
	s10 =	simm.s32 $0x8280  }
0x89: {  	[spmem:s2] =	stream.indirect.scatter.add.f32 [tilespmem:s10], [sflag:$0x7], $0x40, s20, s25, $0xb8;
	[tilespmem:$0x1EEC0] =	vst v63  }
0x8a: {  	_ =	swait.ge [sflag:s7], $0x1000  }
0x8b: {  	[sflag:s7] =	ssyncset.done $0x0  }
0x8c: {  	[sflag:s7] =	ssyncadd.s32 $0xFFFFF000  }
0x8d: {  	_ =	swait.ge [sflag:s8], $0x1000  }
0x8e: {  	[sflag:s8] =	ssyncset.done $0x0  }
0x8f: {  	[sflag:s8] =	ssyncadd.s32 $0xFFFFF000  }
0x90: {  	v1 =	vld [tilespmem:$0x180];
	_ =	sdelay $0x1  }
0x91: {  	v2 =	vld [tilespmem:$0x190];
	_ =	sdelay $0x1  }
0x92: {  	v3 =	vld [tilespmem:$0x1A0]  }
0x93: {  	v61 =	vshrl.u32 v1, $0xE  }
0x94: {  	v62 =	vld [tilespmem:$0x1B0];
	v1 =	vand.u32 $0x3FFF, v1;
	[tilespmem:$0x4F80] =	vst v61  }
0x95: {  	[tilespmem:$0x5100] =	vst v1;
	v1 =	vshrl.u32 v2, $0xE  }
0x96: {  	[tilespmem:$0x4F90] =	vst v1;
	v1 =	vand.u32 $0x3FFF, v2;
	v2 =	vld [tilespmem:$0x1C0]  }
0x97: {  	[tilespmem:$0x5110] =	vst v1;
	v1 =	vshrl.u32 v3, $0xE  }
0x98: {  	[tilespmem:$0x4FA0] =	vst v1;
	v1 =	vand.u32 $0x3FFF, v3;
	v3 =	vld [tilespmem:$0x1D0]  }
0x99: {  	[tilespmem:$0x5120] =	vst v1;
	v1 =	vshrl.u32 v62, $0xE  }
0x9a: {  	v63 =	vld [tilespmem:$0x1E0];
	[tilespmem:$0x4FB0] =	vst v1;
	v1 =	vand.u32 $0x3FFF, v62  }
0x9b: {  	[tilespmem:$0x5130] =	vst v1;
	v1 =	vshrl.u32 v2, $0xE  }
0x9c: {  	[tilespmem:$0x4FC0] =	vst v1;
	v1 =	vand.u32 $0x3FFF, v2;
	v2 =	vld [tilespmem:$0x1F0]  }
0x9d: {  	[tilespmem:$0x5140] =	vst v1;
	v1 =	vshrl.u32 v3, $0xE  }
0x9e: {  	[tilespmem:$0x4FD0] =	vst v1;
	v1 =	vand.u32 $0x3FFF, v3  }
0x9f: {  	[tilespmem:$0x5150] =	vst v1;
	v1 =	vshrl.u32 v63, $0xE  }
0xa0: {  	[tilespmem:$0x4FE0] =	vst v1;
	v1 =	vand.u32 $0x3FFF, v63  }
0xa1: {  	[tilespmem:$0x5160] =	vst v1;
	v1 =	vshrl.u32 v2, $0xE  }
0xa2: {  	[tilespmem:$0x4FF0] =	vst v1;
	v1 =	vand.u32 $0x3FFF, v2  }
0xa3: {  	[tilespmem:$0x5170] =	vst v1  }
0xa4: {  	[tilespmem:s14], [sflag:$0x1] =	stream.indirect.gather [spmem:s3], $0x40, s15, s21, $0xb8;
	[tilespmem:$0x1EEC0] =	vst v63  }
0xa5: {  	s15 =	simm.s32 $0x3  }
0xa6: {  	_ =	swait.ge [sflag:s15], $0x2000  }
0xa7: {  	[sflag:s15] =	ssyncset.done $0x0  }
0xa8: {  	s20 =	simm.s32 $0x5200;
	[sflag:s15] =	ssyncadd.s32 $0xFFFFE000  }
0xa9: {  	[spmem:s2] =	stream.indirect.scatter.add.f32 [tilespmem:s31], [sflag:$0x8], $0x40, s20, s25, $0xb8;
	[tilespmem:$0x1EEC0] =	vst v63  }
0xaa: {  	s10 =	simm.s32 $0x5240  }
0xab: {  	[spmem:s2] =	stream.indirect.scatter.add.f32 [tilespmem:s23], [sflag:$0x9], $0x40, s10, s25, $0xb8;
	[tilespmem:$0x1EEC0] =	vst v63  }
0xac: {  	_ =	swait.ge [sflag:s11], $0x1000  }
0xad: {  	[sflag:s11] =	ssyncset.done $0x0  }
0xae: {  	[sflag:s11] =	ssyncadd.s32 $0xFFFFF000  }
0xaf: {  	_ =	swait.ge [sflag:s12], $0x1000  }
0xb0: {  	[sflag:s12] =	ssyncset.done $0x0  }
0xb1: {  	s5 =	simm.s32 $0x2F0;
	[sflag:s12] =	ssyncadd.s32 $0xFFFFF000  }
0xb2: {  	v1 =	vld [tilespmem:s5+$0xFFFFFF10];
	_ =	sdelay $0x4  }
0xb3: {  	v2 =	vshrl.u32 v1, $0xE  }
0xb4: {  	v1 =	vand.u32 $0x3FFF, v1;
	[tilespmem:$0x5000] =	vst v2  }
0xb5: {  	[tilespmem:$0x5180] =	vst v1  }
0xb6: {  	v1 =	vld [tilespmem:s5+$0xFFFFFF20];
	_ =	sdelay $0x4  }
0xb7: {  	v2 =	vshrl.u32 v1, $0xE  }
0xb8: {  	v1 =	vand.u32 $0x3FFF, v1;
	[tilespmem:$0x5010] =	vst v2  }
0xb9: {  	[tilespmem:$0x5190] =	vst v1  }
0xba: {  	v1 =	vld [tilespmem:s5+$0xFFFFFF30];
	_ =	sdelay $0x4  }
0xbb: {  	v2 =	vshrl.u32 v1, $0xE  }
0xbc: {  	v1 =	vand.u32 $0x3FFF, v1;
	[tilespmem:$0x5020] =	vst v2  }
0xbd: {  	[tilespmem:$0x51A0] =	vst v1  }
0xbe: {  	v1 =	vld [tilespmem:s5+$0xFFFFFF40];
	_ =	sdelay $0x4  }
0xbf: {  	v2 =	vshrl.u32 v1, $0xE  }
0xc0: {  	v1 =	vand.u32 $0x3FFF, v1;
	[tilespmem:$0x5030] =	vst v2  }
0xc1: {  	[tilespmem:$0x51B0] =	vst v1  }
0xc2: {  	v1 =	vld [tilespmem:s5+$0xFFFFFF50];
	_ =	sdelay $0x4  }
0xc3: {  	v2 =	vshrl.u32 v1, $0xE  }
0xc4: {  	v1 =	vand.u32 $0x3FFF, v1;
	[tilespmem:$0x5040] =	vst v2  }
0xc5: {  	[tilespmem:$0x51C0] =	vst v1  }
0xc6: {  	v1 =	vld [tilespmem:s5+$0xFFFFFF60];
	_ =	sdelay $0x4  }
0xc7: {  	v2 =	vshrl.u32 v1, $0xE  }
0xc8: {  	v1 =	vand.u32 $0x3FFF, v1;
	[tilespmem:$0x5050] =	vst v2  }
0xc9: {  	[tilespmem:$0x51D0] =	vst v1  }
0xca: {  	v1 =	vld [tilespmem:s5+$0xFFFFFF70];
	_ =	sdelay $0x4  }
0xcb: {  	v2 =	vshrl.u32 v1, $0xE  }
0xcc: {  	v1 =	vand.u32 $0x3FFF, v1;
	[tilespmem:$0x5060] =	vst v2  }
0xcd: {  	[tilespmem:$0x51E0] =	vst v1  }
0xce: {  	v1 =	vld [tilespmem:s5+$0xFFFFFF80];
	_ =	sdelay $0x4  }
0xcf: {  	v2 =	vshrl.u32 v1, $0xE  }
0xd0: {  	v1 =	vand.u32 $0x3FFF, v1;
	[tilespmem:$0x5070] =	vst v2  }
0xd1: {  	[tilespmem:$0x51F0] =	vst v1  }
0xd2: {  	[tilespmem:s24], [sflag:$0x2] =	stream.indirect.gather [spmem:s3], $0x40, s0, s21, $0xb8;
	[tilespmem:$0x1EEC0] =	vst v63  }
0xd3: {  	_ =	swait.ge [sflag:s18], $0x2000  }
0xd4: {  	[sflag:s18] =	ssyncset.done $0x0  }
0xd5: {  	[sflag:s18] =	ssyncadd.s32 $0xFFFFE000  }
0xd6: {  	[spmem:s2] =	stream.indirect.scatter.add.f32 [tilespmem:s14], [sflag:$0x4], $0x40, s22, s25, $0xb8;
	[tilespmem:$0x1EEC0] =	vst v63  }
0xd7: {  	_ = 	snop  }
0xd8: {  	[spmem:s2] =	stream.indirect.scatter.add.f32 [tilespmem:s16], [sflag:$0x5], $0x40, s26, s25, $0xb8;
	[tilespmem:$0x1EEC0] =	vst v63  }
0xd9: {  	_ =	swait.ge [sflag:s19], $0x1000  }
0xda: {  	[sflag:s19] =	ssyncset.done $0x0  }
0xdb: {  	[sflag:s19] =	ssyncadd.s32 $0xFFFFF000  }
0xdc: {  	_ =	swait.ge [sflag:s13], $0x1000  }
0xdd: {  	[sflag:s13] =	ssyncset.done $0x0  }
0xde: {  	[sflag:s13] =	ssyncadd.s32 $0xFFFFF000  }
0xdf: {  	v1 =	vld [tilespmem:s5+$0xFFFFFF90];
	_ =	sdelay $0x4  }
0xe0: {  	v2 =	vshrl.u32 v1, $0xE  }
0xe1: {  	v1 =	vand.u32 $0x3FFF, v1;
	[tilespmem:$0x5080] =	vst v2  }
0xe2: {  	[tilespmem:$0x5200] =	vst v1  }
0xe3: {  	v1 =	vld [tilespmem:s5+$0xFFFFFFA0];
	_ =	sdelay $0x4  }
0xe4: {  	v2 =	vshrl.u32 v1, $0xE  }
0xe5: {  	v1 =	vand.u32 $0x3FFF, v1;
	[tilespmem:$0x5090] =	vst v2  }
0xe6: {  	[tilespmem:$0x5210] =	vst v1  }
0xe7: {  	v1 =	vld [tilespmem:s5+$0xFFFFFFB0];
	_ =	sdelay $0x4  }
0xe8: {  	v2 =	vshrl.u32 v1, $0xE  }
0xe9: {  	v1 =	vand.u32 $0x3FFF, v1;
	[tilespmem:$0x50A0] =	vst v2  }
0xea: {  	[tilespmem:$0x5220] =	vst v1  }
0xeb: {  	v1 =	vld [tilespmem:s5+$0xFFFFFFC0];
	_ =	sdelay $0x4  }
0xec: {  	v2 =	vshrl.u32 v1, $0xE  }
0xed: {  	v1 =	vand.u32 $0x3FFF, v1;
	[tilespmem:$0x50B0] =	vst v2  }
0xee: {  	[tilespmem:$0x5230] =	vst v1  }
0xef: {  	v1 =	vld [tilespmem:s5+$0xFFFFFFD0];
	_ =	sdelay $0x4  }
0xf0: {  	v2 =	vshrl.u32 v1, $0xE  }
0xf1: {  	v1 =	vand.u32 $0x3FFF, v1;
	[tilespmem:$0x50C0] =	vst v2  }
0xf2: {  	[tilespmem:$0x5240] =	vst v1  }
0xf3: {  	v1 =	vld [tilespmem:s5+$0xFFFFFFE0];
	_ =	sdelay $0x4  }
0xf4: {  	v2 =	vshrl.u32 v1, $0xE  }
0xf5: {  	v1 =	vand.u32 $0x3FFF, v1;
	[tilespmem:$0x50D0] =	vst v2  }
0xf6: {  	[tilespmem:$0x5250] =	vst v1  }
0xf7: {  	v1 =	vld [tilespmem:s5+$0xFFFFFFF0];
	_ =	sdelay $0x4  }
0xf8: {  	v2 =	vshrl.u32 v1, $0xE  }
0xf9: {  	v1 =	vand.u32 $0x3FFF, v1;
	[tilespmem:$0x50E0] =	vst v2  }
0xfa: {  	[tilespmem:$0x5260] =	vst v1  }
0xfb: {  	v1 =	vld [tilespmem:s5+$0x0];
	_ =	sdelay $0x4  }
0xfc: {  	v2 =	vshrl.u32 v1, $0xE  }
0xfd: {  	v1 =	vand.u32 $0x3FFF, v1;
	[tilespmem:$0x50F0] =	vst v2  }
0xfe: {  	[tilespmem:$0x5270] =	vst v1  }
0xff: {  	[tilespmem:s31], [sflag:$0x3] =	stream.indirect.gather [spmem:s3], $0x40, s6, s21, $0xb8;
	[tilespmem:$0x1EEC0] =	vst v63  }
0x100: {  	_ =	swait.ge [sflag:s1], $0x2000  }
0x101: {  	[sflag:s1] =	ssyncset.done $0x0  }
0x102: {  	[sflag:s1] =	ssyncadd.s32 $0xFFFFE000  }
0x103: {  	[spmem:s2] =	stream.indirect.scatter.add.f32 [tilespmem:s24], [sflag:$0x6], $0x40, s9, s25, $0xb8;
	[tilespmem:$0x1EEC0] =	vst v63  }
0x104: {  	s22 =	simm.s32 $0x51C0;
	s16 =	simm.s32 $0x8280  }
0x105: {  	[spmem:s2] =	stream.indirect.scatter.add.f32 [tilespmem:s16], [sflag:$0x7], $0x40, s22, s25, $0xb8;
	[tilespmem:$0x1EEC0] =	vst v63  }
0x106: {  	_ =	swait.ge [sflag:s7], $0x1000  }
0x107: {  	[sflag:s7] =	ssyncset.done $0x0  }
0x108: {  	[sflag:s7] =	ssyncadd.s32 $0xFFFFF000  }
0x109: {  	_ =	swait.ge [sflag:s8], $0x1000  }
0x10a: {  	s15 =	smin.u32 s15, $0x9B;
	[sflag:s8] =	ssyncset.done $0x0  }
0x10b: {  	s22 =	sshll.u32 s15, $0x7;
	[sflag:s8] =	ssyncadd.s32 $0xFFFFF000  }
0x10c: {  	v1 =	vld [tilespmem:s22+$0x180];
	_ =	sdelay $0x4  }
0x10d: {  	v2 =	vshrl.u32 v1, $0xE  }
0x10e: {  	v1 =	vand.u32 $0x3FFF, v1;
	[tilespmem:$0x4F80] =	vst v2  }
0x10f: {  	[tilespmem:$0x5100] =	vst v1  }
0x110: {  	v1 =	vld [tilespmem:s22+$0x190];
	_ =	sdelay $0x4  }
0x111: {  	v2 =	vshrl.u32 v1, $0xE  }
0x112: {  	v1 =	vand.u32 $0x3FFF, v1;
	[tilespmem:$0x4F90] =	vst v2  }
0x113: {  	[tilespmem:$0x5110] =	vst v1  }
0x114: {  	v1 =	vld [tilespmem:s22+$0x1A0];
	_ =	sdelay $0x4  }
0x115: {  	v2 =	vshrl.u32 v1, $0xE  }
0x116: {  	v1 =	vand.u32 $0x3FFF, v1;
	[tilespmem:$0x4FA0] =	vst v2  }
0x117: {  	[tilespmem:$0x5120] =	vst v1  }
0x118: {  	v1 =	vld [tilespmem:s22+$0x1B0];
	_ =	sdelay $0x4  }
0x119: {  	v2 =	vshrl.u32 v1, $0xE  }
0x11a: {  	v1 =	vand.u32 $0x3FFF, v1;
	[tilespmem:$0x4FB0] =	vst v2  }
0x11b: {  	[tilespmem:$0x5130] =	vst v1  }
0x11c: {  	v1 =	vld [tilespmem:s22+$0x1C0];
	_ =	sdelay $0x4  }
0x11d: {  	v2 =	vshrl.u32 v1, $0xE  }
0x11e: {  	v1 =	vand.u32 $0x3FFF, v1;
	[tilespmem:$0x4FC0] =	vst v2  }
0x11f: {  	[tilespmem:$0x5140] =	vst v1  }
0x120: {  	v1 =	vld [tilespmem:s22+$0x1D0];
	_ =	sdelay $0x3  }
0x121: {  	s4 =	simm.s32 $0x5080;
	s0 =	simm.s32 $0x6280;
	s26 =	simm.s32 $0x8280  }
0x122: {  	s6 =	simm.s32 $0x5180;
	s9 =	simm.s32 $0x51C0;
	s16 =	simm.s32 $0x6;
	v2 =	vshrl.u32 v1, $0xE;
	v1 =	vand.u32 $0x3FFF, v1  }
.LBB2_4:
0x123: {  	p0 =	sne.s32 s16, $0x9C  }
0x124: {  	[tilespmem:$0x4FD0] =	vst v2;
	s5 =	sadd.s32 $0x180, s5;
	s15 =	smov.u32 s16;
	s16 =	sadd.s32 $0x3, s16  }
0x125: {  	[tilespmem:$0x5150] =	vst v1  }
0x126: {  	v1 =	vld [tilespmem:s22+$0x1E0];
	_ =	sdelay $0x4  }
0x127: {  	v2 =	vshrl.u32 v1, $0xE;
	v1 =	vand.u32 $0x3FFF, v1  }
0x128: {  	[tilespmem:$0x4FE0] =	vst v2  }
0x129: {  	[tilespmem:$0x5160] =	vst v1  }
0x12a: {  	v1 =	vld [tilespmem:s22+$0x1F0];
	_ =	sdelay $0x4  }
0x12b: {  	v2 =	vshrl.u32 v1, $0xE;
	v1 =	vand.u32 $0x3FFF, v1  }
0x12c: {  	[tilespmem:$0x4FF0] =	vst v2  }
0x12d: {  	s22 =	simm.s32 $0x4F80;
	[tilespmem:$0x5170] =	vst v1  }
0x12e: {  	[tilespmem:s14], [sflag:$0x1] =	stream.indirect.gather [spmem:s3], $0x40, s22, s21, $0xb8;
	[tilespmem:$0x1EEC0] =	vst v63  }
0x12f: {  	_ =	swait.ge [sflag:s17], $0x2000  }
0x130: {  	[sflag:s17] =	ssyncset.done $0x0  }
0x131: {  	[sflag:s17] =	ssyncadd.s32 $0xFFFFE000  }
0x132: {  	[spmem:s2] =	stream.indirect.scatter.add.f32 [tilespmem:s31], [sflag:$0x8], $0x40, s20, s25, $0xb8;
	[tilespmem:$0x1EEC0] =	vst v63  }
0x133: {  	_ = 	snop  }
0x134: {  	[spmem:s2] =	stream.indirect.scatter.add.f32 [tilespmem:s23], [sflag:$0x9], $0x40, s10, s25, $0xb8;
	[tilespmem:$0x1EEC0] =	vst v63  }
0x135: {  	_ =	swait.ge [sflag:s11], $0x1000  }
0x136: {  	[sflag:s11] =	ssyncset.done $0x0  }
0x137: {  	[sflag:s11] =	ssyncadd.s32 $0xFFFFF000  }
0x138: {  	_ =	swait.ge [sflag:s12], $0x1000  }
0x139: {  	[sflag:s12] =	ssyncset.done $0x0  }
0x13a: {  	[sflag:s12] =	ssyncadd.s32 $0xFFFFF000  }
0x13b: {  	v1 =	vld [tilespmem:s5+$0xFFFFFF10];
	_ =	sdelay $0x4  }
0x13c: {  	v2 =	vshrl.u32 v1, $0xE;
	v1 =	vand.u32 $0x3FFF, v1  }
0x13d: {  	[tilespmem:$0x5000] =	vst v2  }
0x13e: {  	[tilespmem:$0x5180] =	vst v1  }
0x13f: {  	v1 =	vld [tilespmem:s5+$0xFFFFFF20];
	_ =	sdelay $0x4  }
0x140: {  	v2 =	vshrl.u32 v1, $0xE;
	v1 =	vand.u32 $0x3FFF, v1  }
0x141: {  	[tilespmem:$0x5010] =	vst v2  }
0x142: {  	[tilespmem:$0x5190] =	vst v1  }
0x143: {  	v1 =	vld [tilespmem:s5+$0xFFFFFF30];
	_ =	sdelay $0x4  }
0x144: {  	v2 =	vshrl.u32 v1, $0xE;
	v1 =	vand.u32 $0x3FFF, v1  }
0x145: {  	[tilespmem:$0x5020] =	vst v2  }
0x146: {  	[tilespmem:$0x51A0] =	vst v1  }
0x147: {  	v1 =	vld [tilespmem:s5+$0xFFFFFF40];
	_ =	sdelay $0x4  }
0x148: {  	v2 =	vshrl.u32 v1, $0xE;
	v1 =	vand.u32 $0x3FFF, v1  }
0x149: {  	[tilespmem:$0x5030] =	vst v2  }
0x14a: {  	[tilespmem:$0x51B0] =	vst v1  }
0x14b: {  	v1 =	vld [tilespmem:s5+$0xFFFFFF50];
	_ =	sdelay $0x4  }
0x14c: {  	v2 =	vshrl.u32 v1, $0xE;
	v1 =	vand.u32 $0x3FFF, v1  }
0x14d: {  	[tilespmem:$0x5040] =	vst v2  }
0x14e: {  	[tilespmem:$0x51C0] =	vst v1  }
0x14f: {  	v1 =	vld [tilespmem:s5+$0xFFFFFF60];
	_ =	sdelay $0x4  }
0x150: {  	v2 =	vshrl.u32 v1, $0xE;
	v1 =	vand.u32 $0x3FFF, v1  }
0x151: {  	[tilespmem:$0x5050] =	vst v2  }
0x152: {  	[tilespmem:$0x51D0] =	vst v1  }
0x153: {  	v1 =	vld [tilespmem:s5+$0xFFFFFF70];
	_ =	sdelay $0x4  }
0x154: {  	v2 =	vshrl.u32 v1, $0xE;
	v1 =	vand.u32 $0x3FFF, v1  }
0x155: {  	[tilespmem:$0x5060] =	vst v2  }
0x156: {  	[tilespmem:$0x51E0] =	vst v1  }
0x157: {  	v1 =	vld [tilespmem:s5+$0xFFFFFF80];
	_ =	sdelay $0x4  }
0x158: {  	v2 =	vshrl.u32 v1, $0xE;
	v1 =	vand.u32 $0x3FFF, v1  }
0x159: {  	[tilespmem:$0x5070] =	vst v2  }
0x15a: {  	[tilespmem:$0x51F0] =	vst v1  }
0x15b: {  	[tilespmem:s24], [sflag:$0x2] =	stream.indirect.gather [spmem:s3], $0x40, s28, s21, $0xb8;
	[tilespmem:$0x1EEC0] =	vst v63  }
0x15c: {  	_ =	swait.ge [sflag:s18], $0x2000  }
0x15d: {  	[sflag:s18] =	ssyncset.done $0x0  }
0x15e: {  	[sflag:s18] =	ssyncadd.s32 $0xFFFFE000  }
0x15f: {  	[spmem:s2] =	stream.indirect.scatter.add.f32 [tilespmem:s14], [sflag:$0x4], $0x40, s29, s25, $0xb8;
	[tilespmem:$0x1EEC0] =	vst v63  }
0x160: {  	_ = 	snop  }
0x161: {  	[spmem:s2] =	stream.indirect.scatter.add.f32 [tilespmem:s0], [sflag:$0x5], $0x40, s30, s25, $0xb8;
	[tilespmem:$0x1EEC0] =	vst v63  }
0x162: {  	_ =	swait.ge [sflag:s19], $0x1000  }
0x163: {  	[sflag:s19] =	ssyncset.done $0x0  }
0x164: {  	[sflag:s19] =	ssyncadd.s32 $0xFFFFF000  }
0x165: {  	_ =	swait.ge [sflag:s13], $0x1000  }
0x166: {  	[sflag:s13] =	ssyncset.done $0x0  }
0x167: {  	[sflag:s13] =	ssyncadd.s32 $0xFFFFF000  }
0x168: {  	v1 =	vld [tilespmem:s5+$0xFFFFFF90];
	_ =	sdelay $0x4  }
0x169: {  	v2 =	vshrl.u32 v1, $0xE;
	v1 =	vand.u32 $0x3FFF, v1  }
0x16a: {  	[tilespmem:$0x5080] =	vst v2  }
0x16b: {  	[tilespmem:$0x5200] =	vst v1  }
0x16c: {  	v1 =	vld [tilespmem:s5+$0xFFFFFFA0];
	_ =	sdelay $0x4  }
0x16d: {  	v2 =	vshrl.u32 v1, $0xE;
	v1 =	vand.u32 $0x3FFF, v1  }
0x16e: {  	[tilespmem:$0x5090] =	vst v2  }
0x16f: {  	[tilespmem:$0x5210] =	vst v1  }
0x170: {  	v1 =	vld [tilespmem:s5+$0xFFFFFFB0];
	_ =	sdelay $0x4  }
0x171: {  	v2 =	vshrl.u32 v1, $0xE;
	v1 =	vand.u32 $0x3FFF, v1  }
0x172: {  	[tilespmem:$0x50A0] =	vst v2  }
0x173: {  	[tilespmem:$0x5220] =	vst v1  }
0x174: {  	v1 =	vld [tilespmem:s5+$0xFFFFFFC0];
	_ =	sdelay $0x4  }
0x175: {  	v2 =	vshrl.u32 v1, $0xE;
	v1 =	vand.u32 $0x3FFF, v1  }
0x176: {  	[tilespmem:$0x50B0] =	vst v2  }
0x177: {  	[tilespmem:$0x5230] =	vst v1  }
0x178: {  	v1 =	vld [tilespmem:s5+$0xFFFFFFD0];
	_ =	sdelay $0x4  }
0x179: {  	v2 =	vshrl.u32 v1, $0xE;
	v1 =	vand.u32 $0x3FFF, v1  }
0x17a: {  	[tilespmem:$0x50C0] =	vst v2  }
0x17b: {  	[tilespmem:$0x5240] =	vst v1  }
0x17c: {  	v1 =	vld [tilespmem:s5+$0xFFFFFFE0];
	_ =	sdelay $0x4  }
0x17d: {  	v2 =	vshrl.u32 v1, $0xE;
	v1 =	vand.u32 $0x3FFF, v1  }
0x17e: {  	[tilespmem:$0x50D0] =	vst v2  }
0x17f: {  	[tilespmem:$0x5250] =	vst v1  }
0x180: {  	v1 =	vld [tilespmem:s5+$0xFFFFFFF0];
	_ =	sdelay $0x4  }
0x181: {  	v2 =	vshrl.u32 v1, $0xE;
	v1 =	vand.u32 $0x3FFF, v1  }
0x182: {  	[tilespmem:$0x50E0] =	vst v2  }
0x183: {  	[tilespmem:$0x5260] =	vst v1  }
0x184: {  	v1 =	vld [tilespmem:s5+$0x0];
	_ =	sdelay $0x2  }
0x185: {  	s15 =	smin.u32 s15, $0x9B  }
0x186: {  	s22 =	sshll.u32 s15, $0x7  }
0x187: {  	v2 =	vshrl.u32 v1, $0xE;
	v1 =	vand.u32 $0x3FFF, v1  }
0x188: {  	[tilespmem:$0x50F0] =	vst v2  }
0x189: {  	[tilespmem:$0x5270] =	vst v1  }
0x18a: {  	[tilespmem:s31], [sflag:$0x3] =	stream.indirect.gather [spmem:s3], $0x40, s4, s21, $0xb8;
	[tilespmem:$0x1EEC0] =	vst v63  }
0x18b: {  	_ =	swait.ge [sflag:s1], $0x2000  }
0x18c: {  	[sflag:s1] =	ssyncset.done $0x0  }
0x18d: {  	[sflag:s1] =	ssyncadd.s32 $0xFFFFE000  }
0x18e: {  	[spmem:s2] =	stream.indirect.scatter.add.f32 [tilespmem:s24], [sflag:$0x6], $0x40, s6, s25, $0xb8;
	[tilespmem:$0x1EEC0] =	vst v63  }
0x18f: {  	_ = 	snop  }
0x190: {  	[spmem:s2] =	stream.indirect.scatter.add.f32 [tilespmem:s26], [sflag:$0x7], $0x40, s9, s25, $0xb8;
	[tilespmem:$0x1EEC0] =	vst v63  }
0x191: {  	_ =	swait.ge [sflag:s7], $0x1000  }
0x192: {  	[sflag:s7] =	ssyncset.done $0x0  }
0x193: {  	[sflag:s7] =	ssyncadd.s32 $0xFFFFF000  }
0x194: {  	_ =	swait.ge [sflag:s8], $0x1000  }
0x195: {  	[sflag:s8] =	ssyncset.done $0x0  }
0x196: {  	[sflag:s8] =	ssyncadd.s32 $0xFFFFF000  }
0x197: {  	v1 =	vld [tilespmem:s22+$0x180];
	_ =	sdelay $0x4  }
0x198: {  	v2 =	vshrl.u32 v1, $0xE;
	v1 =	vand.u32 $0x3FFF, v1  }
0x199: {  	[tilespmem:$0x4F80] =	vst v2  }
0x19a: {  	[tilespmem:$0x5100] =	vst v1  }
0x19b: {  	v1 =	vld [tilespmem:s22+$0x190];
	_ =	sdelay $0x4  }
0x19c: {  	v2 =	vshrl.u32 v1, $0xE;
	v1 =	vand.u32 $0x3FFF, v1  }
0x19d: {  	[tilespmem:$0x4F90] =	vst v2  }
0x19e: {  	[tilespmem:$0x5110] =	vst v1  }
0x19f: {  	v1 =	vld [tilespmem:s22+$0x1A0];
	_ =	sdelay $0x4  }
0x1a0: {  	v2 =	vshrl.u32 v1, $0xE;
	v1 =	vand.u32 $0x3FFF, v1  }
0x1a1: {  	[tilespmem:$0x4FA0] =	vst v2  }
0x1a2: {  	[tilespmem:$0x5120] =	vst v1  }
0x1a3: {  	v1 =	vld [tilespmem:s22+$0x1B0];
	_ =	sdelay $0x4  }
0x1a4: {  	v2 =	vshrl.u32 v1, $0xE;
	v1 =	vand.u32 $0x3FFF, v1  }
0x1a5: {  	[tilespmem:$0x4FB0] =	vst v2  }
0x1a6: {  	[tilespmem:$0x5130] =	vst v1  }
0x1a7: {  	v1 =	vld [tilespmem:s22+$0x1C0];
	_ =	sdelay $0x4  }
0x1a8: {  	v2 =	vshrl.u32 v1, $0xE;
	v1 =	vand.u32 $0x3FFF, v1  }
0x1a9: {  	[tilespmem:$0x4FC0] =	vst v2  }
0x1aa: {  	[tilespmem:$0x5140] =	vst v1  }
0x1ab: {  	v1 =	vld [tilespmem:s22+$0x1D0]  }
.Ltmp1:
0x1ac: {  	(pc) =	sbr.rel @p0 .LBB2_4-.Ltmp1, $2  }
0x1ad: {  	_ =	sdelay $0x2  }
0x1ae: {  	v2 =	vshrl.u32 v1, $0xE;
	v1 =	vand.u32 $0x3FFF, v1  }
0x1af: {  	[tilespmem:$0x4FD0] =	vst v2  }
0x1b0: {  	[tilespmem:$0x5150] =	vst v1  }
0x1b1: {  	v1 =	vld [tilespmem:s22+$0x1E0];
	_ =	sdelay $0x4  }
0x1b2: {  	v2 =	vshrl.u32 v1, $0xE  }
0x1b3: {  	v1 =	vand.u32 $0x3FFF, v1;
	[tilespmem:$0x4FE0] =	vst v2  }
0x1b4: {  	[tilespmem:$0x5160] =	vst v1  }
0x1b5: {  	v1 =	vld [tilespmem:s22+$0x1F0];
	_ =	sdelay $0x4  }
0x1b6: {  	v2 =	vshrl.u32 v1, $0xE  }
0x1b7: {  	v1 =	vand.u32 $0x3FFF, v1;
	[tilespmem:$0x4FF0] =	vst v2  }
0x1b8: {  	s0 =	simm.s32 $0x4F80;
	[tilespmem:$0x5170] =	vst v1  }
0x1b9: {  	[tilespmem:s14], [sflag:$0x1] =	stream.indirect.gather [spmem:s3], $0x40, s0, s21, $0xb8;
	[tilespmem:$0x1EEC0] =	vst v63  }
0x1ba: {  	_ =	swait.ge [sflag:s17], $0x2000  }
0x1bb: {  	[sflag:s17] =	ssyncset.done $0x0  }
0x1bc: {  	[sflag:s17] =	ssyncadd.s32 $0xFFFFE000  }
0x1bd: {  	[spmem:s2] =	stream.indirect.scatter.add.f32 [tilespmem:s31], [sflag:$0x8], $0x40, s20, s25, $0xb8;
	[tilespmem:$0x1EEC0] =	vst v63  }
0x1be: {  	_ = 	snop  }
0x1bf: {  	[spmem:s2] =	stream.indirect.scatter.add.f32 [tilespmem:s23], [sflag:$0x9], $0x40, s10, s25, $0xb8;
	[tilespmem:$0x1EEC0] =	vst v63  }
0x1c0: {  	_ =	swait.ge [sflag:s18], $0x2000  }
0x1c1: {  	[sflag:s18] =	ssyncset.done $0x0  }
0x1c2: {  	[sflag:s18] =	ssyncadd.s32 $0xFFFFE000  }
0x1c3: {  	_ =	swait.ge [sflag:s11], $0x1000  }
0x1c4: {  	[sflag:s11] =	ssyncset.done $0x0  }
0x1c5: {  	[sflag:s11] =	ssyncadd.s32 $0xFFFFF000  }
0x1c6: {  	_ =	swait.ge [sflag:s12], $0x1000  }
0x1c7: {  	[sflag:s12] =	ssyncset.done $0x0  }
0x1c8: {  	[sflag:s12] =	ssyncadd.s32 $0xFFFFF000  }
0x1c9: {  	_ =	swait.ge [sflag:s19], $0x1000  }
0x1ca: {  	[sflag:s19] =	ssyncset.done $0x0  }
0x1cb: {  	[sflag:s19] =	ssyncadd.s32 $0xFFFFF000  }
0x1cc: {  	_ =	swait.ge [sflag:s13], $0x1000  }
0x1cd: {  	[sflag:s13] =	ssyncset.done $0x0  }
0x1ce: {  	[sflag:s13] =	ssyncadd.s32 $0xFFFFF000  }
0x1cf: {  	[bflag:$0x0] =	sbarrier.arrive $0xFFFF  }
0x1d0: {  	s20 =	rddreg [dreg:$0x6]  }
0x1d1: {  	s16 =	simm.s32 $0x10;
	s15 =	rddreg [dreg:$0xd]  }
0x1d2: {  	s4 =	simm.s32 $0xA;
	s10 =	rddreg [dreg:$0xf];
	s5 =	sshrl.u32 s20, $0x3  }
0x1d3: {  	[hbm:s15@s16], [sflag:s10] =	dma.strided [spmem:s5@s19], $0x1400, s18, $0x8   }
0x1d4: {  	_ =	swait.ge [sflag:s4], $0x1400  }
0x1d5: {  	s22 =	rddreg [dreg:$0x11]  }
0x1d6: {  	s26 =	rddreg [dreg:$0xe];
	s0 =	sadd.s32 $0x1, s22  }
0x1d7: {  	p0 =	sne.s32 s0, s26  }
.Ltmp2:
0x1d8: {  	_ = 	snop;
	(pc) =	sbr.rel @p0 .LBB2_1-.Ltmp2, $3  }
0x1d9: {  	_ =	sdelay $0x1  }
0x1da: {  	[sflag:s4] =	ssyncset.done $0x0  }
0x1db: {  	[sflag:s4] =	ssyncadd.s32 $0xFFFFEC00  }
0x1dc: {  	_ =	sfence.sel $0x180000  }
0x1dd: {  	[bflag:$0x0] =	sbarrier.arrive $0xFFFF  }
0x1de: {  	_ =	strace $0x90000047  }
0x1df: {  	s0 =	stileid.u32;
	[bflag:$0x2] =	sbarrier.arrive $0xFFFF  }
0x1e0: {  	p0 =	sne.s32 s0, $0x0;
	s0 =	rddreg [dreg:$0x5]  }
0x1e1: {  	s0 =	sadd.s32 @!p0 $0x100000, s0  }
0x1e2: {  	[sflag:s0] =	ssyncadd.tile.s32 @!p0 $0x1;
	_ =	shalt  }
.Lfunc_end2:
_tile_overlayer_lowered:
.L_overlay_start_2:
0x1e3: {  	(tag) =	ssettag $0x2  }
0x1e4: {  	s0 =	rddreg [dreg:$0x0];
	s2 =	stileid.u32  }
0x1e5: {  	s1 =	rddreg [dreg:$0x1];
	p0 =	sne.s32 s2, $0x0  }
0x1e6: {  	s3 =	rddreg [dreg:$0x2];
	[bflag:$0x3] =	sbarrier.arrive $0xFFFF;
	s2 =	simm.s32 @!p0 $0x1C0A  }
0x1e7: {  	[timem:s3], [sflag:s2] =	dma.local @!p0 [hbm:s0], s1  }
0x1e8: {  	s0 =	simm.s32 @!p0 $0xA  }
0x1e9: {  	_ =	swait.ge @!p0 [sflag:s0], s1  }
0x1ea: {  	s1 =	ssub.s32 @!p0 $0x0, s1;
	[sflag:s0] =	ssyncset.done @!p0 $0x0  }
0x1eb: {  	[sflag:s0] =	ssyncadd.s32 @!p0 s1  }
0x1ec: {  	[bflag:$0x3] =	sbarrier.arrive $0xFFFF  }
0x1ed: {  	_ =	shalt  }

</sc_bundles>
